<compile_context>
chip_gen: v7x
topology: tpu7x:2x2x1
jax: 0.10.2.dev20260603
libtpu: 0.0.44.dev20260713+nightly
codegen_flags: <defaults>
</compile_context>

<pallas_src>
import functools

import jax
import jax.numpy as jnp
from jax import lax
from jax.experimental import pallas as pl
from jax.experimental.pallas import tpu as pltpu
from jax.experimental.pallas import tpu_sc as plsc

_NUM_CORES = 2
_NUM_SUBCORES = 16
_LANES = 16
_DBLK = 256


@functools.partial(jax.jit, static_argnums=(1,))
def _one_hot_sc(x, d):
    j, b = x.shape
    nw = _NUM_CORES * _NUM_SUBCORES
    bw = b // nw
    assert b % nw == 0 and bw == 128
    nchunk = bw // _LANES
    dblocks = []
    d0 = 0
    while d0 < d:
        dblocks.append((d0, min(_DBLK, d - d0)))
        d0 += _DBLK
    nq = len(dblocks)
    assert nq % 2 == 0

    mesh = plsc.VectorSubcoreMesh(
        core_axis_name="c", subcore_axis_name="s",
        num_cores=_NUM_CORES, num_subcores=_NUM_SUBCORES)

    @functools.partial(
        pl.kernel,
        mesh=mesh,
        compiler_params=pltpu.CompilerParams(needs_layout_passes=False),
        out_type=jax.ShapeDtypeStruct((j, d, b), jnp.float32),
        scratch_types=[
            pltpu.VMEM((j, bw), jnp.int32),
            pltpu.VMEM((_DBLK, bw), jnp.float32),
            pltpu.VMEM((_DBLK, bw), jnp.float32),
            pltpu.SemaphoreType.DMA,
            pltpu.SemaphoreType.DMA,
        ],
    )
    def run(x_hbm, out_hbm, xv, slab0, slab1, sem0, sem1):
        cid = lax.axis_index("c")
        sid = lax.axis_index("s")
        wid = sid * _NUM_CORES + cid
        b0 = wid * bw

        pltpu.sync_copy(x_hbm.at[pl.ds(0, j), pl.ds(b0, bw)], xv)

        zf = jnp.zeros((_LANES,), jnp.float32)
        onef = jnp.full((_LANES,), 1.0, jnp.float32)
        lane = lax.iota(jnp.int32, _LANES)

        def zero_body(i, carry):
            r = i // (bw // _LANES)
            c = (i % (bw // _LANES)) * _LANES
            slab0[r, pl.ds(c, _LANES)] = zf
            slab1[r, pl.ds(c, _LANES)] = zf
            return carry

        lax.fori_loop(0, _DBLK * bw // _LANES, zero_body, 0)

        slabs = (slab0, slab1)
        sems = (sem0, sem1)

        def xcol(jj):
            cols = jnp.full((_LANES,), jj, jnp.int32)
            return [plsc.load_gather(xv, [cols, lane + c * _LANES])
                    for c in range(nchunk)]

        def scatter(slab, xs, dlo, dsz, val):
            for c in range(nchunk):
                xc = xs[c]
                row = xc - dlo
                mask = (xc >= dlo) & (xc < dlo + dsz)
                plsc.store_scatter(slab, [row, lane + c * _LANES],
                                   val, mask=mask)

        def dma(slab, sem, jj, dlo, dsz):
            return pltpu.async_copy(
                slab.at[pl.ds(0, dsz)],
                out_hbm.at[jj, pl.ds(dlo, dsz), pl.ds(b0, bw)], sem)

        def drain(slab, sem, jj, dlo, dsz):
            pltpu.make_async_copy(
                slab.at[pl.ds(0, dsz)],
                out_hbm.at[jj, pl.ds(dlo, dsz), pl.ds(b0, bw)], sem).wait()

        def unit(jj, q, first):
            dlo, dsz = dblocks[q]
            slab, sem = slabs[q % 2], sems[q % 2]
            qp = (q + nq - 2) % nq
            dlop, dszp = dblocks[qp]
            jjp = jj - (1 if q < 2 else 0)
            if not first:
                drain(slab, sem, jjp, dlop, dszp)
                scatter(slab, xcol(jjp), dlop, dszp, zf)
            xs = xcol(jj)
            scatter(slab, xs, dlo, dsz, onef)
            dma(slab, sem, jj, dlo, dsz)

        unit(0, 0, True)
        unit(0, 1, True)

        def jj_body(jj, carry):
            for q in range(2, nq):
                unit(jj, q, False)
            for q in range(2):
                unit(jj + 1, q, False)
            return carry

        lax.fori_loop(0, j - 1, jj_body, 0)
        for q in range(2, nq):
            unit(j - 1, q, False)

        for q in (nq - 2, nq - 1):
            dlo, dsz = dblocks[q]
            drain(slabs[q % 2], sems[q % 2], j - 1, dlo, dsz)

    return run(x)


def kernel(X_in, ones):
    d = ones.shape[0]
    out = _one_hot_sc(X_in.T, d)
    return jnp.transpose(out, (2, 1, 0))

# --- scband reference (transcript-rebuilt; emitter-appended) ---
"""Pipeline reference for scband-one-hot-16956530884734 (READ-ONLY COPY).

The authoritative reference and input builder live on the scoring server;
editing this copy changes nothing except your own understanding.
"""

import jax, jax.numpy as jnp
import numpy as np

DEPTH = 1000

def setup_inputs(seed: int = 0) -> dict:
    key = jax.random.key(seed)
    X_in = jax.random.randint(key, (4096, 50), 0, DEPTH, dtype=jnp.int32)
    ones = jnp.eye(DEPTH, dtype=jnp.float32)
    return {"X_in": X_in, "ones": ones}

def reference(X_in, ones):
    # Faithful translation of One_Hot.forward
    n_dim = X_in.ndim
    depth = ones.shape[0]
    num_element = X_in.size
    flat = X_in.reshape(num_element).astype(jnp.int32)
    out = jnp.take(ones, flat, axis=0)  # index_select on rows of eye(depth)
    out = out.reshape(X_in.shape + (depth,))
    # permute(0, -1, *range(1, n_dim)) -> move depth axis to position 1
    perm = (0, n_dim) + tuple(range(1, n_dim))
    out = jnp.transpose(out, perm)
    # squeeze(dim=2) only squeezes if that dim has size 1 (torch semantics)
    if out.ndim > 2 and out.shape[2] == 1:
        out = jnp.squeeze(out, axis=2)
    return out.astype(jnp.float32)

if __name__ == "__main__":
    import jax
    _d = setup_inputs()
    print(jax.jit(kernel)(*tuple(_d.values())))

</pallas_src>

<mosaic_0001>
#map = affine_map<(d0, d1) -> (0, 0)>
#map1 = affine_map<(d0, d1) -> (0, 0, 0)>
module attributes {stable_mosaic.version = 14 : i64} {
  func.func @run(%arg0: i32, %arg1: i32, %arg2: memref<50x4096xi32, #tpu.memory_space<hbm>>, %arg3: memref<50x1000x4096xf32, #tpu.memory_space<hbm>>, %arg4: memref<50x128xi32, #tpu.memory_space<vmem>>, %arg5: memref<256x128xf32, #tpu.memory_space<vmem>>, %arg6: memref<256x128xf32, #tpu.memory_space<vmem>>, %arg7: memref<!tpu.dma_semaphore, #tpu.memory_space<semaphore_mem>>, %arg8: memref<!tpu.dma_semaphore, #tpu.memory_space<semaphore_mem>>) attributes {dimension_semantics = [#tpu.dimension_semantics<core_parallel>, #tpu.dimension_semantics<subcore_parallel>], iteration_bounds = array<i64: 2, 16>, scalar_prefetch = 0 : i64, scratch_operands = 5 : i64, tpu.core_type = #tpu.core_type<sc_vector_subcore>, window_params = [{transform_indices = #map}, {transform_indices = #map1}]} {
    %mul3A = arith.constant 2 : i32
    %mul3A_0 = arith.muli %arg1, %mul3A : i32
    %add3A = arith.addi %mul3A_0, %arg0 : i32
    %mul3A_1 = arith.constant 128 : i32
    %mul3A_2 = arith.muli %add3A, %mul3A_1 : i32
    "tpu.region"() ({
      %run_scoped3A = tpu.sem_alloc : memref<!tpu.dma_semaphore, #tpu.memory_space<semaphore_mem>>
      %dma_start3A_942 = arith.constant 0 : i32
      %dma_start3A_943 = tpu.memref_slice %arg2[%dma_start3A_942, %mul3A_2] : memref<50x4096xi32, #tpu.memory_space<hbm>> -> memref<50x128xi32, #tpu.memory_space<hbm>>
      %dma_start3A_944 = arith.constant 0 : i32
      %dma_start3A_945 = tpu.memref_slice %arg2[%dma_start3A_944, %mul3A_2] : memref<50x4096xi32, #tpu.memory_space<hbm>> -> memref<50x128xi32, #tpu.memory_space<hbm>>
      tpu.enqueue_dma source(%dma_start3A_945 : memref<50x128xi32, #tpu.memory_space<hbm>>) target(%arg4 : memref<50x128xi32, #tpu.memory_space<vmem>>) target_semaphore(%run_scoped3A : memref<!tpu.dma_semaphore, #tpu.memory_space<semaphore_mem>>)
      %dma_wait3A_946 = arith.constant 0 : i32
      %dma_wait3A_947 = tpu.memref_slice %arg2[%dma_wait3A_946, %mul3A_2] : memref<50x4096xi32, #tpu.memory_space<hbm>> -> memref<50x128xi32, #tpu.memory_space<hbm>>
      %dma_wait3A_948 = arith.constant 0 : i32
      %dma_wait3A_949 = tpu.memref_slice %arg2[%dma_wait3A_948, %mul3A_2] : memref<50x4096xi32, #tpu.memory_space<hbm>> -> memref<50x128xi32, #tpu.memory_space<hbm>>
      tpu.wait_dma2 semaphore(%run_scoped3A : memref<!tpu.dma_semaphore, #tpu.memory_space<semaphore_mem>>) src(%dma_wait3A_949 : memref<50x128xi32, #tpu.memory_space<hbm>>) dst(%arg4 : memref<50x128xi32, #tpu.memory_space<vmem>>)
      tpu.yield
    }) : () -> ()
    %broadcast_in_dim3A = arith.constant 0.000000e+00 : f32
    %broadcast_in_dim3A_3 = vector.broadcast %broadcast_in_dim3A : f32 to vector<16xf32>
    %broadcast_in_dim3A_4 = arith.constant 1.000000e+00 : f32
    %broadcast_in_dim3A_5 = vector.broadcast %broadcast_in_dim3A_4 : f32 to vector<16xf32>
    %iota3A = tpu.iota {dimensions = array<i32: 0>} : vector<16xi32>
    %scan3A = arith.constant 0 : i32
    %scan3A_6 = arith.constant 0 : i32
    %scan3A_7 = arith.constant 2048 : i32
    %scan3A_8 = arith.addi %scan3A_6, %scan3A_7 : i32
    %scan3A_9 = arith.constant 1 : i32
    scf.for %scan3A_942 = %scan3A_6 to %scan3A_8 step %scan3A_9  : i32 {
      %jit3A = arith.constant 8 : i32
      %div3A = arith.divsi %scan3A_942, %jit3A : i32
      %sign3A = arith.constant 0 : i32
      %sign3A_943 = arith.cmpi sgt, %scan3A_942, %sign3A : i32
      %sign3A_944 = arith.extui %sign3A_943 : i1 to i32
      %sign3A_945 = arith.constant 0 : i32
      %sign3A_946 = arith.cmpi slt, %scan3A_942, %sign3A_945 : i32
      %sign3A_947 = arith.extui %sign3A_946 : i1 to i32
      %sign3A_948 = arith.subi %sign3A_944, %sign3A_947 : i32
      %sign3A_949 = arith.constant 0 : i32
      %sign3A_950 = arith.cmpi sgt, %jit3A, %sign3A_949 : i32
      %sign3A_951 = arith.extui %sign3A_950 : i1 to i32
      %sign3A_952 = arith.constant 0 : i32
      %sign3A_953 = arith.cmpi slt, %jit3A, %sign3A_952 : i32
      %sign3A_954 = arith.extui %sign3A_953 : i1 to i32
      %sign3A_955 = arith.subi %sign3A_951, %sign3A_954 : i32
      %ne3A = arith.cmpi ne, %sign3A_948, %sign3A_955 : i32
      %rem3A = arith.remsi %scan3A_942, %jit3A : i32
      %ne3A_956 = arith.constant 0 : i32
      %ne3A_957 = arith.cmpi ne, %rem3A, %ne3A_956 : i32
      %and3A_958 = arith.andi %ne3A, %ne3A_957 : i1
      %sub3A_959 = arith.constant 1 : i32
      %sub3A_960 = arith.subi %div3A, %sub3A_959 : i32
      %select_n3A = arith.select %and3A_958, %sub3A_960, %div3A : i32
      %jit3A_961 = arith.constant 8 : i32
      %eq3A = arith.constant 0 : i32
      %eq3A_962 = arith.cmpi eq, %jit3A_961, %eq3A : i32
      %jit3A_963 = arith.constant 1 : i32
      %select_n3A_964 = arith.select %eq3A_962, %jit3A_963, %jit3A_961 : i32
      %rem3A_965 = arith.remsi %scan3A_942, %select_n3A_964 : i32
      %ne3A_966 = arith.constant 0 : i32
      %ne3A_967 = arith.cmpi ne, %rem3A_965, %ne3A_966 : i32
      %lt3A_968 = arith.constant 0 : i32
      %lt3A_969 = arith.cmpi slt, %rem3A_965, %lt3A_968 : i32
      %lt3A_970 = arith.constant 0 : i32
      %lt3A_971 = arith.cmpi slt, %select_n3A_964, %lt3A_970 : i32
      %ne3A_972 = arith.xori %lt3A_969, %lt3A_971 : i1
      %and3A_973 = arith.andi %ne3A_972, %ne3A_967 : i1
      %add3A_974 = arith.addi %rem3A_965, %select_n3A_964 : i32
      %select_n3A_975 = arith.select %and3A_973, %add3A_974, %rem3A_965 : i32
      %mul3A_976 = arith.constant 16 : i32
      %mul3A_977 = arith.muli %select_n3A_975, %mul3A_976 : i32
      %swap3A = arith.index_cast %select_n3A : i32 to index
      %swap3A_978 = arith.index_cast %mul3A_977 : i32 to index
      %swap3A_979 = tpu.vector_load %arg5[%swap3A, %swap3A_978] {strides = array<i32>} : memref<256x128xf32, #tpu.memory_space<vmem>>, vector<16xf32>,
      tpu.vector_store %arg5[%swap3A, %swap3A_978], %broadcast_in_dim3A_3 {strides = array<i32>} : memref<256x128xf32, #tpu.memory_space<vmem>>, vector<16xf32>,
      %swap3A_980 = arith.index_cast %select_n3A : i32 to index
      %swap3A_981 = arith.index_cast %mul3A_977 : i32 to index
      %swap3A_982 = tpu.vector_load %arg6[%swap3A_980, %swap3A_981] {strides = array<i32>} : memref<256x128xf32, #tpu.memory_space<vmem>>, vector<16xf32>,
      tpu.vector_store %arg6[%swap3A_980, %swap3A_981], %broadcast_in_dim3A_3 {strides = array<i32>} : memref<256x128xf32, #tpu.memory_space<vmem>>, vector<16xf32>,
    }
    %scan3A_10 = arith.constant 2048 : i32
    %broadcast_in_dim3A_11 = arith.constant 0 : i32
    %broadcast_in_dim3A_12 = vector.broadcast %broadcast_in_dim3A_11 : i32 to vector<16xi32>
    %add3A_13 = arith.constant 0 : i32
    %add3A_14 = vector.broadcast %add3A_13 : i32 to vector<16xi32>
    %add3A_15 = arith.addi %iota3A, %add3A_14 : vector<16xi32>
    %gather3A = tpu.vector_load_idx %arg4[%broadcast_in_dim3A_12, %add3A_15] : memref<50x128xi32, #tpu.memory_space<vmem>>[vector<16xi32>, vector<16xi32>], vector<16xi32>,
    %add3A_16 = arith.constant 16 : i32
    %add3A_17 = vector.broadcast %add3A_16 : i32 to vector<16xi32>
    %add3A_18 = arith.addi %iota3A, %add3A_17 : vector<16xi32>
    %gather3A_19 = tpu.vector_load_idx %arg4[%broadcast_in_dim3A_12, %add3A_18] : memref<50x128xi32, #tpu.memory_space<vmem>>[vector<16xi32>, vector<16xi32>], vector<16xi32>,
    %add3A_20 = arith.constant 32 : i32
    %add3A_21 = vector.broadcast %add3A_20 : i32 to vector<16xi32>
    %add3A_22 = arith.addi %iota3A, %add3A_21 : vector<16xi32>
    %gather3A_23 = tpu.vector_load_idx %arg4[%broadcast_in_dim3A_12, %add3A_22] : memref<50x128xi32, #tpu.memory_space<vmem>>[vector<16xi32>, vector<16xi32>], vector<16xi32>,
    %add3A_24 = arith.constant 48 : i32
    %add3A_25 = vector.broadcast %add3A_24 : i32 to vector<16xi32>
    %add3A_26 = arith.addi %iota3A, %add3A_25 : vector<16xi32>
    %gather3A_27 = tpu.vector_load_idx %arg4[%broadcast_in_dim3A_12, %add3A_26] : memref<50x128xi32, #tpu.memory_space<vmem>>[vector<16xi32>, vector<16xi32>], vector<16xi32>,
    %add3A_28 = arith.constant 64 : i32
    %add3A_29 = vector.broadcast %add3A_28 : i32 to vector<16xi32>
    %add3A_30 = arith.addi %iota3A, %add3A_29 : vector<16xi32>
    %gather3A_31 = tpu.vector_load_idx %arg4[%broadcast_in_dim3A_12, %add3A_30] : memref<50x128xi32, #tpu.memory_space<vmem>>[vector<16xi32>, vector<16xi32>], vector<16xi32>,
    %add3A_32 = arith.constant 80 : i32
    %add3A_33 = vector.broadcast %add3A_32 : i32 to vector<16xi32>
    %add3A_34 = arith.addi %iota3A, %add3A_33 : vector<16xi32>
    %gather3A_35 = tpu.vector_load_idx %arg4[%broadcast_in_dim3A_12, %add3A_34] : memref<50x128xi32, #tpu.memory_space<vmem>>[vector<16xi32>, vector<16xi32>], vector<16xi32>,
    %add3A_36 = arith.constant 96 : i32
    %add3A_37 = vector.broadcast %add3A_36 : i32 to vector<16xi32>
    %add3A_38 = arith.addi %iota3A, %add3A_37 : vector<16xi32>
    %gather3A_39 = tpu.vector_load_idx %arg4[%broadcast_in_dim3A_12, %add3A_38] : memref<50x128xi32, #tpu.memory_space<vmem>>[vector<16xi32>, vector<16xi32>], vector<16xi32>,
    %add3A_40 = arith.constant 112 : i32
    %add3A_41 = vector.broadcast %add3A_40 : i32 to vector<16xi32>
    %add3A_42 = arith.addi %iota3A, %add3A_41 : vector<16xi32>
    %gather3A_43 = tpu.vector_load_idx %arg4[%broadcast_in_dim3A_12, %add3A_42] : memref<50x128xi32, #tpu.memory_space<vmem>>[vector<16xi32>, vector<16xi32>], vector<16xi32>,
    %sub3A = arith.constant 0 : i32
    %sub3A_44 = vector.broadcast %sub3A : i32 to vector<16xi32>
    %sub3A_45 = arith.subi %gather3A, %sub3A_44 : vector<16xi32>
    %ge3A = arith.constant 0 : i32
    %ge3A_46 = vector.broadcast %ge3A : i32 to vector<16xi32>
    %ge3A_47 = arith.cmpi sge, %gather3A, %ge3A_46 : vector<16xi32>
    %lt3A = arith.constant 256 : i32
    %lt3A_48 = vector.broadcast %lt3A : i32 to vector<16xi32>
    %lt3A_49 = arith.cmpi slt, %gather3A, %lt3A_48 : vector<16xi32>
    %and3A = arith.andi %ge3A_47, %lt3A_49 : vector<16xi1>
    %add3A_50 = arith.constant 0 : i32
    %add3A_51 = vector.broadcast %add3A_50 : i32 to vector<16xi32>
    %add3A_52 = arith.addi %iota3A, %add3A_51 : vector<16xi32>
    tpu.vector_store_idx %arg5[%sub3A_45, %add3A_52], %broadcast_in_dim3A_5 masked %and3A : memref<256x128xf32, #tpu.memory_space<vmem>>[vector<16xi32>, vector<16xi32>], vector<16xf32>, vector<16xi1>
    %sub3A_53 = arith.constant 0 : i32
    %sub3A_54 = vector.broadcast %sub3A_53 : i32 to vector<16xi32>
    %sub3A_55 = arith.subi %gather3A_19, %sub3A_54 : vector<16xi32>
    %ge3A_56 = arith.constant 0 : i32
    %ge3A_57 = vector.broadcast %ge3A_56 : i32 to vector<16xi32>
    %ge3A_58 = arith.cmpi sge, %gather3A_19, %ge3A_57 : vector<16xi32>
    %lt3A_59 = arith.constant 256 : i32
    %lt3A_60 = vector.broadcast %lt3A_59 : i32 to vector<16xi32>
    %lt3A_61 = arith.cmpi slt, %gather3A_19, %lt3A_60 : vector<16xi32>
    %and3A_62 = arith.andi %ge3A_58, %lt3A_61 : vector<16xi1>
    %add3A_63 = arith.constant 16 : i32
    %add3A_64 = vector.broadcast %add3A_63 : i32 to vector<16xi32>
    %add3A_65 = arith.addi %iota3A, %add3A_64 : vector<16xi32>
    tpu.vector_store_idx %arg5[%sub3A_55, %add3A_65], %broadcast_in_dim3A_5 masked %and3A_62 : memref<256x128xf32, #tpu.memory_space<vmem>>[vector<16xi32>, vector<16xi32>], vector<16xf32>, vector<16xi1>
    %sub3A_66 = arith.constant 0 : i32
    %sub3A_67 = vector.broadcast %sub3A_66 : i32 to vector<16xi32>
    %sub3A_68 = arith.subi %gather3A_23, %sub3A_67 : vector<16xi32>
    %ge3A_69 = arith.constant 0 : i32
    %ge3A_70 = vector.broadcast %ge3A_69 : i32 to vector<16xi32>
    %ge3A_71 = arith.cmpi sge, %gather3A_23, %ge3A_70 : vector<16xi32>
    %lt3A_72 = arith.constant 256 : i32
    %lt3A_73 = vector.broadcast %lt3A_72 : i32 to vector<16xi32>
    %lt3A_74 = arith.cmpi slt, %gather3A_23, %lt3A_73 : vector<16xi32>
    %and3A_75 = arith.andi %ge3A_71, %lt3A_74 : vector<16xi1>
    %add3A_76 = arith.constant 32 : i32
    %add3A_77 = vector.broadcast %add3A_76 : i32 to vector<16xi32>
    %add3A_78 = arith.addi %iota3A, %add3A_77 : vector<16xi32>
    tpu.vector_store_idx %arg5[%sub3A_68, %add3A_78], %broadcast_in_dim3A_5 masked %and3A_75 : memref<256x128xf32, #tpu.memory_space<vmem>>[vector<16xi32>, vector<16xi32>], vector<16xf32>, vector<16xi1>
    %sub3A_79 = arith.constant 0 : i32
    %sub3A_80 = vector.broadcast %sub3A_79 : i32 to vector<16xi32>
    %sub3A_81 = arith.subi %gather3A_27, %sub3A_80 : vector<16xi32>
    %ge3A_82 = arith.constant 0 : i32
    %ge3A_83 = vector.broadcast %ge3A_82 : i32 to vector<16xi32>
    %ge3A_84 = arith.cmpi sge, %gather3A_27, %ge3A_83 : vector<16xi32>
    %lt3A_85 = arith.constant 256 : i32
    %lt3A_86 = vector.broadcast %lt3A_85 : i32 to vector<16xi32>
    %lt3A_87 = arith.cmpi slt, %gather3A_27, %lt3A_86 : vector<16xi32>
    %and3A_88 = arith.andi %ge3A_84, %lt3A_87 : vector<16xi1>
    %add3A_89 = arith.constant 48 : i32
    %add3A_90 = vector.broadcast %add3A_89 : i32 to vector<16xi32>
    %add3A_91 = arith.addi %iota3A, %add3A_90 : vector<16xi32>
    tpu.vector_store_idx %arg5[%sub3A_81, %add3A_91], %broadcast_in_dim3A_5 masked %and3A_88 : memref<256x128xf32, #tpu.memory_space<vmem>>[vector<16xi32>, vector<16xi32>], vector<16xf32>, vector<16xi1>
    %sub3A_92 = arith.constant 0 : i32
    %sub3A_93 = vector.broadcast %sub3A_92 : i32 to vector<16xi32>
    %sub3A_94 = arith.subi %gather3A_31, %sub3A_93 : vector<16xi32>
    %ge3A_95 = arith.constant 0 : i32
    %ge3A_96 = vector.broadcast %ge3A_95 : i32 to vector<16xi32>
    %ge3A_97 = arith.cmpi sge, %gather3A_31, %ge3A_96 : vector<16xi32>
    %lt3A_98 = arith.constant 256 : i32
    %lt3A_99 = vector.broadcast %lt3A_98 : i32 to vector<16xi32>
    %lt3A_100 = arith.cmpi slt, %gather3A_31, %lt3A_99 : vector<16xi32>
    %and3A_101 = arith.andi %ge3A_97, %lt3A_100 : vector<16xi1>
    %add3A_102 = arith.constant 64 : i32
    %add3A_103 = vector.broadcast %add3A_102 : i32 to vector<16xi32>
    %add3A_104 = arith.addi %iota3A, %add3A_103 : vector<16xi32>
    tpu.vector_store_idx %arg5[%sub3A_94, %add3A_104], %broadcast_in_dim3A_5 masked %and3A_101 : memref<256x128xf32, #tpu.memory_space<vmem>>[vector<16xi32>, vector<16xi32>], vector<16xf32>, vector<16xi1>
    %sub3A_105 = arith.constant 0 : i32
    %sub3A_106 = vector.broadcast %sub3A_105 : i32 to vector<16xi32>
    %sub3A_107 = arith.subi %gather3A_35, %sub3A_106 : vector<16xi32>
    %ge3A_108 = arith.constant 0 : i32
    %ge3A_109 = vector.broadcast %ge3A_108 : i32 to vector<16xi32>
    %ge3A_110 = arith.cmpi sge, %gather3A_35, %ge3A_109 : vector<16xi32>
    %lt3A_111 = arith.constant 256 : i32
    %lt3A_112 = vector.broadcast %lt3A_111 : i32 to vector<16xi32>
    %lt3A_113 = arith.cmpi slt, %gather3A_35, %lt3A_112 : vector<16xi32>
    %and3A_114 = arith.andi %ge3A_110, %lt3A_113 : vector<16xi1>
    %add3A_115 = arith.constant 80 : i32
    %add3A_116 = vector.broadcast %add3A_115 : i32 to vector<16xi32>
    %add3A_117 = arith.addi %iota3A, %add3A_116 : vector<16xi32>
    tpu.vector_store_idx %arg5[%sub3A_107, %add3A_117], %broadcast_in_dim3A_5 masked %and3A_114 : memref<256x128xf32, #tpu.memory_space<vmem>>[vector<16xi32>, vector<16xi32>], vector<16xf32>, vector<16xi1>
    %sub3A_118 = arith.constant 0 : i32
    %sub3A_119 = vector.broadcast %sub3A_118 : i32 to vector<16xi32>
    %sub3A_120 = arith.subi %gather3A_39, %sub3A_119 : vector<16xi32>
    %ge3A_121 = arith.constant 0 : i32
    %ge3A_122 = vector.broadcast %ge3A_121 : i32 to vector<16xi32>
    %ge3A_123 = arith.cmpi sge, %gather3A_39, %ge3A_122 : vector<16xi32>
    %lt3A_124 = arith.constant 256 : i32
    %lt3A_125 = vector.broadcast %lt3A_124 : i32 to vector<16xi32>
    %lt3A_126 = arith.cmpi slt, %gather3A_39, %lt3A_125 : vector<16xi32>
    %and3A_127 = arith.andi %ge3A_123, %lt3A_126 : vector<16xi1>
    %add3A_128 = arith.constant 96 : i32
    %add3A_129 = vector.broadcast %add3A_128 : i32 to vector<16xi32>
    %add3A_130 = arith.addi %iota3A, %add3A_129 : vector<16xi32>
    tpu.vector_store_idx %arg5[%sub3A_120, %add3A_130], %broadcast_in_dim3A_5 masked %and3A_127 : memref<256x128xf32, #tpu.memory_space<vmem>>[vector<16xi32>, vector<16xi32>], vector<16xf32>, vector<16xi1>
    %sub3A_131 = arith.constant 0 : i32
    %sub3A_132 = vector.broadcast %sub3A_131 : i32 to vector<16xi32>
    %sub3A_133 = arith.subi %gather3A_43, %sub3A_132 : vector<16xi32>
    %ge3A_134 = arith.constant 0 : i32
    %ge3A_135 = vector.broadcast %ge3A_134 : i32 to vector<16xi32>
    %ge3A_136 = arith.cmpi sge, %gather3A_43, %ge3A_135 : vector<16xi32>
    %lt3A_137 = arith.constant 256 : i32
    %lt3A_138 = vector.broadcast %lt3A_137 : i32 to vector<16xi32>
    %lt3A_139 = arith.cmpi slt, %gather3A_43, %lt3A_138 : vector<16xi32>
    %and3A_140 = arith.andi %ge3A_136, %lt3A_139 : vector<16xi1>
    %add3A_141 = arith.constant 112 : i32
    %add3A_142 = vector.broadcast %add3A_141 : i32 to vector<16xi32>
    %add3A_143 = arith.addi %iota3A, %add3A_142 : vector<16xi32>
    tpu.vector_store_idx %arg5[%sub3A_133, %add3A_143], %broadcast_in_dim3A_5 masked %and3A_140 : memref<256x128xf32, #tpu.memory_space<vmem>>[vector<16xi32>, vector<16xi32>], vector<16xf32>, vector<16xi1>
    %dma_start3A = arith.constant 0 : i32
    %dma_start3A_144 = arith.constant 0 : i32
    %dma_start3A_145 = arith.constant 0 : i32
    %dma_start3A_146 = tpu.memref_slice %arg5[%dma_start3A_144, %dma_start3A_145] : memref<256x128xf32, #tpu.memory_space<vmem>> -> memref<256x128xf32, #tpu.memory_space<vmem>>
    %dma_start3A_147 = arith.constant 0 : i32
    %dma_start3A_148 = tpu.memref_slice %arg3[%dma_start3A, %dma_start3A_147, %mul3A_2] : memref<50x1000x4096xf32, #tpu.memory_space<hbm>> -> memref<1x256x128xf32, #tpu.memory_space<hbm>>
    %dma_start3A_149 = tpu.memref_squeeze %dma_start3A_148 : memref<1x256x128xf32, #tpu.memory_space<hbm>> -> memref<256x128xf32, #tpu.memory_space<hbm>>
    %dma_start3A_150 = arith.constant 0 : i32
    %dma_start3A_151 = tpu.memref_slice %arg3[%dma_start3A, %dma_start3A_150, %mul3A_2] : memref<50x1000x4096xf32, #tpu.memory_space<hbm>> -> memref<1x256x128xf32, #tpu.memory_space<hbm>>
    %dma_start3A_152 = tpu.memref_squeeze %dma_start3A_151 : memref<1x256x128xf32, #tpu.memory_space<hbm>> -> memref<256x128xf32, #tpu.memory_space<hbm>>
    %dma_start3A_153 = arith.constant 0 : i32
    %dma_start3A_154 = arith.constant 0 : i32
    %dma_start3A_155 = tpu.memref_slice %arg5[%dma_start3A_153, %dma_start3A_154] : memref<256x128xf32, #tpu.memory_space<vmem>> -> memref<256x128xf32, #tpu.memory_space<vmem>>
    tpu.enqueue_dma source(%dma_start3A_155 : memref<256x128xf32, #tpu.memory_space<vmem>>) target(%dma_start3A_152 : memref<256x128xf32, #tpu.memory_space<hbm>>) target_semaphore(%arg7 : memref<!tpu.dma_semaphore, #tpu.memory_space<semaphore_mem>>)
    %broadcast_in_dim3A_156 = arith.constant 0 : i32
    %broadcast_in_dim3A_157 = vector.broadcast %broadcast_in_dim3A_156 : i32 to vector<16xi32>
    %add3A_158 = arith.constant 0 : i32
    %add3A_159 = vector.broadcast %add3A_158 : i32 to vector<16xi32>
    %add3A_160 = arith.addi %iota3A, %add3A_159 : vector<16xi32>
    %gather3A_161 = tpu.vector_load_idx %arg4[%broadcast_in_dim3A_157, %add3A_160] : memref<50x128xi32, #tpu.memory_space<vmem>>[vector<16xi32>, vector<16xi32>], vector<16xi32>,
    %add3A_162 = arith.constant 16 : i32
    %add3A_163 = vector.broadcast %add3A_162 : i32 to vector<16xi32>
    %add3A_164 = arith.addi %iota3A, %add3A_163 : vector<16xi32>
    %gather3A_165 = tpu.vector_load_idx %arg4[%broadcast_in_dim3A_157, %add3A_164] : memref<50x128xi32, #tpu.memory_space<vmem>>[vector<16xi32>, vector<16xi32>], vector<16xi32>,
    %add3A_166 = arith.constant 32 : i32
    %add3A_167 = vector.broadcast %add3A_166 : i32 to vector<16xi32>
    %add3A_168 = arith.addi %iota3A, %add3A_167 : vector<16xi32>
    %gather3A_169 = tpu.vector_load_idx %arg4[%broadcast_in_dim3A_157, %add3A_168] : memref<50x128xi32, #tpu.memory_space<vmem>>[vector<16xi32>, vector<16xi32>], vector<16xi32>,
    %add3A_170 = arith.constant 48 : i32
    %add3A_171 = vector.broadcast %add3A_170 : i32 to vector<16xi32>
    %add3A_172 = arith.addi %iota3A, %add3A_171 : vector<16xi32>
    %gather3A_173 = tpu.vector_load_idx %arg4[%broadcast_in_dim3A_157, %add3A_172] : memref<50x128xi32, #tpu.memory_space<vmem>>[vector<16xi32>, vector<16xi32>], vector<16xi32>,
    %add3A_174 = arith.constant 64 : i32
    %add3A_175 = vector.broadcast %add3A_174 : i32 to vector<16xi32>
    %add3A_176 = arith.addi %iota3A, %add3A_175 : vector<16xi32>
    %gather3A_177 = tpu.vector_load_idx %arg4[%broadcast_in_dim3A_157, %add3A_176] : memref<50x128xi32, #tpu.memory_space<vmem>>[vector<16xi32>, vector<16xi32>], vector<16xi32>,
    %add3A_178 = arith.constant 80 : i32
    %add3A_179 = vector.broadcast %add3A_178 : i32 to vector<16xi32>
    %add3A_180 = arith.addi %iota3A, %add3A_179 : vector<16xi32>
    %gather3A_181 = tpu.vector_load_idx %arg4[%broadcast_in_dim3A_157, %add3A_180] : memref<50x128xi32, #tpu.memory_space<vmem>>[vector<16xi32>, vector<16xi32>], vector<16xi32>,
    %add3A_182 = arith.constant 96 : i32
    %add3A_183 = vector.broadcast %add3A_182 : i32 to vector<16xi32>
    %add3A_184 = arith.addi %iota3A, %add3A_183 : vector<16xi32>
    %gather3A_185 = tpu.vector_load_idx %arg4[%broadcast_in_dim3A_157, %add3A_184] : memref<50x128xi32, #tpu.memory_space<vmem>>[vector<16xi32>, vector<16xi32>], vector<16xi32>,
    %add3A_186 = arith.constant 112 : i32
    %add3A_187 = vector.broadcast %add3A_186 : i32 to vector<16xi32>
    %add3A_188 = arith.addi %iota3A, %add3A_187 : vector<16xi32>
    %gather3A_189 = tpu.vector_load_idx %arg4[%broadcast_in_dim3A_157, %add3A_188] : memref<50x128xi32, #tpu.memory_space<vmem>>[vector<16xi32>, vector<16xi32>], vector<16xi32>,
    %sub3A_190 = arith.constant 256 : i32
    %sub3A_191 = vector.broadcast %sub3A_190 : i32 to vector<16xi32>
    %sub3A_192 = arith.subi %gather3A_161, %sub3A_191 : vector<16xi32>
    %ge3A_193 = arith.constant 256 : i32
    %ge3A_194 = vector.broadcast %ge3A_193 : i32 to vector<16xi32>
    %ge3A_195 = arith.cmpi sge, %gather3A_161, %ge3A_194 : vector<16xi32>
    %lt3A_196 = arith.constant 512 : i32
    %lt3A_197 = vector.broadcast %lt3A_196 : i32 to vector<16xi32>
    %lt3A_198 = arith.cmpi slt, %gather3A_161, %lt3A_197 : vector<16xi32>
    %and3A_199 = arith.andi %ge3A_195, %lt3A_198 : vector<16xi1>
    %add3A_200 = arith.constant 0 : i32
    %add3A_201 = vector.broadcast %add3A_200 : i32 to vector<16xi32>
    %add3A_202 = arith.addi %iota3A, %add3A_201 : vector<16xi32>
    tpu.vector_store_idx %arg6[%sub3A_192, %add3A_202], %broadcast_in_dim3A_5 masked %and3A_199 : memref<256x128xf32, #tpu.memory_space<vmem>>[vector<16xi32>, vector<16xi32>], vector<16xf32>, vector<16xi1>
    %sub3A_203 = arith.constant 256 : i32
    %sub3A_204 = vector.broadcast %sub3A_203 : i32 to vector<16xi32>
    %sub3A_205 = arith.subi %gather3A_165, %sub3A_204 : vector<16xi32>
    %ge3A_206 = arith.constant 256 : i32
    %ge3A_207 = vector.broadcast %ge3A_206 : i32 to vector<16xi32>
    %ge3A_208 = arith.cmpi sge, %gather3A_165, %ge3A_207 : vector<16xi32>
    %lt3A_209 = arith.constant 512 : i32
    %lt3A_210 = vector.broadcast %lt3A_209 : i32 to vector<16xi32>
    %lt3A_211 = arith.cmpi slt, %gather3A_165, %lt3A_210 : vector<16xi32>
    %and3A_212 = arith.andi %ge3A_208, %lt3A_211 : vector<16xi1>
    %add3A_213 = arith.constant 16 : i32
    %add3A_214 = vector.broadcast %add3A_213 : i32 to vector<16xi32>
    %add3A_215 = arith.addi %iota3A, %add3A_214 : vector<16xi32>
    tpu.vector_store_idx %arg6[%sub3A_205, %add3A_215], %broadcast_in_dim3A_5 masked %and3A_212 : memref<256x128xf32, #tpu.memory_space<vmem>>[vector<16xi32>, vector<16xi32>], vector<16xf32>, vector<16xi1>
    %sub3A_216 = arith.constant 256 : i32
    %sub3A_217 = vector.broadcast %sub3A_216 : i32 to vector<16xi32>
    %sub3A_218 = arith.subi %gather3A_169, %sub3A_217 : vector<16xi32>
    %ge3A_219 = arith.constant 256 : i32
    %ge3A_220 = vector.broadcast %ge3A_219 : i32 to vector<16xi32>
    %ge3A_221 = arith.cmpi sge, %gather3A_169, %ge3A_220 : vector<16xi32>
    %lt3A_222 = arith.constant 512 : i32
    %lt3A_223 = vector.broadcast %lt3A_222 : i32 to vector<16xi32>
    %lt3A_224 = arith.cmpi slt, %gather3A_169, %lt3A_223 : vector<16xi32>
    %and3A_225 = arith.andi %ge3A_221, %lt3A_224 : vector<16xi1>
    %add3A_226 = arith.constant 32 : i32
    %add3A_227 = vector.broadcast %add3A_226 : i32 to vector<16xi32>
    %add3A_228 = arith.addi %iota3A, %add3A_227 : vector<16xi32>
    tpu.vector_store_idx %arg6[%sub3A_218, %add3A_228], %broadcast_in_dim3A_5 masked %and3A_225 : memref<256x128xf32, #tpu.memory_space<vmem>>[vector<16xi32>, vector<16xi32>], vector<16xf32>, vector<16xi1>
    %sub3A_229 = arith.constant 256 : i32
    %sub3A_230 = vector.broadcast %sub3A_229 : i32 to vector<16xi32>
    %sub3A_231 = arith.subi %gather3A_173, %sub3A_230 : vector<16xi32>
    %ge3A_232 = arith.constant 256 : i32
    %ge3A_233 = vector.broadcast %ge3A_232 : i32 to vector<16xi32>
    %ge3A_234 = arith.cmpi sge, %gather3A_173, %ge3A_233 : vector<16xi32>
    %lt3A_235 = arith.constant 512 : i32
    %lt3A_236 = vector.broadcast %lt3A_235 : i32 to vector<16xi32>
    %lt3A_237 = arith.cmpi slt, %gather3A_173, %lt3A_236 : vector<16xi32>
    %and3A_238 = arith.andi %ge3A_234, %lt3A_237 : vector<16xi1>
    %add3A_239 = arith.constant 48 : i32
    %add3A_240 = vector.broadcast %add3A_239 : i32 to vector<16xi32>
    %add3A_241 = arith.addi %iota3A, %add3A_240 : vector<16xi32>
    tpu.vector_store_idx %arg6[%sub3A_231, %add3A_241], %broadcast_in_dim3A_5 masked %and3A_238 : memref<256x128xf32, #tpu.memory_space<vmem>>[vector<16xi32>, vector<16xi32>], vector<16xf32>, vector<16xi1>
    %sub3A_242 = arith.constant 256 : i32
    %sub3A_243 = vector.broadcast %sub3A_242 : i32 to vector<16xi32>
    %sub3A_244 = arith.subi %gather3A_177, %sub3A_243 : vector<16xi32>
    %ge3A_245 = arith.constant 256 : i32
    %ge3A_246 = vector.broadcast %ge3A_245 : i32 to vector<16xi32>
    %ge3A_247 = arith.cmpi sge, %gather3A_177, %ge3A_246 : vector<16xi32>
    %lt3A_248 = arith.constant 512 : i32
    %lt3A_249 = vector.broadcast %lt3A_248 : i32 to vector<16xi32>
    %lt3A_250 = arith.cmpi slt, %gather3A_177, %lt3A_249 : vector<16xi32>
    %and3A_251 = arith.andi %ge3A_247, %lt3A_250 : vector<16xi1>
    %add3A_252 = arith.constant 64 : i32
    %add3A_253 = vector.broadcast %add3A_252 : i32 to vector<16xi32>
    %add3A_254 = arith.addi %iota3A, %add3A_253 : vector<16xi32>
    tpu.vector_store_idx %arg6[%sub3A_244, %add3A_254], %broadcast_in_dim3A_5 masked %and3A_251 : memref<256x128xf32, #tpu.memory_space<vmem>>[vector<16xi32>, vector<16xi32>], vector<16xf32>, vector<16xi1>
    %sub3A_255 = arith.constant 256 : i32
    %sub3A_256 = vector.broadcast %sub3A_255 : i32 to vector<16xi32>
    %sub3A_257 = arith.subi %gather3A_181, %sub3A_256 : vector<16xi32>
    %ge3A_258 = arith.constant 256 : i32
    %ge3A_259 = vector.broadcast %ge3A_258 : i32 to vector<16xi32>
    %ge3A_260 = arith.cmpi sge, %gather3A_181, %ge3A_259 : vector<16xi32>
    %lt3A_261 = arith.constant 512 : i32
    %lt3A_262 = vector.broadcast %lt3A_261 : i32 to vector<16xi32>
    %lt3A_263 = arith.cmpi slt, %gather3A_181, %lt3A_262 : vector<16xi32>
    %and3A_264 = arith.andi %ge3A_260, %lt3A_263 : vector<16xi1>
    %add3A_265 = arith.constant 80 : i32
    %add3A_266 = vector.broadcast %add3A_265 : i32 to vector<16xi32>
    %add3A_267 = arith.addi %iota3A, %add3A_266 : vector<16xi32>
    tpu.vector_store_idx %arg6[%sub3A_257, %add3A_267], %broadcast_in_dim3A_5 masked %and3A_264 : memref<256x128xf32, #tpu.memory_space<vmem>>[vector<16xi32>, vector<16xi32>], vector<16xf32>, vector<16xi1>
    %sub3A_268 = arith.constant 256 : i32
    %sub3A_269 = vector.broadcast %sub3A_268 : i32 to vector<16xi32>
    %sub3A_270 = arith.subi %gather3A_185, %sub3A_269 : vector<16xi32>
    %ge3A_271 = arith.constant 256 : i32
    %ge3A_272 = vector.broadcast %ge3A_271 : i32 to vector<16xi32>
    %ge3A_273 = arith.cmpi sge, %gather3A_185, %ge3A_272 : vector<16xi32>
    %lt3A_274 = arith.constant 512 : i32
    %lt3A_275 = vector.broadcast %lt3A_274 : i32 to vector<16xi32>
    %lt3A_276 = arith.cmpi slt, %gather3A_185, %lt3A_275 : vector<16xi32>
    %and3A_277 = arith.andi %ge3A_273, %lt3A_276 : vector<16xi1>
    %add3A_278 = arith.constant 96 : i32
    %add3A_279 = vector.broadcast %add3A_278 : i32 to vector<16xi32>
    %add3A_280 = arith.addi %iota3A, %add3A_279 : vector<16xi32>
    tpu.vector_store_idx %arg6[%sub3A_270, %add3A_280], %broadcast_in_dim3A_5 masked %and3A_277 : memref<256x128xf32, #tpu.memory_space<vmem>>[vector<16xi32>, vector<16xi32>], vector<16xf32>, vector<16xi1>
    %sub3A_281 = arith.constant 256 : i32
    %sub3A_282 = vector.broadcast %sub3A_281 : i32 to vector<16xi32>
    %sub3A_283 = arith.subi %gather3A_189, %sub3A_282 : vector<16xi32>
    %ge3A_284 = arith.constant 256 : i32
    %ge3A_285 = vector.broadcast %ge3A_284 : i32 to vector<16xi32>
    %ge3A_286 = arith.cmpi sge, %gather3A_189, %ge3A_285 : vector<16xi32>
    %lt3A_287 = arith.constant 512 : i32
    %lt3A_288 = vector.broadcast %lt3A_287 : i32 to vector<16xi32>
    %lt3A_289 = arith.cmpi slt, %gather3A_189, %lt3A_288 : vector<16xi32>
    %and3A_290 = arith.andi %ge3A_286, %lt3A_289 : vector<16xi1>
    %add3A_291 = arith.constant 112 : i32
    %add3A_292 = vector.broadcast %add3A_291 : i32 to vector<16xi32>
    %add3A_293 = arith.addi %iota3A, %add3A_292 : vector<16xi32>
    tpu.vector_store_idx %arg6[%sub3A_283, %add3A_293], %broadcast_in_dim3A_5 masked %and3A_290 : memref<256x128xf32, #tpu.memory_space<vmem>>[vector<16xi32>, vector<16xi32>], vector<16xf32>, vector<16xi1>
    %dma_start3A_294 = arith.constant 0 : i32
    %dma_start3A_295 = arith.constant 0 : i32
    %dma_start3A_296 = arith.constant 0 : i32
    %dma_start3A_297 = tpu.memref_slice %arg6[%dma_start3A_295, %dma_start3A_296] : memref<256x128xf32, #tpu.memory_space<vmem>> -> memref<256x128xf32, #tpu.memory_space<vmem>>
    %dma_start3A_298 = arith.constant 256 : i32
    %dma_start3A_299 = tpu.memref_slice %arg3[%dma_start3A_294, %dma_start3A_298, %mul3A_2] : memref<50x1000x4096xf32, #tpu.memory_space<hbm>> -> memref<1x256x128xf32, #tpu.memory_space<hbm>>
    %dma_start3A_300 = tpu.memref_squeeze %dma_start3A_299 : memref<1x256x128xf32, #tpu.memory_space<hbm>> -> memref<256x128xf32, #tpu.memory_space<hbm>>
    %dma_start3A_301 = arith.constant 256 : i32
    %dma_start3A_302 = tpu.memref_slice %arg3[%dma_start3A_294, %dma_start3A_301, %mul3A_2] : memref<50x1000x4096xf32, #tpu.memory_space<hbm>> -> memref<1x256x128xf32, #tpu.memory_space<hbm>>
    %dma_start3A_303 = tpu.memref_squeeze %dma_start3A_302 : memref<1x256x128xf32, #tpu.memory_space<hbm>> -> memref<256x128xf32, #tpu.memory_space<hbm>>
    %dma_start3A_304 = arith.constant 0 : i32
    %dma_start3A_305 = arith.constant 0 : i32
    %dma_start3A_306 = tpu.memref_slice %arg6[%dma_start3A_304, %dma_start3A_305] : memref<256x128xf32, #tpu.memory_space<vmem>> -> memref<256x128xf32, #tpu.memory_space<vmem>>
    tpu.enqueue_dma source(%dma_start3A_306 : memref<256x128xf32, #tpu.memory_space<vmem>>) target(%dma_start3A_303 : memref<256x128xf32, #tpu.memory_space<hbm>>) target_semaphore(%arg8 : memref<!tpu.dma_semaphore, #tpu.memory_space<semaphore_mem>>)
    %scan3A_307 = arith.constant 0 : i32
    %scan3A_308 = arith.constant 0 : i32
    %scan3A_309 = arith.constant 49 : i32
    %scan3A_310 = arith.addi %scan3A_308, %scan3A_309 : i32
    %scan3A_311 = arith.constant 1 : i32
    scf.for %scan3A_942 = %scan3A_308 to %scan3A_310 step %scan3A_311  : i32 {
      %sub3A_943 = arith.constant 0 : i32
      %sub3A_944 = arith.subi %scan3A_942, %sub3A_943 : i32
      %dma_wait3A_945 = arith.constant 0 : i32
      %dma_wait3A_946 = arith.constant 0 : i32
      %dma_wait3A_947 = tpu.memref_slice %arg5[%dma_wait3A_945, %dma_wait3A_946] : memref<256x128xf32, #tpu.memory_space<vmem>> -> memref<256x128xf32, #tpu.memory_space<vmem>>
      %dma_wait3A_948 = arith.constant 0 : i32
      %dma_wait3A_949 = tpu.memref_slice %arg3[%sub3A_944, %dma_wait3A_948, %mul3A_2] : memref<50x1000x4096xf32, #tpu.memory_space<hbm>> -> memref<1x256x128xf32, #tpu.memory_space<hbm>>
      %dma_wait3A_950 = tpu.memref_squeeze %dma_wait3A_949 : memref<1x256x128xf32, #tpu.memory_space<hbm>> -> memref<256x128xf32, #tpu.memory_space<hbm>>
      %dma_wait3A_951 = arith.constant 0 : i32
      %dma_wait3A_952 = tpu.memref_slice %arg3[%sub3A_944, %dma_wait3A_951, %mul3A_2] : memref<50x1000x4096xf32, #tpu.memory_space<hbm>> -> memref<1x256x128xf32, #tpu.memory_space<hbm>>
      %dma_wait3A_953 = tpu.memref_squeeze %dma_wait3A_952 : memref<1x256x128xf32, #tpu.memory_space<hbm>> -> memref<256x128xf32, #tpu.memory_space<hbm>>
      %dma_wait3A_954 = arith.constant 0 : i32
      %dma_wait3A_955 = arith.constant 0 : i32
      %dma_wait3A_956 = tpu.memref_slice %arg5[%dma_wait3A_954, %dma_wait3A_955] : memref<256x128xf32, #tpu.memory_space<vmem>> -> memref<256x128xf32, #tpu.memory_space<vmem>>
      tpu.wait_dma2 semaphore(%arg7 : memref<!tpu.dma_semaphore, #tpu.memory_space<semaphore_mem>>) src(%dma_wait3A_956 : memref<256x128xf32, #tpu.memory_space<vmem>>) dst(%dma_wait3A_953 : memref<256x128xf32, #tpu.memory_space<hbm>>)
      %broadcast_in_dim3A_957 = vector.broadcast %sub3A_944 : i32 to vector<16xi32>
      %add3A_958 = arith.constant 0 : i32
      %add3A_959 = vector.broadcast %add3A_958 : i32 to vector<16xi32>
      %add3A_960 = arith.addi %iota3A, %add3A_959 : vector<16xi32>
      %gather3A_961 = tpu.vector_load_idx %arg4[%broadcast_in_dim3A_957, %add3A_960] : memref<50x128xi32, #tpu.memory_space<vmem>>[vector<16xi32>, vector<16xi32>], vector<16xi32>,
      %add3A_962 = arith.constant 16 : i32
      %add3A_963 = vector.broadcast %add3A_962 : i32 to vector<16xi32>
      %add3A_964 = arith.addi %iota3A, %add3A_963 : vector<16xi32>
      %gather3A_965 = tpu.vector_load_idx %arg4[%broadcast_in_dim3A_957, %add3A_964] : memref<50x128xi32, #tpu.memory_space<vmem>>[vector<16xi32>, vector<16xi32>], vector<16xi32>,
      %add3A_966 = arith.constant 32 : i32
      %add3A_967 = vector.broadcast %add3A_966 : i32 to vector<16xi32>
      %add3A_968 = arith.addi %iota3A, %add3A_967 : vector<16xi32>
      %gather3A_969 = tpu.vector_load_idx %arg4[%broadcast_in_dim3A_957, %add3A_968] : memref<50x128xi32, #tpu.memory_space<vmem>>[vector<16xi32>, vector<16xi32>], vector<16xi32>,
      %add3A_970 = arith.constant 48 : i32
      %add3A_971 = vector.broadcast %add3A_970 : i32 to vector<16xi32>
      %add3A_972 = arith.addi %iota3A, %add3A_971 : vector<16xi32>
      %gather3A_973 = tpu.vector_load_idx %arg4[%broadcast_in_dim3A_957, %add3A_972] : memref<50x128xi32, #tpu.memory_space<vmem>>[vector<16xi32>, vector<16xi32>], vector<16xi32>,
      %add3A_974 = arith.constant 64 : i32
      %add3A_975 = vector.broadcast %add3A_974 : i32 to vector<16xi32>
      %add3A_976 = arith.addi %iota3A, %add3A_975 : vector<16xi32>
      %gather3A_977 = tpu.vector_load_idx %arg4[%broadcast_in_dim3A_957, %add3A_976] : memref<50x128xi32, #tpu.memory_space<vmem>>[vector<16xi32>, vector<16xi32>], vector<16xi32>,
      %add3A_978 = arith.constant 80 : i32
      %add3A_979 = vector.broadcast %add3A_978 : i32 to vector<16xi32>
      %add3A_980 = arith.addi %iota3A, %add3A_979 : vector<16xi32>
      %gather3A_981 = tpu.vector_load_idx %arg4[%broadcast_in_dim3A_957, %add3A_980] : memref<50x128xi32, #tpu.memory_space<vmem>>[vector<16xi32>, vector<16xi32>], vector<16xi32>,
      %add3A_982 = arith.constant 96 : i32
      %add3A_983 = vector.broadcast %add3A_982 : i32 to vector<16xi32>
      %add3A_984 = arith.addi %iota3A, %add3A_983 : vector<16xi32>
      %gather3A_985 = tpu.vector_load_idx %arg4[%broadcast_in_dim3A_957, %add3A_984] : memref<50x128xi32, #tpu.memory_space<vmem>>[vector<16xi32>, vector<16xi32>], vector<16xi32>,
      %add3A_986 = arith.constant 112 : i32
      %add3A_987 = vector.broadcast %add3A_986 : i32 to vector<16xi32>
      %add3A_988 = arith.addi %iota3A, %add3A_987 : vector<16xi32>
      %gather3A_989 = tpu.vector_load_idx %arg4[%broadcast_in_dim3A_957, %add3A_988] : memref<50x128xi32, #tpu.memory_space<vmem>>[vector<16xi32>, vector<16xi32>], vector<16xi32>,
      %sub3A_990 = arith.constant 0 : i32
      %sub3A_991 = vector.broadcast %sub3A_990 : i32 to vector<16xi32>
      %sub3A_992 = arith.subi %gather3A_961, %sub3A_991 : vector<16xi32>
      %ge3A_993 = arith.constant 0 : i32
      %ge3A_994 = vector.broadcast %ge3A_993 : i32 to vector<16xi32>
      %ge3A_995 = arith.cmpi sge, %gather3A_961, %ge3A_994 : vector<16xi32>
      %lt3A_996 = arith.constant 256 : i32
      %lt3A_997 = vector.broadcast %lt3A_996 : i32 to vector<16xi32>
      %lt3A_998 = arith.cmpi slt, %gather3A_961, %lt3A_997 : vector<16xi32>
      %and3A_999 = arith.andi %ge3A_995, %lt3A_998 : vector<16xi1>
      %add3A_1000 = arith.constant 0 : i32
      %add3A_1001 = vector.broadcast %add3A_1000 : i32 to vector<16xi32>
      %add3A_1002 = arith.addi %iota3A, %add3A_1001 : vector<16xi32>
      tpu.vector_store_idx %arg5[%sub3A_992, %add3A_1002], %broadcast_in_dim3A_3 masked %and3A_999 : memref<256x128xf32, #tpu.memory_space<vmem>>[vector<16xi32>, vector<16xi32>], vector<16xf32>, vector<16xi1>
      %sub3A_1003 = arith.constant 0 : i32
      %sub3A_1004 = vector.broadcast %sub3A_1003 : i32 to vector<16xi32>
      %sub3A_1005 = arith.subi %gather3A_965, %sub3A_1004 : vector<16xi32>
      %ge3A_1006 = arith.constant 0 : i32
      %ge3A_1007 = vector.broadcast %ge3A_1006 : i32 to vector<16xi32>
      %ge3A_1008 = arith.cmpi sge, %gather3A_965, %ge3A_1007 : vector<16xi32>
      %lt3A_1009 = arith.constant 256 : i32
      %lt3A_1010 = vector.broadcast %lt3A_1009 : i32 to vector<16xi32>
      %lt3A_1011 = arith.cmpi slt, %gather3A_965, %lt3A_1010 : vector<16xi32>
      %and3A_1012 = arith.andi %ge3A_1008, %lt3A_1011 : vector<16xi1>
      %add3A_1013 = arith.constant 16 : i32
      %add3A_1014 = vector.broadcast %add3A_1013 : i32 to vector<16xi32>
      %add3A_1015 = arith.addi %iota3A, %add3A_1014 : vector<16xi32>
      tpu.vector_store_idx %arg5[%sub3A_1005, %add3A_1015], %broadcast_in_dim3A_3 masked %and3A_1012 : memref<256x128xf32, #tpu.memory_space<vmem>>[vector<16xi32>, vector<16xi32>], vector<16xf32>, vector<16xi1>
      %sub3A_1016 = arith.constant 0 : i32
      %sub3A_1017 = vector.broadcast %sub3A_1016 : i32 to vector<16xi32>
      %sub3A_1018 = arith.subi %gather3A_969, %sub3A_1017 : vector<16xi32>
      %ge3A_1019 = arith.constant 0 : i32
      %ge3A_1020 = vector.broadcast %ge3A_1019 : i32 to vector<16xi32>
      %ge3A_1021 = arith.cmpi sge, %gather3A_969, %ge3A_1020 : vector<16xi32>
      %lt3A_1022 = arith.constant 256 : i32
      %lt3A_1023 = vector.broadcast %lt3A_1022 : i32 to vector<16xi32>
      %lt3A_1024 = arith.cmpi slt, %gather3A_969, %lt3A_1023 : vector<16xi32>
      %and3A_1025 = arith.andi %ge3A_1021, %lt3A_1024 : vector<16xi1>
      %add3A_1026 = arith.constant 32 : i32
      %add3A_1027 = vector.broadcast %add3A_1026 : i32 to vector<16xi32>
      %add3A_1028 = arith.addi %iota3A, %add3A_1027 : vector<16xi32>
      tpu.vector_store_idx %arg5[%sub3A_1018, %add3A_1028], %broadcast_in_dim3A_3 masked %and3A_1025 : memref<256x128xf32, #tpu.memory_space<vmem>>[vector<16xi32>, vector<16xi32>], vector<16xf32>, vector<16xi1>
      %sub3A_1029 = arith.constant 0 : i32
      %sub3A_1030 = vector.broadcast %sub3A_1029 : i32 to vector<16xi32>
      %sub3A_1031 = arith.subi %gather3A_973, %sub3A_1030 : vector<16xi32>
      %ge3A_1032 = arith.constant 0 : i32
      %ge3A_1033 = vector.broadcast %ge3A_1032 : i32 to vector<16xi32>
      %ge3A_1034 = arith.cmpi sge, %gather3A_973, %ge3A_1033 : vector<16xi32>
      %lt3A_1035 = arith.constant 256 : i32
      %lt3A_1036 = vector.broadcast %lt3A_1035 : i32 to vector<16xi32>
      %lt3A_1037 = arith.cmpi slt, %gather3A_973, %lt3A_1036 : vector<16xi32>
      %and3A_1038 = arith.andi %ge3A_1034, %lt3A_1037 : vector<16xi1>
      %add3A_1039 = arith.constant 48 : i32
      %add3A_1040 = vector.broadcast %add3A_1039 : i32 to vector<16xi32>
      %add3A_1041 = arith.addi %iota3A, %add3A_1040 : vector<16xi32>
      tpu.vector_store_idx %arg5[%sub3A_1031, %add3A_1041], %broadcast_in_dim3A_3 masked %and3A_1038 : memref<256x128xf32, #tpu.memory_space<vmem>>[vector<16xi32>, vector<16xi32>], vector<16xf32>, vector<16xi1>
      %sub3A_1042 = arith.constant 0 : i32
      %sub3A_1043 = vector.broadcast %sub3A_1042 : i32 to vector<16xi32>
      %sub3A_1044 = arith.subi %gather3A_977, %sub3A_1043 : vector<16xi32>
      %ge3A_1045 = arith.constant 0 : i32
      %ge3A_1046 = vector.broadcast %ge3A_1045 : i32 to vector<16xi32>
      %ge3A_1047 = arith.cmpi sge, %gather3A_977, %ge3A_1046 : vector<16xi32>
      %lt3A_1048 = arith.constant 256 : i32
      %lt3A_1049 = vector.broadcast %lt3A_1048 : i32 to vector<16xi32>
      %lt3A_1050 = arith.cmpi slt, %gather3A_977, %lt3A_1049 : vector<16xi32>
      %and3A_1051 = arith.andi %ge3A_1047, %lt3A_1050 : vector<16xi1>
      %add3A_1052 = arith.constant 64 : i32
      %add3A_1053 = vector.broadcast %add3A_1052 : i32 to vector<16xi32>
      %add3A_1054 = arith.addi %iota3A, %add3A_1053 : vector<16xi32>
      tpu.vector_store_idx %arg5[%sub3A_1044, %add3A_1054], %broadcast_in_dim3A_3 masked %and3A_1051 : memref<256x128xf32, #tpu.memory_space<vmem>>[vector<16xi32>, vector<16xi32>], vector<16xf32>, vector<16xi1>
      %sub3A_1055 = arith.constant 0 : i32
      %sub3A_1056 = vector.broadcast %sub3A_1055 : i32 to vector<16xi32>
      %sub3A_1057 = arith.subi %gather3A_981, %sub3A_1056 : vector<16xi32>
      %ge3A_1058 = arith.constant 0 : i32
      %ge3A_1059 = vector.broadcast %ge3A_1058 : i32 to vector<16xi32>
      %ge3A_1060 = arith.cmpi sge, %gather3A_981, %ge3A_1059 : vector<16xi32>
      %lt3A_1061 = arith.constant 256 : i32
      %lt3A_1062 = vector.broadcast %lt3A_1061 : i32 to vector<16xi32>
      %lt3A_1063 = arith.cmpi slt, %gather3A_981, %lt3A_1062 : vector<16xi32>
      %and3A_1064 = arith.andi %ge3A_1060, %lt3A_1063 : vector<16xi1>
      %add3A_1065 = arith.constant 80 : i32
      %add3A_1066 = vector.broadcast %add3A_1065 : i32 to vector<16xi32>
      %add3A_1067 = arith.addi %iota3A, %add3A_1066 : vector<16xi32>
      tpu.vector_store_idx %arg5[%sub3A_1057, %add3A_1067], %broadcast_in_dim3A_3 masked %and3A_1064 : memref<256x128xf32, #tpu.memory_space<vmem>>[vector<16xi32>, vector<16xi32>], vector<16xf32>, vector<16xi1>
      %sub3A_1068 = arith.constant 0 : i32
      %sub3A_1069 = vector.broadcast %sub3A_1068 : i32 to vector<16xi32>
      %sub3A_1070 = arith.subi %gather3A_985, %sub3A_1069 : vector<16xi32>
      %ge3A_1071 = arith.constant 0 : i32
      %ge3A_1072 = vector.broadcast %ge3A_1071 : i32 to vector<16xi32>
      %ge3A_1073 = arith.cmpi sge, %gather3A_985, %ge3A_1072 : vector<16xi32>
      %lt3A_1074 = arith.constant 256 : i32
      %lt3A_1075 = vector.broadcast %lt3A_1074 : i32 to vector<16xi32>
      %lt3A_1076 = arith.cmpi slt, %gather3A_985, %lt3A_1075 : vector<16xi32>
      %and3A_1077 = arith.andi %ge3A_1073, %lt3A_1076 : vector<16xi1>
      %add3A_1078 = arith.constant 96 : i32
      %add3A_1079 = vector.broadcast %add3A_1078 : i32 to vector<16xi32>
      %add3A_1080 = arith.addi %iota3A, %add3A_1079 : vector<16xi32>
      tpu.vector_store_idx %arg5[%sub3A_1070, %add3A_1080], %broadcast_in_dim3A_3 masked %and3A_1077 : memref<256x128xf32, #tpu.memory_space<vmem>>[vector<16xi32>, vector<16xi32>], vector<16xf32>, vector<16xi1>
      %sub3A_1081 = arith.constant 0 : i32
      %sub3A_1082 = vector.broadcast %sub3A_1081 : i32 to vector<16xi32>
      %sub3A_1083 = arith.subi %gather3A_989, %sub3A_1082 : vector<16xi32>
      %ge3A_1084 = arith.constant 0 : i32
      %ge3A_1085 = vector.broadcast %ge3A_1084 : i32 to vector<16xi32>
      %ge3A_1086 = arith.cmpi sge, %gather3A_989, %ge3A_1085 : vector<16xi32>
      %lt3A_1087 = arith.constant 256 : i32
      %lt3A_1088 = vector.broadcast %lt3A_1087 : i32 to vector<16xi32>
      %lt3A_1089 = arith.cmpi slt, %gather3A_989, %lt3A_1088 : vector<16xi32>
      %and3A_1090 = arith.andi %ge3A_1086, %lt3A_1089 : vector<16xi1>
      %add3A_1091 = arith.constant 112 : i32
      %add3A_1092 = vector.broadcast %add3A_1091 : i32 to vector<16xi32>
      %add3A_1093 = arith.addi %iota3A, %add3A_1092 : vector<16xi32>
      tpu.vector_store_idx %arg5[%sub3A_1083, %add3A_1093], %broadcast_in_dim3A_3 masked %and3A_1090 : memref<256x128xf32, #tpu.memory_space<vmem>>[vector<16xi32>, vector<16xi32>], vector<16xf32>, vector<16xi1>
      %broadcast_in_dim3A_1094 = vector.broadcast %scan3A_942 : i32 to vector<16xi32>
      %add3A_1095 = arith.constant 0 : i32
      %add3A_1096 = vector.broadcast %add3A_1095 : i32 to vector<16xi32>
      %add3A_1097 = arith.addi %iota3A, %add3A_1096 : vector<16xi32>
      %gather3A_1098 = tpu.vector_load_idx %arg4[%broadcast_in_dim3A_1094, %add3A_1097] : memref<50x128xi32, #tpu.memory_space<vmem>>[vector<16xi32>, vector<16xi32>], vector<16xi32>,
      %add3A_1099 = arith.constant 16 : i32
      %add3A_1100 = vector.broadcast %add3A_1099 : i32 to vector<16xi32>
      %add3A_1101 = arith.addi %iota3A, %add3A_1100 : vector<16xi32>
      %gather3A_1102 = tpu.vector_load_idx %arg4[%broadcast_in_dim3A_1094, %add3A_1101] : memref<50x128xi32, #tpu.memory_space<vmem>>[vector<16xi32>, vector<16xi32>], vector<16xi32>,
      %add3A_1103 = arith.constant 32 : i32
      %add3A_1104 = vector.broadcast %add3A_1103 : i32 to vector<16xi32>
      %add3A_1105 = arith.addi %iota3A, %add3A_1104 : vector<16xi32>
      %gather3A_1106 = tpu.vector_load_idx %arg4[%broadcast_in_dim3A_1094, %add3A_1105] : memref<50x128xi32, #tpu.memory_space<vmem>>[vector<16xi32>, vector<16xi32>], vector<16xi32>,
      %add3A_1107 = arith.constant 48 : i32
      %add3A_1108 = vector.broadcast %add3A_1107 : i32 to vector<16xi32>
      %add3A_1109 = arith.addi %iota3A, %add3A_1108 : vector<16xi32>
      %gather3A_1110 = tpu.vector_load_idx %arg4[%broadcast_in_dim3A_1094, %add3A_1109] : memref<50x128xi32, #tpu.memory_space<vmem>>[vector<16xi32>, vector<16xi32>], vector<16xi32>,
      %add3A_1111 = arith.constant 64 : i32
      %add3A_1112 = vector.broadcast %add3A_1111 : i32 to vector<16xi32>
      %add3A_1113 = arith.addi %iota3A, %add3A_1112 : vector<16xi32>
      %gather3A_1114 = tpu.vector_load_idx %arg4[%broadcast_in_dim3A_1094, %add3A_1113] : memref<50x128xi32, #tpu.memory_space<vmem>>[vector<16xi32>, vector<16xi32>], vector<16xi32>,
      %add3A_1115 = arith.constant 80 : i32
      %add3A_1116 = vector.broadcast %add3A_1115 : i32 to vector<16xi32>
      %add3A_1117 = arith.addi %iota3A, %add3A_1116 : vector<16xi32>
      %gather3A_1118 = tpu.vector_load_idx %arg4[%broadcast_in_dim3A_1094, %add3A_1117] : memref<50x128xi32, #tpu.memory_space<vmem>>[vector<16xi32>, vector<16xi32>], vector<16xi32>,
      %add3A_1119 = arith.constant 96 : i32
      %add3A_1120 = vector.broadcast %add3A_1119 : i32 to vector<16xi32>
      %add3A_1121 = arith.addi %iota3A, %add3A_1120 : vector<16xi32>
      %gather3A_1122 = tpu.vector_load_idx %arg4[%broadcast_in_dim3A_1094, %add3A_1121] : memref<50x128xi32, #tpu.memory_space<vmem>>[vector<16xi32>, vector<16xi32>], vector<16xi32>,
      %add3A_1123 = arith.constant 112 : i32
      %add3A_1124 = vector.broadcast %add3A_1123 : i32 to vector<16xi32>
      %add3A_1125 = arith.addi %iota3A, %add3A_1124 : vector<16xi32>
      %gather3A_1126 = tpu.vector_load_idx %arg4[%broadcast_in_dim3A_1094, %add3A_1125] : memref<50x128xi32, #tpu.memory_space<vmem>>[vector<16xi32>, vector<16xi32>], vector<16xi32>,
      %sub3A_1127 = arith.constant 512 : i32
      %sub3A_1128 = vector.broadcast %sub3A_1127 : i32 to vector<16xi32>
      %sub3A_1129 = arith.subi %gather3A_1098, %sub3A_1128 : vector<16xi32>
      %ge3A_1130 = arith.constant 512 : i32
      %ge3A_1131 = vector.broadcast %ge3A_1130 : i32 to vector<16xi32>
      %ge3A_1132 = arith.cmpi sge, %gather3A_1098, %ge3A_1131 : vector<16xi32>
      %lt3A_1133 = arith.constant 768 : i32
      %lt3A_1134 = vector.broadcast %lt3A_1133 : i32 to vector<16xi32>
      %lt3A_1135 = arith.cmpi slt, %gather3A_1098, %lt3A_1134 : vector<16xi32>
      %and3A_1136 = arith.andi %ge3A_1132, %lt3A_1135 : vector<16xi1>
      %add3A_1137 = arith.constant 0 : i32
      %add3A_1138 = vector.broadcast %add3A_1137 : i32 to vector<16xi32>
      %add3A_1139 = arith.addi %iota3A, %add3A_1138 : vector<16xi32>
      tpu.vector_store_idx %arg5[%sub3A_1129, %add3A_1139], %broadcast_in_dim3A_5 masked %and3A_1136 : memref<256x128xf32, #tpu.memory_space<vmem>>[vector<16xi32>, vector<16xi32>], vector<16xf32>, vector<16xi1>
      %sub3A_1140 = arith.constant 512 : i32
      %sub3A_1141 = vector.broadcast %sub3A_1140 : i32 to vector<16xi32>
      %sub3A_1142 = arith.subi %gather3A_1102, %sub3A_1141 : vector<16xi32>
      %ge3A_1143 = arith.constant 512 : i32
      %ge3A_1144 = vector.broadcast %ge3A_1143 : i32 to vector<16xi32>
      %ge3A_1145 = arith.cmpi sge, %gather3A_1102, %ge3A_1144 : vector<16xi32>
      %lt3A_1146 = arith.constant 768 : i32
      %lt3A_1147 = vector.broadcast %lt3A_1146 : i32 to vector<16xi32>
      %lt3A_1148 = arith.cmpi slt, %gather3A_1102, %lt3A_1147 : vector<16xi32>
      %and3A_1149 = arith.andi %ge3A_1145, %lt3A_1148 : vector<16xi1>
      %add3A_1150 = arith.constant 16 : i32
      %add3A_1151 = vector.broadcast %add3A_1150 : i32 to vector<16xi32>
      %add3A_1152 = arith.addi %iota3A, %add3A_1151 : vector<16xi32>
      tpu.vector_store_idx %arg5[%sub3A_1142, %add3A_1152], %broadcast_in_dim3A_5 masked %and3A_1149 : memref<256x128xf32, #tpu.memory_space<vmem>>[vector<16xi32>, vector<16xi32>], vector<16xf32>, vector<16xi1>
      %sub3A_1153 = arith.constant 512 : i32
      %sub3A_1154 = vector.broadcast %sub3A_1153 : i32 to vector<16xi32>
      %sub3A_1155 = arith.subi %gather3A_1106, %sub3A_1154 : vector<16xi32>
      %ge3A_1156 = arith.constant 512 : i32
      %ge3A_1157 = vector.broadcast %ge3A_1156 : i32 to vector<16xi32>
      %ge3A_1158 = arith.cmpi sge, %gather3A_1106, %ge3A_1157 : vector<16xi32>
      %lt3A_1159 = arith.constant 768 : i32
      %lt3A_1160 = vector.broadcast %lt3A_1159 : i32 to vector<16xi32>
      %lt3A_1161 = arith.cmpi slt, %gather3A_1106, %lt3A_1160 : vector<16xi32>
      %and3A_1162 = arith.andi %ge3A_1158, %lt3A_1161 : vector<16xi1>
      %add3A_1163 = arith.constant 32 : i32
      %add3A_1164 = vector.broadcast %add3A_1163 : i32 to vector<16xi32>
      %add3A_1165 = arith.addi %iota3A, %add3A_1164 : vector<16xi32>
      tpu.vector_store_idx %arg5[%sub3A_1155, %add3A_1165], %broadcast_in_dim3A_5 masked %and3A_1162 : memref<256x128xf32, #tpu.memory_space<vmem>>[vector<16xi32>, vector<16xi32>], vector<16xf32>, vector<16xi1>
      %sub3A_1166 = arith.constant 512 : i32
      %sub3A_1167 = vector.broadcast %sub3A_1166 : i32 to vector<16xi32>
      %sub3A_1168 = arith.subi %gather3A_1110, %sub3A_1167 : vector<16xi32>
      %ge3A_1169 = arith.constant 512 : i32
      %ge3A_1170 = vector.broadcast %ge3A_1169 : i32 to vector<16xi32>
      %ge3A_1171 = arith.cmpi sge, %gather3A_1110, %ge3A_1170 : vector<16xi32>
      %lt3A_1172 = arith.constant 768 : i32
      %lt3A_1173 = vector.broadcast %lt3A_1172 : i32 to vector<16xi32>
      %lt3A_1174 = arith.cmpi slt, %gather3A_1110, %lt3A_1173 : vector<16xi32>
      %and3A_1175 = arith.andi %ge3A_1171, %lt3A_1174 : vector<16xi1>
      %add3A_1176 = arith.constant 48 : i32
      %add3A_1177 = vector.broadcast %add3A_1176 : i32 to vector<16xi32>
      %add3A_1178 = arith.addi %iota3A, %add3A_1177 : vector<16xi32>
      tpu.vector_store_idx %arg5[%sub3A_1168, %add3A_1178], %broadcast_in_dim3A_5 masked %and3A_1175 : memref<256x128xf32, #tpu.memory_space<vmem>>[vector<16xi32>, vector<16xi32>], vector<16xf32>, vector<16xi1>
      %sub3A_1179 = arith.constant 512 : i32
      %sub3A_1180 = vector.broadcast %sub3A_1179 : i32 to vector<16xi32>
      %sub3A_1181 = arith.subi %gather3A_1114, %sub3A_1180 : vector<16xi32>
      %ge3A_1182 = arith.constant 512 : i32
      %ge3A_1183 = vector.broadcast %ge3A_1182 : i32 to vector<16xi32>
      %ge3A_1184 = arith.cmpi sge, %gather3A_1114, %ge3A_1183 : vector<16xi32>
      %lt3A_1185 = arith.constant 768 : i32
      %lt3A_1186 = vector.broadcast %lt3A_1185 : i32 to vector<16xi32>
      %lt3A_1187 = arith.cmpi slt, %gather3A_1114, %lt3A_1186 : vector<16xi32>
      %and3A_1188 = arith.andi %ge3A_1184, %lt3A_1187 : vector<16xi1>
      %add3A_1189 = arith.constant 64 : i32
      %add3A_1190 = vector.broadcast %add3A_1189 : i32 to vector<16xi32>
      %add3A_1191 = arith.addi %iota3A, %add3A_1190 : vector<16xi32>
      tpu.vector_store_idx %arg5[%sub3A_1181, %add3A_1191], %broadcast_in_dim3A_5 masked %and3A_1188 : memref<256x128xf32, #tpu.memory_space<vmem>>[vector<16xi32>, vector<16xi32>], vector<16xf32>, vector<16xi1>
      %sub3A_1192 = arith.constant 512 : i32
      %sub3A_1193 = vector.broadcast %sub3A_1192 : i32 to vector<16xi32>
      %sub3A_1194 = arith.subi %gather3A_1118, %sub3A_1193 : vector<16xi32>
      %ge3A_1195 = arith.constant 512 : i32
      %ge3A_1196 = vector.broadcast %ge3A_1195 : i32 to vector<16xi32>
      %ge3A_1197 = arith.cmpi sge, %gather3A_1118, %ge3A_1196 : vector<16xi32>
      %lt3A_1198 = arith.constant 768 : i32
      %lt3A_1199 = vector.broadcast %lt3A_1198 : i32 to vector<16xi32>
      %lt3A_1200 = arith.cmpi slt, %gather3A_1118, %lt3A_1199 : vector<16xi32>
      %and3A_1201 = arith.andi %ge3A_1197, %lt3A_1200 : vector<16xi1>
      %add3A_1202 = arith.constant 80 : i32
      %add3A_1203 = vector.broadcast %add3A_1202 : i32 to vector<16xi32>
      %add3A_1204 = arith.addi %iota3A, %add3A_1203 : vector<16xi32>
      tpu.vector_store_idx %arg5[%sub3A_1194, %add3A_1204], %broadcast_in_dim3A_5 masked %and3A_1201 : memref<256x128xf32, #tpu.memory_space<vmem>>[vector<16xi32>, vector<16xi32>], vector<16xf32>, vector<16xi1>
      %sub3A_1205 = arith.constant 512 : i32
      %sub3A_1206 = vector.broadcast %sub3A_1205 : i32 to vector<16xi32>
      %sub3A_1207 = arith.subi %gather3A_1122, %sub3A_1206 : vector<16xi32>
      %ge3A_1208 = arith.constant 512 : i32
      %ge3A_1209 = vector.broadcast %ge3A_1208 : i32 to vector<16xi32>
      %ge3A_1210 = arith.cmpi sge, %gather3A_1122, %ge3A_1209 : vector<16xi32>
      %lt3A_1211 = arith.constant 768 : i32
      %lt3A_1212 = vector.broadcast %lt3A_1211 : i32 to vector<16xi32>
      %lt3A_1213 = arith.cmpi slt, %gather3A_1122, %lt3A_1212 : vector<16xi32>
      %and3A_1214 = arith.andi %ge3A_1210, %lt3A_1213 : vector<16xi1>
      %add3A_1215 = arith.constant 96 : i32
      %add3A_1216 = vector.broadcast %add3A_1215 : i32 to vector<16xi32>
      %add3A_1217 = arith.addi %iota3A, %add3A_1216 : vector<16xi32>
      tpu.vector_store_idx %arg5[%sub3A_1207, %add3A_1217], %broadcast_in_dim3A_5 masked %and3A_1214 : memref<256x128xf32, #tpu.memory_space<vmem>>[vector<16xi32>, vector<16xi32>], vector<16xf32>, vector<16xi1>
      %sub3A_1218 = arith.constant 512 : i32
      %sub3A_1219 = vector.broadcast %sub3A_1218 : i32 to vector<16xi32>
      %sub3A_1220 = arith.subi %gather3A_1126, %sub3A_1219 : vector<16xi32>
      %ge3A_1221 = arith.constant 512 : i32
      %ge3A_1222 = vector.broadcast %ge3A_1221 : i32 to vector<16xi32>
      %ge3A_1223 = arith.cmpi sge, %gather3A_1126, %ge3A_1222 : vector<16xi32>
      %lt3A_1224 = arith.constant 768 : i32
      %lt3A_1225 = vector.broadcast %lt3A_1224 : i32 to vector<16xi32>
      %lt3A_1226 = arith.cmpi slt, %gather3A_1126, %lt3A_1225 : vector<16xi32>
      %and3A_1227 = arith.andi %ge3A_1223, %lt3A_1226 : vector<16xi1>
      %add3A_1228 = arith.constant 112 : i32
      %add3A_1229 = vector.broadcast %add3A_1228 : i32 to vector<16xi32>
      %add3A_1230 = arith.addi %iota3A, %add3A_1229 : vector<16xi32>
      tpu.vector_store_idx %arg5[%sub3A_1220, %add3A_1230], %broadcast_in_dim3A_5 masked %and3A_1227 : memref<256x128xf32, #tpu.memory_space<vmem>>[vector<16xi32>, vector<16xi32>], vector<16xf32>, vector<16xi1>
      %dma_start3A_1231 = arith.constant 0 : i32
      %dma_start3A_1232 = arith.constant 0 : i32
      %dma_start3A_1233 = tpu.memref_slice %arg5[%dma_start3A_1231, %dma_start3A_1232] : memref<256x128xf32, #tpu.memory_space<vmem>> -> memref<256x128xf32, #tpu.memory_space<vmem>>
      %dma_start3A_1234 = arith.constant 512 : i32
      %dma_start3A_1235 = tpu.memref_slice %arg3[%scan3A_942, %dma_start3A_1234, %mul3A_2] : memref<50x1000x4096xf32, #tpu.memory_space<hbm>> -> memref<1x256x128xf32, #tpu.memory_space<hbm>>
      %dma_start3A_1236 = tpu.memref_squeeze %dma_start3A_1235 : memref<1x256x128xf32, #tpu.memory_space<hbm>> -> memref<256x128xf32, #tpu.memory_space<hbm>>
      %dma_start3A_1237 = arith.constant 512 : i32
      %dma_start3A_1238 = tpu.memref_slice %arg3[%scan3A_942, %dma_start3A_1237, %mul3A_2] : memref<50x1000x4096xf32, #tpu.memory_space<hbm>> -> memref<1x256x128xf32, #tpu.memory_space<hbm>>
      %dma_start3A_1239 = tpu.memref_squeeze %dma_start3A_1238 : memref<1x256x128xf32, #tpu.memory_space<hbm>> -> memref<256x128xf32, #tpu.memory_space<hbm>>
      %dma_start3A_1240 = arith.constant 0 : i32
      %dma_start3A_1241 = arith.constant 0 : i32
      %dma_start3A_1242 = tpu.memref_slice %arg5[%dma_start3A_1240, %dma_start3A_1241] : memref<256x128xf32, #tpu.memory_space<vmem>> -> memref<256x128xf32, #tpu.memory_space<vmem>>
      tpu.enqueue_dma source(%dma_start3A_1242 : memref<256x128xf32, #tpu.memory_space<vmem>>) target(%dma_start3A_1239 : memref<256x128xf32, #tpu.memory_space<hbm>>) target_semaphore(%arg7 : memref<!tpu.dma_semaphore, #tpu.memory_space<semaphore_mem>>)
      %sub3A_1243 = arith.constant 0 : i32
      %sub3A_1244 = arith.subi %scan3A_942, %sub3A_1243 : i32
      %dma_wait3A_1245 = arith.constant 0 : i32
      %dma_wait3A_1246 = arith.constant 0 : i32
      %dma_wait3A_1247 = tpu.memref_slice %arg6[%dma_wait3A_1245, %dma_wait3A_1246] : memref<256x128xf32, #tpu.memory_space<vmem>> -> memref<256x128xf32, #tpu.memory_space<vmem>>
      %dma_wait3A_1248 = arith.constant 256 : i32
      %dma_wait3A_1249 = tpu.memref_slice %arg3[%sub3A_1244, %dma_wait3A_1248, %mul3A_2] : memref<50x1000x4096xf32, #tpu.memory_space<hbm>> -> memref<1x256x128xf32, #tpu.memory_space<hbm>>
      %dma_wait3A_1250 = tpu.memref_squeeze %dma_wait3A_1249 : memref<1x256x128xf32, #tpu.memory_space<hbm>> -> memref<256x128xf32, #tpu.memory_space<hbm>>
      %dma_wait3A_1251 = arith.constant 256 : i32
      %dma_wait3A_1252 = tpu.memref_slice %arg3[%sub3A_1244, %dma_wait3A_1251, %mul3A_2] : memref<50x1000x4096xf32, #tpu.memory_space<hbm>> -> memref<1x256x128xf32, #tpu.memory_space<hbm>>
      %dma_wait3A_1253 = tpu.memref_squeeze %dma_wait3A_1252 : memref<1x256x128xf32, #tpu.memory_space<hbm>> -> memref<256x128xf32, #tpu.memory_space<hbm>>
      %dma_wait3A_1254 = arith.constant 0 : i32
      %dma_wait3A_1255 = arith.constant 0 : i32
      %dma_wait3A_1256 = tpu.memref_slice %arg6[%dma_wait3A_1254, %dma_wait3A_1255] : memref<256x128xf32, #tpu.memory_space<vmem>> -> memref<256x128xf32, #tpu.memory_space<vmem>>
      tpu.wait_dma2 semaphore(%arg8 : memref<!tpu.dma_semaphore, #tpu.memory_space<semaphore_mem>>) src(%dma_wait3A_1256 : memref<256x128xf32, #tpu.memory_space<vmem>>) dst(%dma_wait3A_1253 : memref<256x128xf32, #tpu.memory_space<hbm>>)
      %broadcast_in_dim3A_1257 = vector.broadcast %sub3A_1244 : i32 to vector<16xi32>
      %add3A_1258 = arith.constant 0 : i32
      %add3A_1259 = vector.broadcast %add3A_1258 : i32 to vector<16xi32>
      %add3A_1260 = arith.addi %iota3A, %add3A_1259 : vector<16xi32>
      %gather3A_1261 = tpu.vector_load_idx %arg4[%broadcast_in_dim3A_1257, %add3A_1260] : memref<50x128xi32, #tpu.memory_space<vmem>>[vector<16xi32>, vector<16xi32>], vector<16xi32>,
      %add3A_1262 = arith.constant 16 : i32
      %add3A_1263 = vector.broadcast %add3A_1262 : i32 to vector<16xi32>
      %add3A_1264 = arith.addi %iota3A, %add3A_1263 : vector<16xi32>
      %gather3A_1265 = tpu.vector_load_idx %arg4[%broadcast_in_dim3A_1257, %add3A_1264] : memref<50x128xi32, #tpu.memory_space<vmem>>[vector<16xi32>, vector<16xi32>], vector<16xi32>,
      %add3A_1266 = arith.constant 32 : i32
      %add3A_1267 = vector.broadcast %add3A_1266 : i32 to vector<16xi32>
      %add3A_1268 = arith.addi %iota3A, %add3A_1267 : vector<16xi32>
      %gather3A_1269 = tpu.vector_load_idx %arg4[%broadcast_in_dim3A_1257, %add3A_1268] : memref<50x128xi32, #tpu.memory_space<vmem>>[vector<16xi32>, vector<16xi32>], vector<16xi32>,
      %add3A_1270 = arith.constant 48 : i32
      %add3A_1271 = vector.broadcast %add3A_1270 : i32 to vector<16xi32>
      %add3A_1272 = arith.addi %iota3A, %add3A_1271 : vector<16xi32>
      %gather3A_1273 = tpu.vector_load_idx %arg4[%broadcast_in_dim3A_1257, %add3A_1272] : memref<50x128xi32, #tpu.memory_space<vmem>>[vector<16xi32>, vector<16xi32>], vector<16xi32>,
      %add3A_1274 = arith.constant 64 : i32
      %add3A_1275 = vector.broadcast %add3A_1274 : i32 to vector<16xi32>
      %add3A_1276 = arith.addi %iota3A, %add3A_1275 : vector<16xi32>
      %gather3A_1277 = tpu.vector_load_idx %arg4[%broadcast_in_dim3A_1257, %add3A_1276] : memref<50x128xi32, #tpu.memory_space<vmem>>[vector<16xi32>, vector<16xi32>], vector<16xi32>,
      %add3A_1278 = arith.constant 80 : i32
      %add3A_1279 = vector.broadcast %add3A_1278 : i32 to vector<16xi32>
      %add3A_1280 = arith.addi %iota3A, %add3A_1279 : vector<16xi32>
      %gather3A_1281 = tpu.vector_load_idx %arg4[%broadcast_in_dim3A_1257, %add3A_1280] : memref<50x128xi32, #tpu.memory_space<vmem>>[vector<16xi32>, vector<16xi32>], vector<16xi32>,
      %add3A_1282 = arith.constant 96 : i32
      %add3A_1283 = vector.broadcast %add3A_1282 : i32 to vector<16xi32>
      %add3A_1284 = arith.addi %iota3A, %add3A_1283 : vector<16xi32>
      %gather3A_1285 = tpu.vector_load_idx %arg4[%broadcast_in_dim3A_1257, %add3A_1284] : memref<50x128xi32, #tpu.memory_space<vmem>>[vector<16xi32>, vector<16xi32>], vector<16xi32>,
      %add3A_1286 = arith.constant 112 : i32
      %add3A_1287 = vector.broadcast %add3A_1286 : i32 to vector<16xi32>
      %add3A_1288 = arith.addi %iota3A, %add3A_1287 : vector<16xi32>
      %gather3A_1289 = tpu.vector_load_idx %arg4[%broadcast_in_dim3A_1257, %add3A_1288] : memref<50x128xi32, #tpu.memory_space<vmem>>[vector<16xi32>, vector<16xi32>], vector<16xi32>,
      %sub3A_1290 = arith.constant 256 : i32
      %sub3A_1291 = vector.broadcast %sub3A_1290 : i32 to vector<16xi32>
      %sub3A_1292 = arith.subi %gather3A_1261, %sub3A_1291 : vector<16xi32>
      %ge3A_1293 = arith.constant 256 : i32
      %ge3A_1294 = vector.broadcast %ge3A_1293 : i32 to vector<16xi32>
      %ge3A_1295 = arith.cmpi sge, %gather3A_1261, %ge3A_1294 : vector<16xi32>
      %lt3A_1296 = arith.constant 512 : i32
      %lt3A_1297 = vector.broadcast %lt3A_1296 : i32 to vector<16xi32>
      %lt3A_1298 = arith.cmpi slt, %gather3A_1261, %lt3A_1297 : vector<16xi32>
      %and3A_1299 = arith.andi %ge3A_1295, %lt3A_1298 : vector<16xi1>
      %add3A_1300 = arith.constant 0 : i32
      %add3A_1301 = vector.broadcast %add3A_1300 : i32 to vector<16xi32>
      %add3A_1302 = arith.addi %iota3A, %add3A_1301 : vector<16xi32>
      tpu.vector_store_idx %arg6[%sub3A_1292, %add3A_1302], %broadcast_in_dim3A_3 masked %and3A_1299 : memref<256x128xf32, #tpu.memory_space<vmem>>[vector<16xi32>, vector<16xi32>], vector<16xf32>, vector<16xi1>
      %sub3A_1303 = arith.constant 256 : i32
      %sub3A_1304 = vector.broadcast %sub3A_1303 : i32 to vector<16xi32>
      %sub3A_1305 = arith.subi %gather3A_1265, %sub3A_1304 : vector<16xi32>
      %ge3A_1306 = arith.constant 256 : i32
      %ge3A_1307 = vector.broadcast %ge3A_1306 : i32 to vector<16xi32>
      %ge3A_1308 = arith.cmpi sge, %gather3A_1265, %ge3A_1307 : vector<16xi32>
      %lt3A_1309 = arith.constant 512 : i32
      %lt3A_1310 = vector.broadcast %lt3A_1309 : i32 to vector<16xi32>
      %lt3A_1311 = arith.cmpi slt, %gather3A_1265, %lt3A_1310 : vector<16xi32>
      %and3A_1312 = arith.andi %ge3A_1308, %lt3A_1311 : vector<16xi1>
      %add3A_1313 = arith.constant 16 : i32
      %add3A_1314 = vector.broadcast %add3A_1313 : i32 to vector<16xi32>
      %add3A_1315 = arith.addi %iota3A, %add3A_1314 : vector<16xi32>
      tpu.vector_store_idx %arg6[%sub3A_1305, %add3A_1315], %broadcast_in_dim3A_3 masked %and3A_1312 : memref<256x128xf32, #tpu.memory_space<vmem>>[vector<16xi32>, vector<16xi32>], vector<16xf32>, vector<16xi1>
      %sub3A_1316 = arith.constant 256 : i32
      %sub3A_1317 = vector.broadcast %sub3A_1316 : i32 to vector<16xi32>
      %sub3A_1318 = arith.subi %gather3A_1269, %sub3A_1317 : vector<16xi32>
      %ge3A_1319 = arith.constant 256 : i32
      %ge3A_1320 = vector.broadcast %ge3A_1319 : i32 to vector<16xi32>
      %ge3A_1321 = arith.cmpi sge, %gather3A_1269, %ge3A_1320 : vector<16xi32>
      %lt3A_1322 = arith.constant 512 : i32
      %lt3A_1323 = vector.broadcast %lt3A_1322 : i32 to vector<16xi32>
      %lt3A_1324 = arith.cmpi slt, %gather3A_1269, %lt3A_1323 : vector<16xi32>
      %and3A_1325 = arith.andi %ge3A_1321, %lt3A_1324 : vector<16xi1>
      %add3A_1326 = arith.constant 32 : i32
      %add3A_1327 = vector.broadcast %add3A_1326 : i32 to vector<16xi32>
      %add3A_1328 = arith.addi %iota3A, %add3A_1327 : vector<16xi32>
      tpu.vector_store_idx %arg6[%sub3A_1318, %add3A_1328], %broadcast_in_dim3A_3 masked %and3A_1325 : memref<256x128xf32, #tpu.memory_space<vmem>>[vector<16xi32>, vector<16xi32>], vector<16xf32>, vector<16xi1>
      %sub3A_1329 = arith.constant 256 : i32
      %sub3A_1330 = vector.broadcast %sub3A_1329 : i32 to vector<16xi32>
      %sub3A_1331 = arith.subi %gather3A_1273, %sub3A_1330 : vector<16xi32>
      %ge3A_1332 = arith.constant 256 : i32
      %ge3A_1333 = vector.broadcast %ge3A_1332 : i32 to vector<16xi32>
      %ge3A_1334 = arith.cmpi sge, %gather3A_1273, %ge3A_1333 : vector<16xi32>
      %lt3A_1335 = arith.constant 512 : i32
      %lt3A_1336 = vector.broadcast %lt3A_1335 : i32 to vector<16xi32>
      %lt3A_1337 = arith.cmpi slt, %gather3A_1273, %lt3A_1336 : vector<16xi32>
      %and3A_1338 = arith.andi %ge3A_1334, %lt3A_1337 : vector<16xi1>
      %add3A_1339 = arith.constant 48 : i32
      %add3A_1340 = vector.broadcast %add3A_1339 : i32 to vector<16xi32>
      %add3A_1341 = arith.addi %iota3A, %add3A_1340 : vector<16xi32>
      tpu.vector_store_idx %arg6[%sub3A_1331, %add3A_1341], %broadcast_in_dim3A_3 masked %and3A_1338 : memref<256x128xf32, #tpu.memory_space<vmem>>[vector<16xi32>, vector<16xi32>], vector<16xf32>, vector<16xi1>
      %sub3A_1342 = arith.constant 256 : i32
      %sub3A_1343 = vector.broadcast %sub3A_1342 : i32 to vector<16xi32>
      %sub3A_1344 = arith.subi %gather3A_1277, %sub3A_1343 : vector<16xi32>
      %ge3A_1345 = arith.constant 256 : i32
      %ge3A_1346 = vector.broadcast %ge3A_1345 : i32 to vector<16xi32>
      %ge3A_1347 = arith.cmpi sge, %gather3A_1277, %ge3A_1346 : vector<16xi32>
      %lt3A_1348 = arith.constant 512 : i32
      %lt3A_1349 = vector.broadcast %lt3A_1348 : i32 to vector<16xi32>
      %lt3A_1350 = arith.cmpi slt, %gather3A_1277, %lt3A_1349 : vector<16xi32>
      %and3A_1351 = arith.andi %ge3A_1347, %lt3A_1350 : vector<16xi1>
      %add3A_1352 = arith.constant 64 : i32
      %add3A_1353 = vector.broadcast %add3A_1352 : i32 to vector<16xi32>
      %add3A_1354 = arith.addi %iota3A, %add3A_1353 : vector<16xi32>
      tpu.vector_store_idx %arg6[%sub3A_1344, %add3A_1354], %broadcast_in_dim3A_3 masked %and3A_1351 : memref<256x128xf32, #tpu.memory_space<vmem>>[vector<16xi32>, vector<16xi32>], vector<16xf32>, vector<16xi1>
      %sub3A_1355 = arith.constant 256 : i32
      %sub3A_1356 = vector.broadcast %sub3A_1355 : i32 to vector<16xi32>
      %sub3A_1357 = arith.subi %gather3A_1281, %sub3A_1356 : vector<16xi32>
      %ge3A_1358 = arith.constant 256 : i32
      %ge3A_1359 = vector.broadcast %ge3A_1358 : i32 to vector<16xi32>
      %ge3A_1360 = arith.cmpi sge, %gather3A_1281, %ge3A_1359 : vector<16xi32>
      %lt3A_1361 = arith.constant 512 : i32
      %lt3A_1362 = vector.broadcast %lt3A_1361 : i32 to vector<16xi32>
      %lt3A_1363 = arith.cmpi slt, %gather3A_1281, %lt3A_1362 : vector<16xi32>
      %and3A_1364 = arith.andi %ge3A_1360, %lt3A_1363 : vector<16xi1>
      %add3A_1365 = arith.constant 80 : i32
      %add3A_1366 = vector.broadcast %add3A_1365 : i32 to vector<16xi32>
      %add3A_1367 = arith.addi %iota3A, %add3A_1366 : vector<16xi32>
      tpu.vector_store_idx %arg6[%sub3A_1357, %add3A_1367], %broadcast_in_dim3A_3 masked %and3A_1364 : memref<256x128xf32, #tpu.memory_space<vmem>>[vector<16xi32>, vector<16xi32>], vector<16xf32>, vector<16xi1>
      %sub3A_1368 = arith.constant 256 : i32
      %sub3A_1369 = vector.broadcast %sub3A_1368 : i32 to vector<16xi32>
      %sub3A_1370 = arith.subi %gather3A_1285, %sub3A_1369 : vector<16xi32>
      %ge3A_1371 = arith.constant 256 : i32
      %ge3A_1372 = vector.broadcast %ge3A_1371 : i32 to vector<16xi32>
      %ge3A_1373 = arith.cmpi sge, %gather3A_1285, %ge3A_1372 : vector<16xi32>
      %lt3A_1374 = arith.constant 512 : i32
      %lt3A_1375 = vector.broadcast %lt3A_1374 : i32 to vector<16xi32>
      %lt3A_1376 = arith.cmpi slt, %gather3A_1285, %lt3A_1375 : vector<16xi32>
      %and3A_1377 = arith.andi %ge3A_1373, %lt3A_1376 : vector<16xi1>
      %add3A_1378 = arith.constant 96 : i32
      %add3A_1379 = vector.broadcast %add3A_1378 : i32 to vector<16xi32>
      %add3A_1380 = arith.addi %iota3A, %add3A_1379 : vector<16xi32>
      tpu.vector_store_idx %arg6[%sub3A_1370, %add3A_1380], %broadcast_in_dim3A_3 masked %and3A_1377 : memref<256x128xf32, #tpu.memory_space<vmem>>[vector<16xi32>, vector<16xi32>], vector<16xf32>, vector<16xi1>
      %sub3A_1381 = arith.constant 256 : i32
      %sub3A_1382 = vector.broadcast %sub3A_1381 : i32 to vector<16xi32>
      %sub3A_1383 = arith.subi %gather3A_1289, %sub3A_1382 : vector<16xi32>
      %ge3A_1384 = arith.constant 256 : i32
      %ge3A_1385 = vector.broadcast %ge3A_1384 : i32 to vector<16xi32>
      %ge3A_1386 = arith.cmpi sge, %gather3A_1289, %ge3A_1385 : vector<16xi32>
      %lt3A_1387 = arith.constant 512 : i32
      %lt3A_1388 = vector.broadcast %lt3A_1387 : i32 to vector<16xi32>
      %lt3A_1389 = arith.cmpi slt, %gather3A_1289, %lt3A_1388 : vector<16xi32>
      %and3A_1390 = arith.andi %ge3A_1386, %lt3A_1389 : vector<16xi1>
      %add3A_1391 = arith.constant 112 : i32
      %add3A_1392 = vector.broadcast %add3A_1391 : i32 to vector<16xi32>
      %add3A_1393 = arith.addi %iota3A, %add3A_1392 : vector<16xi32>
      tpu.vector_store_idx %arg6[%sub3A_1383, %add3A_1393], %broadcast_in_dim3A_3 masked %and3A_1390 : memref<256x128xf32, #tpu.memory_space<vmem>>[vector<16xi32>, vector<16xi32>], vector<16xf32>, vector<16xi1>
      %broadcast_in_dim3A_1394 = vector.broadcast %scan3A_942 : i32 to vector<16xi32>
      %add3A_1395 = arith.constant 0 : i32
      %add3A_1396 = vector.broadcast %add3A_1395 : i32 to vector<16xi32>
      %add3A_1397 = arith.addi %iota3A, %add3A_1396 : vector<16xi32>
      %gather3A_1398 = tpu.vector_load_idx %arg4[%broadcast_in_dim3A_1394, %add3A_1397] : memref<50x128xi32, #tpu.memory_space<vmem>>[vector<16xi32>, vector<16xi32>], vector<16xi32>,
      %add3A_1399 = arith.constant 16 : i32
      %add3A_1400 = vector.broadcast %add3A_1399 : i32 to vector<16xi32>
      %add3A_1401 = arith.addi %iota3A, %add3A_1400 : vector<16xi32>
      %gather3A_1402 = tpu.vector_load_idx %arg4[%broadcast_in_dim3A_1394, %add3A_1401] : memref<50x128xi32, #tpu.memory_space<vmem>>[vector<16xi32>, vector<16xi32>], vector<16xi32>,
      %add3A_1403 = arith.constant 32 : i32
      %add3A_1404 = vector.broadcast %add3A_1403 : i32 to vector<16xi32>
      %add3A_1405 = arith.addi %iota3A, %add3A_1404 : vector<16xi32>
      %gather3A_1406 = tpu.vector_load_idx %arg4[%broadcast_in_dim3A_1394, %add3A_1405] : memref<50x128xi32, #tpu.memory_space<vmem>>[vector<16xi32>, vector<16xi32>], vector<16xi32>,
      %add3A_1407 = arith.constant 48 : i32
      %add3A_1408 = vector.broadcast %add3A_1407 : i32 to vector<16xi32>
      %add3A_1409 = arith.addi %iota3A, %add3A_1408 : vector<16xi32>
      %gather3A_1410 = tpu.vector_load_idx %arg4[%broadcast_in_dim3A_1394, %add3A_1409] : memref<50x128xi32, #tpu.memory_space<vmem>>[vector<16xi32>, vector<16xi32>], vector<16xi32>,
      %add3A_1411 = arith.constant 64 : i32
      %add3A_1412 = vector.broadcast %add3A_1411 : i32 to vector<16xi32>
      %add3A_1413 = arith.addi %iota3A, %add3A_1412 : vector<16xi32>
      %gather3A_1414 = tpu.vector_load_idx %arg4[%broadcast_in_dim3A_1394, %add3A_1413] : memref<50x128xi32, #tpu.memory_space<vmem>>[vector<16xi32>, vector<16xi32>], vector<16xi32>,
      %add3A_1415 = arith.constant 80 : i32
      %add3A_1416 = vector.broadcast %add3A_1415 : i32 to vector<16xi32>
      %add3A_1417 = arith.addi %iota3A, %add3A_1416 : vector<16xi32>
      %gather3A_1418 = tpu.vector_load_idx %arg4[%broadcast_in_dim3A_1394, %add3A_1417] : memref<50x128xi32, #tpu.memory_space<vmem>>[vector<16xi32>, vector<16xi32>], vector<16xi32>,
      %add3A_1419 = arith.constant 96 : i32
      %add3A_1420 = vector.broadcast %add3A_1419 : i32 to vector<16xi32>
      %add3A_1421 = arith.addi %iota3A, %add3A_1420 : vector<16xi32>
      %gather3A_1422 = tpu.vector_load_idx %arg4[%broadcast_in_dim3A_1394, %add3A_1421] : memref<50x128xi32, #tpu.memory_space<vmem>>[vector<16xi32>, vector<16xi32>], vector<16xi32>,
      %add3A_1423 = arith.constant 112 : i32
      %add3A_1424 = vector.broadcast %add3A_1423 : i32 to vector<16xi32>
      %add3A_1425 = arith.addi %iota3A, %add3A_1424 : vector<16xi32>
      %gather3A_1426 = tpu.vector_load_idx %arg4[%broadcast_in_dim3A_1394, %add3A_1425] : memref<50x128xi32, #tpu.memory_space<vmem>>[vector<16xi32>, vector<16xi32>], vector<16xi32>,
      %sub3A_1427 = arith.constant 768 : i32
      %sub3A_1428 = vector.broadcast %sub3A_1427 : i32 to vector<16xi32>
      %sub3A_1429 = arith.subi %gather3A_1398, %sub3A_1428 : vector<16xi32>
      %ge3A_1430 = arith.constant 768 : i32
      %ge3A_1431 = vector.broadcast %ge3A_1430 : i32 to vector<16xi32>
      %ge3A_1432 = arith.cmpi sge, %gather3A_1398, %ge3A_1431 : vector<16xi32>
      %lt3A_1433 = arith.constant 1000 : i32
      %lt3A_1434 = vector.broadcast %lt3A_1433 : i32 to vector<16xi32>
      %lt3A_1435 = arith.cmpi slt, %gather3A_1398, %lt3A_1434 : vector<16xi32>
      %and3A_1436 = arith.andi %ge3A_1432, %lt3A_1435 : vector<16xi1>
      %add3A_1437 = arith.constant 0 : i32
      %add3A_1438 = vector.broadcast %add3A_1437 : i32 to vector<16xi32>
      %add3A_1439 = arith.addi %iota3A, %add3A_1438 : vector<16xi32>
      tpu.vector_store_idx %arg6[%sub3A_1429, %add3A_1439], %broadcast_in_dim3A_5 masked %and3A_1436 : memref<256x128xf32, #tpu.memory_space<vmem>>[vector<16xi32>, vector<16xi32>], vector<16xf32>, vector<16xi1>
      %sub3A_1440 = arith.constant 768 : i32
      %sub3A_1441 = vector.broadcast %sub3A_1440 : i32 to vector<16xi32>
      %sub3A_1442 = arith.subi %gather3A_1402, %sub3A_1441 : vector<16xi32>
      %ge3A_1443 = arith.constant 768 : i32
      %ge3A_1444 = vector.broadcast %ge3A_1443 : i32 to vector<16xi32>
      %ge3A_1445 = arith.cmpi sge, %gather3A_1402, %ge3A_1444 : vector<16xi32>
      %lt3A_1446 = arith.constant 1000 : i32
      %lt3A_1447 = vector.broadcast %lt3A_1446 : i32 to vector<16xi32>
      %lt3A_1448 = arith.cmpi slt, %gather3A_1402, %lt3A_1447 : vector<16xi32>
      %and3A_1449 = arith.andi %ge3A_1445, %lt3A_1448 : vector<16xi1>
      %add3A_1450 = arith.constant 16 : i32
      %add3A_1451 = vector.broadcast %add3A_1450 : i32 to vector<16xi32>
      %add3A_1452 = arith.addi %iota3A, %add3A_1451 : vector<16xi32>
      tpu.vector_store_idx %arg6[%sub3A_1442, %add3A_1452], %broadcast_in_dim3A_5 masked %and3A_1449 : memref<256x128xf32, #tpu.memory_space<vmem>>[vector<16xi32>, vector<16xi32>], vector<16xf32>, vector<16xi1>
      %sub3A_1453 = arith.constant 768 : i32
      %sub3A_1454 = vector.broadcast %sub3A_1453 : i32 to vector<16xi32>
      %sub3A_1455 = arith.subi %gather3A_1406, %sub3A_1454 : vector<16xi32>
      %ge3A_1456 = arith.constant 768 : i32
      %ge3A_1457 = vector.broadcast %ge3A_1456 : i32 to vector<16xi32>
      %ge3A_1458 = arith.cmpi sge, %gather3A_1406, %ge3A_1457 : vector<16xi32>
      %lt3A_1459 = arith.constant 1000 : i32
      %lt3A_1460 = vector.broadcast %lt3A_1459 : i32 to vector<16xi32>
      %lt3A_1461 = arith.cmpi slt, %gather3A_1406, %lt3A_1460 : vector<16xi32>
      %and3A_1462 = arith.andi %ge3A_1458, %lt3A_1461 : vector<16xi1>
      %add3A_1463 = arith.constant 32 : i32
      %add3A_1464 = vector.broadcast %add3A_1463 : i32 to vector<16xi32>
      %add3A_1465 = arith.addi %iota3A, %add3A_1464 : vector<16xi32>
      tpu.vector_store_idx %arg6[%sub3A_1455, %add3A_1465], %broadcast_in_dim3A_5 masked %and3A_1462 : memref<256x128xf32, #tpu.memory_space<vmem>>[vector<16xi32>, vector<16xi32>], vector<16xf32>, vector<16xi1>
      %sub3A_1466 = arith.constant 768 : i32
      %sub3A_1467 = vector.broadcast %sub3A_1466 : i32 to vector<16xi32>
      %sub3A_1468 = arith.subi %gather3A_1410, %sub3A_1467 : vector<16xi32>
      %ge3A_1469 = arith.constant 768 : i32
      %ge3A_1470 = vector.broadcast %ge3A_1469 : i32 to vector<16xi32>
      %ge3A_1471 = arith.cmpi sge, %gather3A_1410, %ge3A_1470 : vector<16xi32>
      %lt3A_1472 = arith.constant 1000 : i32
      %lt3A_1473 = vector.broadcast %lt3A_1472 : i32 to vector<16xi32>
      %lt3A_1474 = arith.cmpi slt, %gather3A_1410, %lt3A_1473 : vector<16xi32>
      %and3A_1475 = arith.andi %ge3A_1471, %lt3A_1474 : vector<16xi1>
      %add3A_1476 = arith.constant 48 : i32
      %add3A_1477 = vector.broadcast %add3A_1476 : i32 to vector<16xi32>
      %add3A_1478 = arith.addi %iota3A, %add3A_1477 : vector<16xi32>
      tpu.vector_store_idx %arg6[%sub3A_1468, %add3A_1478], %broadcast_in_dim3A_5 masked %and3A_1475 : memref<256x128xf32, #tpu.memory_space<vmem>>[vector<16xi32>, vector<16xi32>], vector<16xf32>, vector<16xi1>
      %sub3A_1479 = arith.constant 768 : i32
      %sub3A_1480 = vector.broadcast %sub3A_1479 : i32 to vector<16xi32>
      %sub3A_1481 = arith.subi %gather3A_1414, %sub3A_1480 : vector<16xi32>
      %ge3A_1482 = arith.constant 768 : i32
      %ge3A_1483 = vector.broadcast %ge3A_1482 : i32 to vector<16xi32>
      %ge3A_1484 = arith.cmpi sge, %gather3A_1414, %ge3A_1483 : vector<16xi32>
      %lt3A_1485 = arith.constant 1000 : i32
      %lt3A_1486 = vector.broadcast %lt3A_1485 : i32 to vector<16xi32>
      %lt3A_1487 = arith.cmpi slt, %gather3A_1414, %lt3A_1486 : vector<16xi32>
      %and3A_1488 = arith.andi %ge3A_1484, %lt3A_1487 : vector<16xi1>
      %add3A_1489 = arith.constant 64 : i32
      %add3A_1490 = vector.broadcast %add3A_1489 : i32 to vector<16xi32>
      %add3A_1491 = arith.addi %iota3A, %add3A_1490 : vector<16xi32>
      tpu.vector_store_idx %arg6[%sub3A_1481, %add3A_1491], %broadcast_in_dim3A_5 masked %and3A_1488 : memref<256x128xf32, #tpu.memory_space<vmem>>[vector<16xi32>, vector<16xi32>], vector<16xf32>, vector<16xi1>
      %sub3A_1492 = arith.constant 768 : i32
      %sub3A_1493 = vector.broadcast %sub3A_1492 : i32 to vector<16xi32>
      %sub3A_1494 = arith.subi %gather3A_1418, %sub3A_1493 : vector<16xi32>
      %ge3A_1495 = arith.constant 768 : i32
      %ge3A_1496 = vector.broadcast %ge3A_1495 : i32 to vector<16xi32>
      %ge3A_1497 = arith.cmpi sge, %gather3A_1418, %ge3A_1496 : vector<16xi32>
      %lt3A_1498 = arith.constant 1000 : i32
      %lt3A_1499 = vector.broadcast %lt3A_1498 : i32 to vector<16xi32>
      %lt3A_1500 = arith.cmpi slt, %gather3A_1418, %lt3A_1499 : vector<16xi32>
      %and3A_1501 = arith.andi %ge3A_1497, %lt3A_1500 : vector<16xi1>
      %add3A_1502 = arith.constant 80 : i32
      %add3A_1503 = vector.broadcast %add3A_1502 : i32 to vector<16xi32>
      %add3A_1504 = arith.addi %iota3A, %add3A_1503 : vector<16xi32>
      tpu.vector_store_idx %arg6[%sub3A_1494, %add3A_1504], %broadcast_in_dim3A_5 masked %and3A_1501 : memref<256x128xf32, #tpu.memory_space<vmem>>[vector<16xi32>, vector<16xi32>], vector<16xf32>, vector<16xi1>
      %sub3A_1505 = arith.constant 768 : i32
      %sub3A_1506 = vector.broadcast %sub3A_1505 : i32 to vector<16xi32>
      %sub3A_1507 = arith.subi %gather3A_1422, %sub3A_1506 : vector<16xi32>
      %ge3A_1508 = arith.constant 768 : i32
      %ge3A_1509 = vector.broadcast %ge3A_1508 : i32 to vector<16xi32>
      %ge3A_1510 = arith.cmpi sge, %gather3A_1422, %ge3A_1509 : vector<16xi32>
      %lt3A_1511 = arith.constant 1000 : i32
      %lt3A_1512 = vector.broadcast %lt3A_1511 : i32 to vector<16xi32>
      %lt3A_1513 = arith.cmpi slt, %gather3A_1422, %lt3A_1512 : vector<16xi32>
      %and3A_1514 = arith.andi %ge3A_1510, %lt3A_1513 : vector<16xi1>
      %add3A_1515 = arith.constant 96 : i32
      %add3A_1516 = vector.broadcast %add3A_1515 : i32 to vector<16xi32>
      %add3A_1517 = arith.addi %iota3A, %add3A_1516 : vector<16xi32>
      tpu.vector_store_idx %arg6[%sub3A_1507, %add3A_1517], %broadcast_in_dim3A_5 masked %and3A_1514 : memref<256x128xf32, #tpu.memory_space<vmem>>[vector<16xi32>, vector<16xi32>], vector<16xf32>, vector<16xi1>
      %sub3A_1518 = arith.constant 768 : i32
      %sub3A_1519 = vector.broadcast %sub3A_1518 : i32 to vector<16xi32>
      %sub3A_1520 = arith.subi %gather3A_1426, %sub3A_1519 : vector<16xi32>
      %ge3A_1521 = arith.constant 768 : i32
      %ge3A_1522 = vector.broadcast %ge3A_1521 : i32 to vector<16xi32>
      %ge3A_1523 = arith.cmpi sge, %gather3A_1426, %ge3A_1522 : vector<16xi32>
      %lt3A_1524 = arith.constant 1000 : i32
      %lt3A_1525 = vector.broadcast %lt3A_1524 : i32 to vector<16xi32>
      %lt3A_1526 = arith.cmpi slt, %gather3A_1426, %lt3A_1525 : vector<16xi32>
      %and3A_1527 = arith.andi %ge3A_1523, %lt3A_1526 : vector<16xi1>
      %add3A_1528 = arith.constant 112 : i32
      %add3A_1529 = vector.broadcast %add3A_1528 : i32 to vector<16xi32>
      %add3A_1530 = arith.addi %iota3A, %add3A_1529 : vector<16xi32>
      tpu.vector_store_idx %arg6[%sub3A_1520, %add3A_1530], %broadcast_in_dim3A_5 masked %and3A_1527 : memref<256x128xf32, #tpu.memory_space<vmem>>[vector<16xi32>, vector<16xi32>], vector<16xf32>, vector<16xi1>
      %dma_start3A_1531 = arith.constant 0 : i32
      %dma_start3A_1532 = arith.constant 0 : i32
      %dma_start3A_1533 = tpu.memref_slice %arg6[%dma_start3A_1531, %dma_start3A_1532] : memref<256x128xf32, #tpu.memory_space<vmem>> -> memref<232x128xf32, #tpu.memory_space<vmem>>
      %dma_start3A_1534 = arith.constant 768 : i32
      %dma_start3A_1535 = tpu.memref_slice %arg3[%scan3A_942, %dma_start3A_1534, %mul3A_2] : memref<50x1000x4096xf32, #tpu.memory_space<hbm>> -> memref<1x232x128xf32, #tpu.memory_space<hbm>>
      %dma_start3A_1536 = tpu.memref_squeeze %dma_start3A_1535 : memref<1x232x128xf32, #tpu.memory_space<hbm>> -> memref<232x128xf32, #tpu.memory_space<hbm>>
      %dma_start3A_1537 = arith.constant 768 : i32
      %dma_start3A_1538 = tpu.memref_slice %arg3[%scan3A_942, %dma_start3A_1537, %mul3A_2] : memref<50x1000x4096xf32, #tpu.memory_space<hbm>> -> memref<1x232x128xf32, #tpu.memory_space<hbm>>
      %dma_start3A_1539 = tpu.memref_squeeze %dma_start3A_1538 : memref<1x232x128xf32, #tpu.memory_space<hbm>> -> memref<232x128xf32, #tpu.memory_space<hbm>>
      %dma_start3A_1540 = arith.constant 0 : i32
      %dma_start3A_1541 = arith.constant 0 : i32
      %dma_start3A_1542 = tpu.memref_slice %arg6[%dma_start3A_1540, %dma_start3A_1541] : memref<256x128xf32, #tpu.memory_space<vmem>> -> memref<232x128xf32, #tpu.memory_space<vmem>>
      tpu.enqueue_dma source(%dma_start3A_1542 : memref<232x128xf32, #tpu.memory_space<vmem>>) target(%dma_start3A_1539 : memref<232x128xf32, #tpu.memory_space<hbm>>) target_semaphore(%arg8 : memref<!tpu.dma_semaphore, #tpu.memory_space<semaphore_mem>>)
      %add3A_1543 = arith.constant 1 : i32
      %add3A_1544 = arith.addi %scan3A_942, %add3A_1543 : i32
      %sub3A_1545 = arith.constant 1 : i32
      %sub3A_1546 = arith.subi %add3A_1544, %sub3A_1545 : i32
      %dma_wait3A_1547 = arith.constant 0 : i32
      %dma_wait3A_1548 = arith.constant 0 : i32
      %dma_wait3A_1549 = tpu.memref_slice %arg5[%dma_wait3A_1547, %dma_wait3A_1548] : memref<256x128xf32, #tpu.memory_space<vmem>> -> memref<256x128xf32, #tpu.memory_space<vmem>>
      %dma_wait3A_1550 = arith.constant 512 : i32
      %dma_wait3A_1551 = tpu.memref_slice %arg3[%sub3A_1546, %dma_wait3A_1550, %mul3A_2] : memref<50x1000x4096xf32, #tpu.memory_space<hbm>> -> memref<1x256x128xf32, #tpu.memory_space<hbm>>
      %dma_wait3A_1552 = tpu.memref_squeeze %dma_wait3A_1551 : memref<1x256x128xf32, #tpu.memory_space<hbm>> -> memref<256x128xf32, #tpu.memory_space<hbm>>
      %dma_wait3A_1553 = arith.constant 512 : i32
      %dma_wait3A_1554 = tpu.memref_slice %arg3[%sub3A_1546, %dma_wait3A_1553, %mul3A_2] : memref<50x1000x4096xf32, #tpu.memory_space<hbm>> -> memref<1x256x128xf32, #tpu.memory_space<hbm>>
      %dma_wait3A_1555 = tpu.memref_squeeze %dma_wait3A_1554 : memref<1x256x128xf32, #tpu.memory_space<hbm>> -> memref<256x128xf32, #tpu.memory_space<hbm>>
      %dma_wait3A_1556 = arith.constant 0 : i32
      %dma_wait3A_1557 = arith.constant 0 : i32
      %dma_wait3A_1558 = tpu.memref_slice %arg5[%dma_wait3A_1556, %dma_wait3A_1557] : memref<256x128xf32, #tpu.memory_space<vmem>> -> memref<256x128xf32, #tpu.memory_space<vmem>>
      tpu.wait_dma2 semaphore(%arg7 : memref<!tpu.dma_semaphore, #tpu.memory_space<semaphore_mem>>) src(%dma_wait3A_1558 : memref<256x128xf32, #tpu.memory_space<vmem>>) dst(%dma_wait3A_1555 : memref<256x128xf32, #tpu.memory_space<hbm>>)
      %broadcast_in_dim3A_1559 = vector.broadcast %sub3A_1546 : i32 to vector<16xi32>
      %add3A_1560 = arith.constant 0 : i32
      %add3A_1561 = vector.broadcast %add3A_1560 : i32 to vector<16xi32>
      %add3A_1562 = arith.addi %iota3A, %add3A_1561 : vector<16xi32>
      %gather3A_1563 = tpu.vector_load_idx %arg4[%broadcast_in_dim3A_1559, %add3A_1562] : memref<50x128xi32, #tpu.memory_space<vmem>>[vector<16xi32>, vector<16xi32>], vector<16xi32>,
      %add3A_1564 = arith.constant 16 : i32
      %add3A_1565 = vector.broadcast %add3A_1564 : i32 to vector<16xi32>
      %add3A_1566 = arith.addi %iota3A, %add3A_1565 : vector<16xi32>
      %gather3A_1567 = tpu.vector_load_idx %arg4[%broadcast_in_dim3A_1559, %add3A_1566] : memref<50x128xi32, #tpu.memory_space<vmem>>[vector<16xi32>, vector<16xi32>], vector<16xi32>,
      %add3A_1568 = arith.constant 32 : i32
      %add3A_1569 = vector.broadcast %add3A_1568 : i32 to vector<16xi32>
      %add3A_1570 = arith.addi %iota3A, %add3A_1569 : vector<16xi32>
      %gather3A_1571 = tpu.vector_load_idx %arg4[%broadcast_in_dim3A_1559, %add3A_1570] : memref<50x128xi32, #tpu.memory_space<vmem>>[vector<16xi32>, vector<16xi32>], vector<16xi32>,
      %add3A_1572 = arith.constant 48 : i32
      %add3A_1573 = vector.broadcast %add3A_1572 : i32 to vector<16xi32>
      %add3A_1574 = arith.addi %iota3A, %add3A_1573 : vector<16xi32>
      %gather3A_1575 = tpu.vector_load_idx %arg4[%broadcast_in_dim3A_1559, %add3A_1574] : memref<50x128xi32, #tpu.memory_space<vmem>>[vector<16xi32>, vector<16xi32>], vector<16xi32>,
      %add3A_1576 = arith.constant 64 : i32
      %add3A_1577 = vector.broadcast %add3A_1576 : i32 to vector<16xi32>
      %add3A_1578 = arith.addi %iota3A, %add3A_1577 : vector<16xi32>
      %gather3A_1579 = tpu.vector_load_idx %arg4[%broadcast_in_dim3A_1559, %add3A_1578] : memref<50x128xi32, #tpu.memory_space<vmem>>[vector<16xi32>, vector<16xi32>], vector<16xi32>,
      %add3A_1580 = arith.constant 80 : i32
      %add3A_1581 = vector.broadcast %add3A_1580 : i32 to vector<16xi32>
      %add3A_1582 = arith.addi %iota3A, %add3A_1581 : vector<16xi32>
      %gather3A_1583 = tpu.vector_load_idx %arg4[%broadcast_in_dim3A_1559, %add3A_1582] : memref<50x128xi32, #tpu.memory_space<vmem>>[vector<16xi32>, vector<16xi32>], vector<16xi32>,
      %add3A_1584 = arith.constant 96 : i32
      %add3A_1585 = vector.broadcast %add3A_1584 : i32 to vector<16xi32>
      %add3A_1586 = arith.addi %iota3A, %add3A_1585 : vector<16xi32>
      %gather3A_1587 = tpu.vector_load_idx %arg4[%broadcast_in_dim3A_1559, %add3A_1586] : memref<50x128xi32, #tpu.memory_space<vmem>>[vector<16xi32>, vector<16xi32>], vector<16xi32>,
      %add3A_1588 = arith.constant 112 : i32
      %add3A_1589 = vector.broadcast %add3A_1588 : i32 to vector<16xi32>
      %add3A_1590 = arith.addi %iota3A, %add3A_1589 : vector<16xi32>
      %gather3A_1591 = tpu.vector_load_idx %arg4[%broadcast_in_dim3A_1559, %add3A_1590] : memref<50x128xi32, #tpu.memory_space<vmem>>[vector<16xi32>, vector<16xi32>], vector<16xi32>,
      %sub3A_1592 = arith.constant 512 : i32
      %sub3A_1593 = vector.broadcast %sub3A_1592 : i32 to vector<16xi32>
      %sub3A_1594 = arith.subi %gather3A_1563, %sub3A_1593 : vector<16xi32>
      %ge3A_1595 = arith.constant 512 : i32
      %ge3A_1596 = vector.broadcast %ge3A_1595 : i32 to vector<16xi32>
      %ge3A_1597 = arith.cmpi sge, %gather3A_1563, %ge3A_1596 : vector<16xi32>
      %lt3A_1598 = arith.constant 768 : i32
      %lt3A_1599 = vector.broadcast %lt3A_1598 : i32 to vector<16xi32>
      %lt3A_1600 = arith.cmpi slt, %gather3A_1563, %lt3A_1599 : vector<16xi32>
      %and3A_1601 = arith.andi %ge3A_1597, %lt3A_1600 : vector<16xi1>
      %add3A_1602 = arith.constant 0 : i32
      %add3A_1603 = vector.broadcast %add3A_1602 : i32 to vector<16xi32>
      %add3A_1604 = arith.addi %iota3A, %add3A_1603 : vector<16xi32>
      tpu.vector_store_idx %arg5[%sub3A_1594, %add3A_1604], %broadcast_in_dim3A_3 masked %and3A_1601 : memref<256x128xf32, #tpu.memory_space<vmem>>[vector<16xi32>, vector<16xi32>], vector<16xf32>, vector<16xi1>
      %sub3A_1605 = arith.constant 512 : i32
      %sub3A_1606 = vector.broadcast %sub3A_1605 : i32 to vector<16xi32>
      %sub3A_1607 = arith.subi %gather3A_1567, %sub3A_1606 : vector<16xi32>
      %ge3A_1608 = arith.constant 512 : i32
      %ge3A_1609 = vector.broadcast %ge3A_1608 : i32 to vector<16xi32>
      %ge3A_1610 = arith.cmpi sge, %gather3A_1567, %ge3A_1609 : vector<16xi32>
      %lt3A_1611 = arith.constant 768 : i32
      %lt3A_1612 = vector.broadcast %lt3A_1611 : i32 to vector<16xi32>
      %lt3A_1613 = arith.cmpi slt, %gather3A_1567, %lt3A_1612 : vector<16xi32>
      %and3A_1614 = arith.andi %ge3A_1610, %lt3A_1613 : vector<16xi1>
      %add3A_1615 = arith.constant 16 : i32
      %add3A_1616 = vector.broadcast %add3A_1615 : i32 to vector<16xi32>
      %add3A_1617 = arith.addi %iota3A, %add3A_1616 : vector<16xi32>
      tpu.vector_store_idx %arg5[%sub3A_1607, %add3A_1617], %broadcast_in_dim3A_3 masked %and3A_1614 : memref<256x128xf32, #tpu.memory_space<vmem>>[vector<16xi32>, vector<16xi32>], vector<16xf32>, vector<16xi1>
      %sub3A_1618 = arith.constant 512 : i32
      %sub3A_1619 = vector.broadcast %sub3A_1618 : i32 to vector<16xi32>
      %sub3A_1620 = arith.subi %gather3A_1571, %sub3A_1619 : vector<16xi32>
      %ge3A_1621 = arith.constant 512 : i32
      %ge3A_1622 = vector.broadcast %ge3A_1621 : i32 to vector<16xi32>
      %ge3A_1623 = arith.cmpi sge, %gather3A_1571, %ge3A_1622 : vector<16xi32>
      %lt3A_1624 = arith.constant 768 : i32
      %lt3A_1625 = vector.broadcast %lt3A_1624 : i32 to vector<16xi32>
      %lt3A_1626 = arith.cmpi slt, %gather3A_1571, %lt3A_1625 : vector<16xi32>
      %and3A_1627 = arith.andi %ge3A_1623, %lt3A_1626 : vector<16xi1>
      %add3A_1628 = arith.constant 32 : i32
      %add3A_1629 = vector.broadcast %add3A_1628 : i32 to vector<16xi32>
      %add3A_1630 = arith.addi %iota3A, %add3A_1629 : vector<16xi32>
      tpu.vector_store_idx %arg5[%sub3A_1620, %add3A_1630], %broadcast_in_dim3A_3 masked %and3A_1627 : memref<256x128xf32, #tpu.memory_space<vmem>>[vector<16xi32>, vector<16xi32>], vector<16xf32>, vector<16xi1>
      %sub3A_1631 = arith.constant 512 : i32
      %sub3A_1632 = vector.broadcast %sub3A_1631 : i32 to vector<16xi32>
      %sub3A_1633 = arith.subi %gather3A_1575, %sub3A_1632 : vector<16xi32>
      %ge3A_1634 = arith.constant 512 : i32
      %ge3A_1635 = vector.broadcast %ge3A_1634 : i32 to vector<16xi32>
      %ge3A_1636 = arith.cmpi sge, %gather3A_1575, %ge3A_1635 : vector<16xi32>
      %lt3A_1637 = arith.constant 768 : i32
      %lt3A_1638 = vector.broadcast %lt3A_1637 : i32 to vector<16xi32>
      %lt3A_1639 = arith.cmpi slt, %gather3A_1575, %lt3A_1638 : vector<16xi32>
      %and3A_1640 = arith.andi %ge3A_1636, %lt3A_1639 : vector<16xi1>
      %add3A_1641 = arith.constant 48 : i32
      %add3A_1642 = vector.broadcast %add3A_1641 : i32 to vector<16xi32>
      %add3A_1643 = arith.addi %iota3A, %add3A_1642 : vector<16xi32>
      tpu.vector_store_idx %arg5[%sub3A_1633, %add3A_1643], %broadcast_in_dim3A_3 masked %and3A_1640 : memref<256x128xf32, #tpu.memory_space<vmem>>[vector<16xi32>, vector<16xi32>], vector<16xf32>, vector<16xi1>
      %sub3A_1644 = arith.constant 512 : i32
      %sub3A_1645 = vector.broadcast %sub3A_1644 : i32 to vector<16xi32>
      %sub3A_1646 = arith.subi %gather3A_1579, %sub3A_1645 : vector<16xi32>
      %ge3A_1647 = arith.constant 512 : i32
      %ge3A_1648 = vector.broadcast %ge3A_1647 : i32 to vector<16xi32>
      %ge3A_1649 = arith.cmpi sge, %gather3A_1579, %ge3A_1648 : vector<16xi32>
      %lt3A_1650 = arith.constant 768 : i32
      %lt3A_1651 = vector.broadcast %lt3A_1650 : i32 to vector<16xi32>
      %lt3A_1652 = arith.cmpi slt, %gather3A_1579, %lt3A_1651 : vector<16xi32>
      %and3A_1653 = arith.andi %ge3A_1649, %lt3A_1652 : vector<16xi1>
      %add3A_1654 = arith.constant 64 : i32
      %add3A_1655 = vector.broadcast %add3A_1654 : i32 to vector<16xi32>
      %add3A_1656 = arith.addi %iota3A, %add3A_1655 : vector<16xi32>
      tpu.vector_store_idx %arg5[%sub3A_1646, %add3A_1656], %broadcast_in_dim3A_3 masked %and3A_1653 : memref<256x128xf32, #tpu.memory_space<vmem>>[vector<16xi32>, vector<16xi32>], vector<16xf32>, vector<16xi1>
      %sub3A_1657 = arith.constant 512 : i32
      %sub3A_1658 = vector.broadcast %sub3A_1657 : i32 to vector<16xi32>
      %sub3A_1659 = arith.subi %gather3A_1583, %sub3A_1658 : vector<16xi32>
      %ge3A_1660 = arith.constant 512 : i32
      %ge3A_1661 = vector.broadcast %ge3A_1660 : i32 to vector<16xi32>
      %ge3A_1662 = arith.cmpi sge, %gather3A_1583, %ge3A_1661 : vector<16xi32>
      %lt3A_1663 = arith.constant 768 : i32
      %lt3A_1664 = vector.broadcast %lt3A_1663 : i32 to vector<16xi32>
      %lt3A_1665 = arith.cmpi slt, %gather3A_1583, %lt3A_1664 : vector<16xi32>
      %and3A_1666 = arith.andi %ge3A_1662, %lt3A_1665 : vector<16xi1>
      %add3A_1667 = arith.constant 80 : i32
      %add3A_1668 = vector.broadcast %add3A_1667 : i32 to vector<16xi32>
      %add3A_1669 = arith.addi %iota3A, %add3A_1668 : vector<16xi32>
      tpu.vector_store_idx %arg5[%sub3A_1659, %add3A_1669], %broadcast_in_dim3A_3 masked %and3A_1666 : memref<256x128xf32, #tpu.memory_space<vmem>>[vector<16xi32>, vector<16xi32>], vector<16xf32>, vector<16xi1>
      %sub3A_1670 = arith.constant 512 : i32
      %sub3A_1671 = vector.broadcast %sub3A_1670 : i32 to vector<16xi32>
      %sub3A_1672 = arith.subi %gather3A_1587, %sub3A_1671 : vector<16xi32>
      %ge3A_1673 = arith.constant 512 : i32
      %ge3A_1674 = vector.broadcast %ge3A_1673 : i32 to vector<16xi32>
      %ge3A_1675 = arith.cmpi sge, %gather3A_1587, %ge3A_1674 : vector<16xi32>
      %lt3A_1676 = arith.constant 768 : i32
      %lt3A_1677 = vector.broadcast %lt3A_1676 : i32 to vector<16xi32>
      %lt3A_1678 = arith.cmpi slt, %gather3A_1587, %lt3A_1677 : vector<16xi32>
      %and3A_1679 = arith.andi %ge3A_1675, %lt3A_1678 : vector<16xi1>
      %add3A_1680 = arith.constant 96 : i32
      %add3A_1681 = vector.broadcast %add3A_1680 : i32 to vector<16xi32>
      %add3A_1682 = arith.addi %iota3A, %add3A_1681 : vector<16xi32>
      tpu.vector_store_idx %arg5[%sub3A_1672, %add3A_1682], %broadcast_in_dim3A_3 masked %and3A_1679 : memref<256x128xf32, #tpu.memory_space<vmem>>[vector<16xi32>, vector<16xi32>], vector<16xf32>, vector<16xi1>
      %sub3A_1683 = arith.constant 512 : i32
      %sub3A_1684 = vector.broadcast %sub3A_1683 : i32 to vector<16xi32>
      %sub3A_1685 = arith.subi %gather3A_1591, %sub3A_1684 : vector<16xi32>
      %ge3A_1686 = arith.constant 512 : i32
      %ge3A_1687 = vector.broadcast %ge3A_1686 : i32 to vector<16xi32>
      %ge3A_1688 = arith.cmpi sge, %gather3A_1591, %ge3A_1687 : vector<16xi32>
      %lt3A_1689 = arith.constant 768 : i32
      %lt3A_1690 = vector.broadcast %lt3A_1689 : i32 to vector<16xi32>
      %lt3A_1691 = arith.cmpi slt, %gather3A_1591, %lt3A_1690 : vector<16xi32>
      %and3A_1692 = arith.andi %ge3A_1688, %lt3A_1691 : vector<16xi1>
      %add3A_1693 = arith.constant 112 : i32
      %add3A_1694 = vector.broadcast %add3A_1693 : i32 to vector<16xi32>
      %add3A_1695 = arith.addi %iota3A, %add3A_1694 : vector<16xi32>
      tpu.vector_store_idx %arg5[%sub3A_1685, %add3A_1695], %broadcast_in_dim3A_3 masked %and3A_1692 : memref<256x128xf32, #tpu.memory_space<vmem>>[vector<16xi32>, vector<16xi32>], vector<16xf32>, vector<16xi1>
      %broadcast_in_dim3A_1696 = vector.broadcast %add3A_1544 : i32 to vector<16xi32>
      %add3A_1697 = arith.constant 0 : i32
      %add3A_1698 = vector.broadcast %add3A_1697 : i32 to vector<16xi32>
      %add3A_1699 = arith.addi %iota3A, %add3A_1698 : vector<16xi32>
      %gather3A_1700 = tpu.vector_load_idx %arg4[%broadcast_in_dim3A_1696, %add3A_1699] : memref<50x128xi32, #tpu.memory_space<vmem>>[vector<16xi32>, vector<16xi32>], vector<16xi32>,
      %add3A_1701 = arith.constant 16 : i32
      %add3A_1702 = vector.broadcast %add3A_1701 : i32 to vector<16xi32>
      %add3A_1703 = arith.addi %iota3A, %add3A_1702 : vector<16xi32>
      %gather3A_1704 = tpu.vector_load_idx %arg4[%broadcast_in_dim3A_1696, %add3A_1703] : memref<50x128xi32, #tpu.memory_space<vmem>>[vector<16xi32>, vector<16xi32>], vector<16xi32>,
      %add3A_1705 = arith.constant 32 : i32
      %add3A_1706 = vector.broadcast %add3A_1705 : i32 to vector<16xi32>
      %add3A_1707 = arith.addi %iota3A, %add3A_1706 : vector<16xi32>
      %gather3A_1708 = tpu.vector_load_idx %arg4[%broadcast_in_dim3A_1696, %add3A_1707] : memref<50x128xi32, #tpu.memory_space<vmem>>[vector<16xi32>, vector<16xi32>], vector<16xi32>,
      %add3A_1709 = arith.constant 48 : i32
      %add3A_1710 = vector.broadcast %add3A_1709 : i32 to vector<16xi32>
      %add3A_1711 = arith.addi %iota3A, %add3A_1710 : vector<16xi32>
      %gather3A_1712 = tpu.vector_load_idx %arg4[%broadcast_in_dim3A_1696, %add3A_1711] : memref<50x128xi32, #tpu.memory_space<vmem>>[vector<16xi32>, vector<16xi32>], vector<16xi32>,
      %add3A_1713 = arith.constant 64 : i32
      %add3A_1714 = vector.broadcast %add3A_1713 : i32 to vector<16xi32>
      %add3A_1715 = arith.addi %iota3A, %add3A_1714 : vector<16xi32>
      %gather3A_1716 = tpu.vector_load_idx %arg4[%broadcast_in_dim3A_1696, %add3A_1715] : memref<50x128xi32, #tpu.memory_space<vmem>>[vector<16xi32>, vector<16xi32>], vector<16xi32>,
      %add3A_1717 = arith.constant 80 : i32
      %add3A_1718 = vector.broadcast %add3A_1717 : i32 to vector<16xi32>
      %add3A_1719 = arith.addi %iota3A, %add3A_1718 : vector<16xi32>
      %gather3A_1720 = tpu.vector_load_idx %arg4[%broadcast_in_dim3A_1696, %add3A_1719] : memref<50x128xi32, #tpu.memory_space<vmem>>[vector<16xi32>, vector<16xi32>], vector<16xi32>,
      %add3A_1721 = arith.constant 96 : i32
      %add3A_1722 = vector.broadcast %add3A_1721 : i32 to vector<16xi32>
      %add3A_1723 = arith.addi %iota3A, %add3A_1722 : vector<16xi32>
      %gather3A_1724 = tpu.vector_load_idx %arg4[%broadcast_in_dim3A_1696, %add3A_1723] : memref<50x128xi32, #tpu.memory_space<vmem>>[vector<16xi32>, vector<16xi32>], vector<16xi32>,
      %add3A_1725 = arith.constant 112 : i32
      %add3A_1726 = vector.broadcast %add3A_1725 : i32 to vector<16xi32>
      %add3A_1727 = arith.addi %iota3A, %add3A_1726 : vector<16xi32>
      %gather3A_1728 = tpu.vector_load_idx %arg4[%broadcast_in_dim3A_1696, %add3A_1727] : memref<50x128xi32, #tpu.memory_space<vmem>>[vector<16xi32>, vector<16xi32>], vector<16xi32>,
      %sub3A_1729 = arith.constant 0 : i32
      %sub3A_1730 = vector.broadcast %sub3A_1729 : i32 to vector<16xi32>
      %sub3A_1731 = arith.subi %gather3A_1700, %sub3A_1730 : vector<16xi32>
      %ge3A_1732 = arith.constant 0 : i32
      %ge3A_1733 = vector.broadcast %ge3A_1732 : i32 to vector<16xi32>
      %ge3A_1734 = arith.cmpi sge, %gather3A_1700, %ge3A_1733 : vector<16xi32>
      %lt3A_1735 = arith.constant 256 : i32
      %lt3A_1736 = vector.broadcast %lt3A_1735 : i32 to vector<16xi32>
      %lt3A_1737 = arith.cmpi slt, %gather3A_1700, %lt3A_1736 : vector<16xi32>
      %and3A_1738 = arith.andi %ge3A_1734, %lt3A_1737 : vector<16xi1>
      %add3A_1739 = arith.constant 0 : i32
      %add3A_1740 = vector.broadcast %add3A_1739 : i32 to vector<16xi32>
      %add3A_1741 = arith.addi %iota3A, %add3A_1740 : vector<16xi32>
      tpu.vector_store_idx %arg5[%sub3A_1731, %add3A_1741], %broadcast_in_dim3A_5 masked %and3A_1738 : memref<256x128xf32, #tpu.memory_space<vmem>>[vector<16xi32>, vector<16xi32>], vector<16xf32>, vector<16xi1>
      %sub3A_1742 = arith.constant 0 : i32
      %sub3A_1743 = vector.broadcast %sub3A_1742 : i32 to vector<16xi32>
      %sub3A_1744 = arith.subi %gather3A_1704, %sub3A_1743 : vector<16xi32>
      %ge3A_1745 = arith.constant 0 : i32
      %ge3A_1746 = vector.broadcast %ge3A_1745 : i32 to vector<16xi32>
      %ge3A_1747 = arith.cmpi sge, %gather3A_1704, %ge3A_1746 : vector<16xi32>
      %lt3A_1748 = arith.constant 256 : i32
      %lt3A_1749 = vector.broadcast %lt3A_1748 : i32 to vector<16xi32>
      %lt3A_1750 = arith.cmpi slt, %gather3A_1704, %lt3A_1749 : vector<16xi32>
      %and3A_1751 = arith.andi %ge3A_1747, %lt3A_1750 : vector<16xi1>
      %add3A_1752 = arith.constant 16 : i32
      %add3A_1753 = vector.broadcast %add3A_1752 : i32 to vector<16xi32>
      %add3A_1754 = arith.addi %iota3A, %add3A_1753 : vector<16xi32>
      tpu.vector_store_idx %arg5[%sub3A_1744, %add3A_1754], %broadcast_in_dim3A_5 masked %and3A_1751 : memref<256x128xf32, #tpu.memory_space<vmem>>[vector<16xi32>, vector<16xi32>], vector<16xf32>, vector<16xi1>
      %sub3A_1755 = arith.constant 0 : i32
      %sub3A_1756 = vector.broadcast %sub3A_1755 : i32 to vector<16xi32>
      %sub3A_1757 = arith.subi %gather3A_1708, %sub3A_1756 : vector<16xi32>
      %ge3A_1758 = arith.constant 0 : i32
      %ge3A_1759 = vector.broadcast %ge3A_1758 : i32 to vector<16xi32>
      %ge3A_1760 = arith.cmpi sge, %gather3A_1708, %ge3A_1759 : vector<16xi32>
      %lt3A_1761 = arith.constant 256 : i32
      %lt3A_1762 = vector.broadcast %lt3A_1761 : i32 to vector<16xi32>
      %lt3A_1763 = arith.cmpi slt, %gather3A_1708, %lt3A_1762 : vector<16xi32>
      %and3A_1764 = arith.andi %ge3A_1760, %lt3A_1763 : vector<16xi1>
      %add3A_1765 = arith.constant 32 : i32
      %add3A_1766 = vector.broadcast %add3A_1765 : i32 to vector<16xi32>
      %add3A_1767 = arith.addi %iota3A, %add3A_1766 : vector<16xi32>
      tpu.vector_store_idx %arg5[%sub3A_1757, %add3A_1767], %broadcast_in_dim3A_5 masked %and3A_1764 : memref<256x128xf32, #tpu.memory_space<vmem>>[vector<16xi32>, vector<16xi32>], vector<16xf32>, vector<16xi1>
      %sub3A_1768 = arith.constant 0 : i32
      %sub3A_1769 = vector.broadcast %sub3A_1768 : i32 to vector<16xi32>
      %sub3A_1770 = arith.subi %gather3A_1712, %sub3A_1769 : vector<16xi32>
      %ge3A_1771 = arith.constant 0 : i32
      %ge3A_1772 = vector.broadcast %ge3A_1771 : i32 to vector<16xi32>
      %ge3A_1773 = arith.cmpi sge, %gather3A_1712, %ge3A_1772 : vector<16xi32>
      %lt3A_1774 = arith.constant 256 : i32
      %lt3A_1775 = vector.broadcast %lt3A_1774 : i32 to vector<16xi32>
      %lt3A_1776 = arith.cmpi slt, %gather3A_1712, %lt3A_1775 : vector<16xi32>
      %and3A_1777 = arith.andi %ge3A_1773, %lt3A_1776 : vector<16xi1>
      %add3A_1778 = arith.constant 48 : i32
      %add3A_1779 = vector.broadcast %add3A_1778 : i32 to vector<16xi32>
      %add3A_1780 = arith.addi %iota3A, %add3A_1779 : vector<16xi32>
      tpu.vector_store_idx %arg5[%sub3A_1770, %add3A_1780], %broadcast_in_dim3A_5 masked %and3A_1777 : memref<256x128xf32, #tpu.memory_space<vmem>>[vector<16xi32>, vector<16xi32>], vector<16xf32>, vector<16xi1>
      %sub3A_1781 = arith.constant 0 : i32
      %sub3A_1782 = vector.broadcast %sub3A_1781 : i32 to vector<16xi32>
      %sub3A_1783 = arith.subi %gather3A_1716, %sub3A_1782 : vector<16xi32>
      %ge3A_1784 = arith.constant 0 : i32
      %ge3A_1785 = vector.broadcast %ge3A_1784 : i32 to vector<16xi32>
      %ge3A_1786 = arith.cmpi sge, %gather3A_1716, %ge3A_1785 : vector<16xi32>
      %lt3A_1787 = arith.constant 256 : i32
      %lt3A_1788 = vector.broadcast %lt3A_1787 : i32 to vector<16xi32>
      %lt3A_1789 = arith.cmpi slt, %gather3A_1716, %lt3A_1788 : vector<16xi32>
      %and3A_1790 = arith.andi %ge3A_1786, %lt3A_1789 : vector<16xi1>
      %add3A_1791 = arith.constant 64 : i32
      %add3A_1792 = vector.broadcast %add3A_1791 : i32 to vector<16xi32>
      %add3A_1793 = arith.addi %iota3A, %add3A_1792 : vector<16xi32>
      tpu.vector_store_idx %arg5[%sub3A_1783, %add3A_1793], %broadcast_in_dim3A_5 masked %and3A_1790 : memref<256x128xf32, #tpu.memory_space<vmem>>[vector<16xi32>, vector<16xi32>], vector<16xf32>, vector<16xi1>
      %sub3A_1794 = arith.constant 0 : i32
      %sub3A_1795 = vector.broadcast %sub3A_1794 : i32 to vector<16xi32>
      %sub3A_1796 = arith.subi %gather3A_1720, %sub3A_1795 : vector<16xi32>
      %ge3A_1797 = arith.constant 0 : i32
      %ge3A_1798 = vector.broadcast %ge3A_1797 : i32 to vector<16xi32>
      %ge3A_1799 = arith.cmpi sge, %gather3A_1720, %ge3A_1798 : vector<16xi32>
      %lt3A_1800 = arith.constant 256 : i32
      %lt3A_1801 = vector.broadcast %lt3A_1800 : i32 to vector<16xi32>
      %lt3A_1802 = arith.cmpi slt, %gather3A_1720, %lt3A_1801 : vector<16xi32>
      %and3A_1803 = arith.andi %ge3A_1799, %lt3A_1802 : vector<16xi1>
      %add3A_1804 = arith.constant 80 : i32
      %add3A_1805 = vector.broadcast %add3A_1804 : i32 to vector<16xi32>
      %add3A_1806 = arith.addi %iota3A, %add3A_1805 : vector<16xi32>
      tpu.vector_store_idx %arg5[%sub3A_1796, %add3A_1806], %broadcast_in_dim3A_5 masked %and3A_1803 : memref<256x128xf32, #tpu.memory_space<vmem>>[vector<16xi32>, vector<16xi32>], vector<16xf32>, vector<16xi1>
      %sub3A_1807 = arith.constant 0 : i32
      %sub3A_1808 = vector.broadcast %sub3A_1807 : i32 to vector<16xi32>
      %sub3A_1809 = arith.subi %gather3A_1724, %sub3A_1808 : vector<16xi32>
      %ge3A_1810 = arith.constant 0 : i32
      %ge3A_1811 = vector.broadcast %ge3A_1810 : i32 to vector<16xi32>
      %ge3A_1812 = arith.cmpi sge, %gather3A_1724, %ge3A_1811 : vector<16xi32>
      %lt3A_1813 = arith.constant 256 : i32
      %lt3A_1814 = vector.broadcast %lt3A_1813 : i32 to vector<16xi32>
      %lt3A_1815 = arith.cmpi slt, %gather3A_1724, %lt3A_1814 : vector<16xi32>
      %and3A_1816 = arith.andi %ge3A_1812, %lt3A_1815 : vector<16xi1>
      %add3A_1817 = arith.constant 96 : i32
      %add3A_1818 = vector.broadcast %add3A_1817 : i32 to vector<16xi32>
      %add3A_1819 = arith.addi %iota3A, %add3A_1818 : vector<16xi32>
      tpu.vector_store_idx %arg5[%sub3A_1809, %add3A_1819], %broadcast_in_dim3A_5 masked %and3A_1816 : memref<256x128xf32, #tpu.memory_space<vmem>>[vector<16xi32>, vector<16xi32>], vector<16xf32>, vector<16xi1>
      %sub3A_1820 = arith.constant 0 : i32
      %sub3A_1821 = vector.broadcast %sub3A_1820 : i32 to vector<16xi32>
      %sub3A_1822 = arith.subi %gather3A_1728, %sub3A_1821 : vector<16xi32>
      %ge3A_1823 = arith.constant 0 : i32
      %ge3A_1824 = vector.broadcast %ge3A_1823 : i32 to vector<16xi32>
      %ge3A_1825 = arith.cmpi sge, %gather3A_1728, %ge3A_1824 : vector<16xi32>
      %lt3A_1826 = arith.constant 256 : i32
      %lt3A_1827 = vector.broadcast %lt3A_1826 : i32 to vector<16xi32>
      %lt3A_1828 = arith.cmpi slt, %gather3A_1728, %lt3A_1827 : vector<16xi32>
      %and3A_1829 = arith.andi %ge3A_1825, %lt3A_1828 : vector<16xi1>
      %add3A_1830 = arith.constant 112 : i32
      %add3A_1831 = vector.broadcast %add3A_1830 : i32 to vector<16xi32>
      %add3A_1832 = arith.addi %iota3A, %add3A_1831 : vector<16xi32>
      tpu.vector_store_idx %arg5[%sub3A_1822, %add3A_1832], %broadcast_in_dim3A_5 masked %and3A_1829 : memref<256x128xf32, #tpu.memory_space<vmem>>[vector<16xi32>, vector<16xi32>], vector<16xf32>, vector<16xi1>
      %dma_start3A_1833 = arith.constant 0 : i32
      %dma_start3A_1834 = arith.constant 0 : i32
      %dma_start3A_1835 = tpu.memref_slice %arg5[%dma_start3A_1833, %dma_start3A_1834] : memref<256x128xf32, #tpu.memory_space<vmem>> -> memref<256x128xf32, #tpu.memory_space<vmem>>
      %dma_start3A_1836 = arith.constant 0 : i32
      %dma_start3A_1837 = tpu.memref_slice %arg3[%add3A_1544, %dma_start3A_1836, %mul3A_2] : memref<50x1000x4096xf32, #tpu.memory_space<hbm>> -> memref<1x256x128xf32, #tpu.memory_space<hbm>>
      %dma_start3A_1838 = tpu.memref_squeeze %dma_start3A_1837 : memref<1x256x128xf32, #tpu.memory_space<hbm>> -> memref<256x128xf32, #tpu.memory_space<hbm>>
      %dma_start3A_1839 = arith.constant 0 : i32
      %dma_start3A_1840 = tpu.memref_slice %arg3[%add3A_1544, %dma_start3A_1839, %mul3A_2] : memref<50x1000x4096xf32, #tpu.memory_space<hbm>> -> memref<1x256x128xf32, #tpu.memory_space<hbm>>
      %dma_start3A_1841 = tpu.memref_squeeze %dma_start3A_1840 : memref<1x256x128xf32, #tpu.memory_space<hbm>> -> memref<256x128xf32, #tpu.memory_space<hbm>>
      %dma_start3A_1842 = arith.constant 0 : i32
      %dma_start3A_1843 = arith.constant 0 : i32
      %dma_start3A_1844 = tpu.memref_slice %arg5[%dma_start3A_1842, %dma_start3A_1843] : memref<256x128xf32, #tpu.memory_space<vmem>> -> memref<256x128xf32, #tpu.memory_space<vmem>>
      tpu.enqueue_dma source(%dma_start3A_1844 : memref<256x128xf32, #tpu.memory_space<vmem>>) target(%dma_start3A_1841 : memref<256x128xf32, #tpu.memory_space<hbm>>) target_semaphore(%arg7 : memref<!tpu.dma_semaphore, #tpu.memory_space<semaphore_mem>>)
      %add3A_1845 = arith.constant 1 : i32
      %add3A_1846 = arith.addi %scan3A_942, %add3A_1845 : i32
      %sub3A_1847 = arith.constant 1 : i32
      %sub3A_1848 = arith.subi %add3A_1846, %sub3A_1847 : i32
      %dma_wait3A_1849 = arith.constant 0 : i32
      %dma_wait3A_1850 = arith.constant 0 : i32
      %dma_wait3A_1851 = tpu.memref_slice %arg6[%dma_wait3A_1849, %dma_wait3A_1850] : memref<256x128xf32, #tpu.memory_space<vmem>> -> memref<232x128xf32, #tpu.memory_space<vmem>>
      %dma_wait3A_1852 = arith.constant 768 : i32
      %dma_wait3A_1853 = tpu.memref_slice %arg3[%sub3A_1848, %dma_wait3A_1852, %mul3A_2] : memref<50x1000x4096xf32, #tpu.memory_space<hbm>> -> memref<1x232x128xf32, #tpu.memory_space<hbm>>
      %dma_wait3A_1854 = tpu.memref_squeeze %dma_wait3A_1853 : memref<1x232x128xf32, #tpu.memory_space<hbm>> -> memref<232x128xf32, #tpu.memory_space<hbm>>
      %dma_wait3A_1855 = arith.constant 768 : i32
      %dma_wait3A_1856 = tpu.memref_slice %arg3[%sub3A_1848, %dma_wait3A_1855, %mul3A_2] : memref<50x1000x4096xf32, #tpu.memory_space<hbm>> -> memref<1x232x128xf32, #tpu.memory_space<hbm>>
      %dma_wait3A_1857 = tpu.memref_squeeze %dma_wait3A_1856 : memref<1x232x128xf32, #tpu.memory_space<hbm>> -> memref<232x128xf32, #tpu.memory_space<hbm>>
      %dma_wait3A_1858 = arith.constant 0 : i32
      %dma_wait3A_1859 = arith.constant 0 : i32
      %dma_wait3A_1860 = tpu.memref_slice %arg6[%dma_wait3A_1858, %dma_wait3A_1859] : memref<256x128xf32, #tpu.memory_space<vmem>> -> memref<232x128xf32, #tpu.memory_space<vmem>>
      tpu.wait_dma2 semaphore(%arg8 : memref<!tpu.dma_semaphore, #tpu.memory_space<semaphore_mem>>) src(%dma_wait3A_1860 : memref<232x128xf32, #tpu.memory_space<vmem>>) dst(%dma_wait3A_1857 : memref<232x128xf32, #tpu.memory_space<hbm>>)
      %broadcast_in_dim3A_1861 = vector.broadcast %sub3A_1848 : i32 to vector<16xi32>
      %add3A_1862 = arith.constant 0 : i32
      %add3A_1863 = vector.broadcast %add3A_1862 : i32 to vector<16xi32>
      %add3A_1864 = arith.addi %iota3A, %add3A_1863 : vector<16xi32>
      %gather3A_1865 = tpu.vector_load_idx %arg4[%broadcast_in_dim3A_1861, %add3A_1864] : memref<50x128xi32, #tpu.memory_space<vmem>>[vector<16xi32>, vector<16xi32>], vector<16xi32>,
      %add3A_1866 = arith.constant 16 : i32
      %add3A_1867 = vector.broadcast %add3A_1866 : i32 to vector<16xi32>
      %add3A_1868 = arith.addi %iota3A, %add3A_1867 : vector<16xi32>
      %gather3A_1869 = tpu.vector_load_idx %arg4[%broadcast_in_dim3A_1861, %add3A_1868] : memref<50x128xi32, #tpu.memory_space<vmem>>[vector<16xi32>, vector<16xi32>], vector<16xi32>,
      %add3A_1870 = arith.constant 32 : i32
      %add3A_1871 = vector.broadcast %add3A_1870 : i32 to vector<16xi32>
      %add3A_1872 = arith.addi %iota3A, %add3A_1871 : vector<16xi32>
      %gather3A_1873 = tpu.vector_load_idx %arg4[%broadcast_in_dim3A_1861, %add3A_1872] : memref<50x128xi32, #tpu.memory_space<vmem>>[vector<16xi32>, vector<16xi32>], vector<16xi32>,
      %add3A_1874 = arith.constant 48 : i32
      %add3A_1875 = vector.broadcast %add3A_1874 : i32 to vector<16xi32>
      %add3A_1876 = arith.addi %iota3A, %add3A_1875 : vector<16xi32>
      %gather3A_1877 = tpu.vector_load_idx %arg4[%broadcast_in_dim3A_1861, %add3A_1876] : memref<50x128xi32, #tpu.memory_space<vmem>>[vector<16xi32>, vector<16xi32>], vector<16xi32>,
      %add3A_1878 = arith.constant 64 : i32
      %add3A_1879 = vector.broadcast %add3A_1878 : i32 to vector<16xi32>
      %add3A_1880 = arith.addi %iota3A, %add3A_1879 : vector<16xi32>
      %gather3A_1881 = tpu.vector_load_idx %arg4[%broadcast_in_dim3A_1861, %add3A_1880] : memref<50x128xi32, #tpu.memory_space<vmem>>[vector<16xi32>, vector<16xi32>], vector<16xi32>,
      %add3A_1882 = arith.constant 80 : i32
      %add3A_1883 = vector.broadcast %add3A_1882 : i32 to vector<16xi32>
      %add3A_1884 = arith.addi %iota3A, %add3A_1883 : vector<16xi32>
      %gather3A_1885 = tpu.vector_load_idx %arg4[%broadcast_in_dim3A_1861, %add3A_1884] : memref<50x128xi32, #tpu.memory_space<vmem>>[vector<16xi32>, vector<16xi32>], vector<16xi32>,
      %add3A_1886 = arith.constant 96 : i32
      %add3A_1887 = vector.broadcast %add3A_1886 : i32 to vector<16xi32>
      %add3A_1888 = arith.addi %iota3A, %add3A_1887 : vector<16xi32>
      %gather3A_1889 = tpu.vector_load_idx %arg4[%broadcast_in_dim3A_1861, %add3A_1888] : memref<50x128xi32, #tpu.memory_space<vmem>>[vector<16xi32>, vector<16xi32>], vector<16xi32>,
      %add3A_1890 = arith.constant 112 : i32
      %add3A_1891 = vector.broadcast %add3A_1890 : i32 to vector<16xi32>
      %add3A_1892 = arith.addi %iota3A, %add3A_1891 : vector<16xi32>
      %gather3A_1893 = tpu.vector_load_idx %arg4[%broadcast_in_dim3A_1861, %add3A_1892] : memref<50x128xi32, #tpu.memory_space<vmem>>[vector<16xi32>, vector<16xi32>], vector<16xi32>,
      %sub3A_1894 = arith.constant 768 : i32
      %sub3A_1895 = vector.broadcast %sub3A_1894 : i32 to vector<16xi32>
      %sub3A_1896 = arith.subi %gather3A_1865, %sub3A_1895 : vector<16xi32>
      %ge3A_1897 = arith.constant 768 : i32
      %ge3A_1898 = vector.broadcast %ge3A_1897 : i32 to vector<16xi32>
      %ge3A_1899 = arith.cmpi sge, %gather3A_1865, %ge3A_1898 : vector<16xi32>
      %lt3A_1900 = arith.constant 1000 : i32
      %lt3A_1901 = vector.broadcast %lt3A_1900 : i32 to vector<16xi32>
      %lt3A_1902 = arith.cmpi slt, %gather3A_1865, %lt3A_1901 : vector<16xi32>
      %and3A_1903 = arith.andi %ge3A_1899, %lt3A_1902 : vector<16xi1>
      %add3A_1904 = arith.constant 0 : i32
      %add3A_1905 = vector.broadcast %add3A_1904 : i32 to vector<16xi32>
      %add3A_1906 = arith.addi %iota3A, %add3A_1905 : vector<16xi32>
      tpu.vector_store_idx %arg6[%sub3A_1896, %add3A_1906], %broadcast_in_dim3A_3 masked %and3A_1903 : memref<256x128xf32, #tpu.memory_space<vmem>>[vector<16xi32>, vector<16xi32>], vector<16xf32>, vector<16xi1>
      %sub3A_1907 = arith.constant 768 : i32
      %sub3A_1908 = vector.broadcast %sub3A_1907 : i32 to vector<16xi32>
      %sub3A_1909 = arith.subi %gather3A_1869, %sub3A_1908 : vector<16xi32>
      %ge3A_1910 = arith.constant 768 : i32
      %ge3A_1911 = vector.broadcast %ge3A_1910 : i32 to vector<16xi32>
      %ge3A_1912 = arith.cmpi sge, %gather3A_1869, %ge3A_1911 : vector<16xi32>
      %lt3A_1913 = arith.constant 1000 : i32
      %lt3A_1914 = vector.broadcast %lt3A_1913 : i32 to vector<16xi32>
      %lt3A_1915 = arith.cmpi slt, %gather3A_1869, %lt3A_1914 : vector<16xi32>
      %and3A_1916 = arith.andi %ge3A_1912, %lt3A_1915 : vector<16xi1>
      %add3A_1917 = arith.constant 16 : i32
      %add3A_1918 = vector.broadcast %add3A_1917 : i32 to vector<16xi32>
      %add3A_1919 = arith.addi %iota3A, %add3A_1918 : vector<16xi32>
      tpu.vector_store_idx %arg6[%sub3A_1909, %add3A_1919], %broadcast_in_dim3A_3 masked %and3A_1916 : memref<256x128xf32, #tpu.memory_space<vmem>>[vector<16xi32>, vector<16xi32>], vector<16xf32>, vector<16xi1>
      %sub3A_1920 = arith.constant 768 : i32
      %sub3A_1921 = vector.broadcast %sub3A_1920 : i32 to vector<16xi32>
      %sub3A_1922 = arith.subi %gather3A_1873, %sub3A_1921 : vector<16xi32>
      %ge3A_1923 = arith.constant 768 : i32
      %ge3A_1924 = vector.broadcast %ge3A_1923 : i32 to vector<16xi32>
      %ge3A_1925 = arith.cmpi sge, %gather3A_1873, %ge3A_1924 : vector<16xi32>
      %lt3A_1926 = arith.constant 1000 : i32
      %lt3A_1927 = vector.broadcast %lt3A_1926 : i32 to vector<16xi32>
      %lt3A_1928 = arith.cmpi slt, %gather3A_1873, %lt3A_1927 : vector<16xi32>
      %and3A_1929 = arith.andi %ge3A_1925, %lt3A_1928 : vector<16xi1>
      %add3A_1930 = arith.constant 32 : i32
      %add3A_1931 = vector.broadcast %add3A_1930 : i32 to vector<16xi32>
      %add3A_1932 = arith.addi %iota3A, %add3A_1931 : vector<16xi32>
      tpu.vector_store_idx %arg6[%sub3A_1922, %add3A_1932], %broadcast_in_dim3A_3 masked %and3A_1929 : memref<256x128xf32, #tpu.memory_space<vmem>>[vector<16xi32>, vector<16xi32>], vector<16xf32>, vector<16xi1>
      %sub3A_1933 = arith.constant 768 : i32
      %sub3A_1934 = vector.broadcast %sub3A_1933 : i32 to vector<16xi32>
      %sub3A_1935 = arith.subi %gather3A_1877, %sub3A_1934 : vector<16xi32>
      %ge3A_1936 = arith.constant 768 : i32
      %ge3A_1937 = vector.broadcast %ge3A_1936 : i32 to vector<16xi32>
      %ge3A_1938 = arith.cmpi sge, %gather3A_1877, %ge3A_1937 : vector<16xi32>
      %lt3A_1939 = arith.constant 1000 : i32
      %lt3A_1940 = vector.broadcast %lt3A_1939 : i32 to vector<16xi32>
      %lt3A_1941 = arith.cmpi slt, %gather3A_1877, %lt3A_1940 : vector<16xi32>
      %and3A_1942 = arith.andi %ge3A_1938, %lt3A_1941 : vector<16xi1>
      %add3A_1943 = arith.constant 48 : i32
      %add3A_1944 = vector.broadcast %add3A_1943 : i32 to vector<16xi32>
      %add3A_1945 = arith.addi %iota3A, %add3A_1944 : vector<16xi32>
      tpu.vector_store_idx %arg6[%sub3A_1935, %add3A_1945], %broadcast_in_dim3A_3 masked %and3A_1942 : memref<256x128xf32, #tpu.memory_space<vmem>>[vector<16xi32>, vector<16xi32>], vector<16xf32>, vector<16xi1>
      %sub3A_1946 = arith.constant 768 : i32
      %sub3A_1947 = vector.broadcast %sub3A_1946 : i32 to vector<16xi32>
      %sub3A_1948 = arith.subi %gather3A_1881, %sub3A_1947 : vector<16xi32>
      %ge3A_1949 = arith.constant 768 : i32
      %ge3A_1950 = vector.broadcast %ge3A_1949 : i32 to vector<16xi32>
      %ge3A_1951 = arith.cmpi sge, %gather3A_1881, %ge3A_1950 : vector<16xi32>
      %lt3A_1952 = arith.constant 1000 : i32
      %lt3A_1953 = vector.broadcast %lt3A_1952 : i32 to vector<16xi32>
      %lt3A_1954 = arith.cmpi slt, %gather3A_1881, %lt3A_1953 : vector<16xi32>
      %and3A_1955 = arith.andi %ge3A_1951, %lt3A_1954 : vector<16xi1>
      %add3A_1956 = arith.constant 64 : i32
      %add3A_1957 = vector.broadcast %add3A_1956 : i32 to vector<16xi32>
      %add3A_1958 = arith.addi %iota3A, %add3A_1957 : vector<16xi32>
      tpu.vector_store_idx %arg6[%sub3A_1948, %add3A_1958], %broadcast_in_dim3A_3 masked %and3A_1955 : memref<256x128xf32, #tpu.memory_space<vmem>>[vector<16xi32>, vector<16xi32>], vector<16xf32>, vector<16xi1>
      %sub3A_1959 = arith.constant 768 : i32
      %sub3A_1960 = vector.broadcast %sub3A_1959 : i32 to vector<16xi32>
      %sub3A_1961 = arith.subi %gather3A_1885, %sub3A_1960 : vector<16xi32>
      %ge3A_1962 = arith.constant 768 : i32
      %ge3A_1963 = vector.broadcast %ge3A_1962 : i32 to vector<16xi32>
      %ge3A_1964 = arith.cmpi sge, %gather3A_1885, %ge3A_1963 : vector<16xi32>
      %lt3A_1965 = arith.constant 1000 : i32
      %lt3A_1966 = vector.broadcast %lt3A_1965 : i32 to vector<16xi32>
      %lt3A_1967 = arith.cmpi slt, %gather3A_1885, %lt3A_1966 : vector<16xi32>
      %and3A_1968 = arith.andi %ge3A_1964, %lt3A_1967 : vector<16xi1>
      %add3A_1969 = arith.constant 80 : i32
      %add3A_1970 = vector.broadcast %add3A_1969 : i32 to vector<16xi32>
      %add3A_1971 = arith.addi %iota3A, %add3A_1970 : vector<16xi32>
      tpu.vector_store_idx %arg6[%sub3A_1961, %add3A_1971], %broadcast_in_dim3A_3 masked %and3A_1968 : memref<256x128xf32, #tpu.memory_space<vmem>>[vector<16xi32>, vector<16xi32>], vector<16xf32>, vector<16xi1>
      %sub3A_1972 = arith.constant 768 : i32
      %sub3A_1973 = vector.broadcast %sub3A_1972 : i32 to vector<16xi32>
      %sub3A_1974 = arith.subi %gather3A_1889, %sub3A_1973 : vector<16xi32>
      %ge3A_1975 = arith.constant 768 : i32
      %ge3A_1976 = vector.broadcast %ge3A_1975 : i32 to vector<16xi32>
      %ge3A_1977 = arith.cmpi sge, %gather3A_1889, %ge3A_1976 : vector<16xi32>
      %lt3A_1978 = arith.constant 1000 : i32
      %lt3A_1979 = vector.broadcast %lt3A_1978 : i32 to vector<16xi32>
      %lt3A_1980 = arith.cmpi slt, %gather3A_1889, %lt3A_1979 : vector<16xi32>
      %and3A_1981 = arith.andi %ge3A_1977, %lt3A_1980 : vector<16xi1>
      %add3A_1982 = arith.constant 96 : i32
      %add3A_1983 = vector.broadcast %add3A_1982 : i32 to vector<16xi32>
      %add3A_1984 = arith.addi %iota3A, %add3A_1983 : vector<16xi32>
      tpu.vector_store_idx %arg6[%sub3A_1974, %add3A_1984], %broadcast_in_dim3A_3 masked %and3A_1981 : memref<256x128xf32, #tpu.memory_space<vmem>>[vector<16xi32>, vector<16xi32>], vector<16xf32>, vector<16xi1>
      %sub3A_1985 = arith.constant 768 : i32
      %sub3A_1986 = vector.broadcast %sub3A_1985 : i32 to vector<16xi32>
      %sub3A_1987 = arith.subi %gather3A_1893, %sub3A_1986 : vector<16xi32>
      %ge3A_1988 = arith.constant 768 : i32
      %ge3A_1989 = vector.broadcast %ge3A_1988 : i32 to vector<16xi32>
      %ge3A_1990 = arith.cmpi sge, %gather3A_1893, %ge3A_1989 : vector<16xi32>
      %lt3A_1991 = arith.constant 1000 : i32
      %lt3A_1992 = vector.broadcast %lt3A_1991 : i32 to vector<16xi32>
      %lt3A_1993 = arith.cmpi slt, %gather3A_1893, %lt3A_1992 : vector<16xi32>
      %and3A_1994 = arith.andi %ge3A_1990, %lt3A_1993 : vector<16xi1>
      %add3A_1995 = arith.constant 112 : i32
      %add3A_1996 = vector.broadcast %add3A_1995 : i32 to vector<16xi32>
      %add3A_1997 = arith.addi %iota3A, %add3A_1996 : vector<16xi32>
      tpu.vector_store_idx %arg6[%sub3A_1987, %add3A_1997], %broadcast_in_dim3A_3 masked %and3A_1994 : memref<256x128xf32, #tpu.memory_space<vmem>>[vector<16xi32>, vector<16xi32>], vector<16xf32>, vector<16xi1>
      %broadcast_in_dim3A_1998 = vector.broadcast %add3A_1846 : i32 to vector<16xi32>
      %add3A_1999 = arith.constant 0 : i32
      %add3A_2000 = vector.broadcast %add3A_1999 : i32 to vector<16xi32>
      %add3A_2001 = arith.addi %iota3A, %add3A_2000 : vector<16xi32>
      %gather3A_2002 = tpu.vector_load_idx %arg4[%broadcast_in_dim3A_1998, %add3A_2001] : memref<50x128xi32, #tpu.memory_space<vmem>>[vector<16xi32>, vector<16xi32>], vector<16xi32>,
      %add3A_2003 = arith.constant 16 : i32
      %add3A_2004 = vector.broadcast %add3A_2003 : i32 to vector<16xi32>
      %add3A_2005 = arith.addi %iota3A, %add3A_2004 : vector<16xi32>
      %gather3A_2006 = tpu.vector_load_idx %arg4[%broadcast_in_dim3A_1998, %add3A_2005] : memref<50x128xi32, #tpu.memory_space<vmem>>[vector<16xi32>, vector<16xi32>], vector<16xi32>,
      %add3A_2007 = arith.constant 32 : i32
      %add3A_2008 = vector.broadcast %add3A_2007 : i32 to vector<16xi32>
      %add3A_2009 = arith.addi %iota3A, %add3A_2008 : vector<16xi32>
      %gather3A_2010 = tpu.vector_load_idx %arg4[%broadcast_in_dim3A_1998, %add3A_2009] : memref<50x128xi32, #tpu.memory_space<vmem>>[vector<16xi32>, vector<16xi32>], vector<16xi32>,
      %add3A_2011 = arith.constant 48 : i32
      %add3A_2012 = vector.broadcast %add3A_2011 : i32 to vector<16xi32>
      %add3A_2013 = arith.addi %iota3A, %add3A_2012 : vector<16xi32>
      %gather3A_2014 = tpu.vector_load_idx %arg4[%broadcast_in_dim3A_1998, %add3A_2013] : memref<50x128xi32, #tpu.memory_space<vmem>>[vector<16xi32>, vector<16xi32>], vector<16xi32>,
      %add3A_2015 = arith.constant 64 : i32
      %add3A_2016 = vector.broadcast %add3A_2015 : i32 to vector<16xi32>
      %add3A_2017 = arith.addi %iota3A, %add3A_2016 : vector<16xi32>
      %gather3A_2018 = tpu.vector_load_idx %arg4[%broadcast_in_dim3A_1998, %add3A_2017] : memref<50x128xi32, #tpu.memory_space<vmem>>[vector<16xi32>, vector<16xi32>], vector<16xi32>,
      %add3A_2019 = arith.constant 80 : i32
      %add3A_2020 = vector.broadcast %add3A_2019 : i32 to vector<16xi32>
      %add3A_2021 = arith.addi %iota3A, %add3A_2020 : vector<16xi32>
      %gather3A_2022 = tpu.vector_load_idx %arg4[%broadcast_in_dim3A_1998, %add3A_2021] : memref<50x128xi32, #tpu.memory_space<vmem>>[vector<16xi32>, vector<16xi32>], vector<16xi32>,
      %add3A_2023 = arith.constant 96 : i32
      %add3A_2024 = vector.broadcast %add3A_2023 : i32 to vector<16xi32>
      %add3A_2025 = arith.addi %iota3A, %add3A_2024 : vector<16xi32>
      %gather3A_2026 = tpu.vector_load_idx %arg4[%broadcast_in_dim3A_1998, %add3A_2025] : memref<50x128xi32, #tpu.memory_space<vmem>>[vector<16xi32>, vector<16xi32>], vector<16xi32>,
      %add3A_2027 = arith.constant 112 : i32
      %add3A_2028 = vector.broadcast %add3A_2027 : i32 to vector<16xi32>
      %add3A_2029 = arith.addi %iota3A, %add3A_2028 : vector<16xi32>
      %gather3A_2030 = tpu.vector_load_idx %arg4[%broadcast_in_dim3A_1998, %add3A_2029] : memref<50x128xi32, #tpu.memory_space<vmem>>[vector<16xi32>, vector<16xi32>], vector<16xi32>,
      %sub3A_2031 = arith.constant 256 : i32
      %sub3A_2032 = vector.broadcast %sub3A_2031 : i32 to vector<16xi32>
      %sub3A_2033 = arith.subi %gather3A_2002, %sub3A_2032 : vector<16xi32>
      %ge3A_2034 = arith.constant 256 : i32
      %ge3A_2035 = vector.broadcast %ge3A_2034 : i32 to vector<16xi32>
      %ge3A_2036 = arith.cmpi sge, %gather3A_2002, %ge3A_2035 : vector<16xi32>
      %lt3A_2037 = arith.constant 512 : i32
      %lt3A_2038 = vector.broadcast %lt3A_2037 : i32 to vector<16xi32>
      %lt3A_2039 = arith.cmpi slt, %gather3A_2002, %lt3A_2038 : vector<16xi32>
      %and3A_2040 = arith.andi %ge3A_2036, %lt3A_2039 : vector<16xi1>
      %add3A_2041 = arith.constant 0 : i32
      %add3A_2042 = vector.broadcast %add3A_2041 : i32 to vector<16xi32>
      %add3A_2043 = arith.addi %iota3A, %add3A_2042 : vector<16xi32>
      tpu.vector_store_idx %arg6[%sub3A_2033, %add3A_2043], %broadcast_in_dim3A_5 masked %and3A_2040 : memref<256x128xf32, #tpu.memory_space<vmem>>[vector<16xi32>, vector<16xi32>], vector<16xf32>, vector<16xi1>
      %sub3A_2044 = arith.constant 256 : i32
      %sub3A_2045 = vector.broadcast %sub3A_2044 : i32 to vector<16xi32>
      %sub3A_2046 = arith.subi %gather3A_2006, %sub3A_2045 : vector<16xi32>
      %ge3A_2047 = arith.constant 256 : i32
      %ge3A_2048 = vector.broadcast %ge3A_2047 : i32 to vector<16xi32>
      %ge3A_2049 = arith.cmpi sge, %gather3A_2006, %ge3A_2048 : vector<16xi32>
      %lt3A_2050 = arith.constant 512 : i32
      %lt3A_2051 = vector.broadcast %lt3A_2050 : i32 to vector<16xi32>
      %lt3A_2052 = arith.cmpi slt, %gather3A_2006, %lt3A_2051 : vector<16xi32>
      %and3A_2053 = arith.andi %ge3A_2049, %lt3A_2052 : vector<16xi1>
      %add3A_2054 = arith.constant 16 : i32
      %add3A_2055 = vector.broadcast %add3A_2054 : i32 to vector<16xi32>
      %add3A_2056 = arith.addi %iota3A, %add3A_2055 : vector<16xi32>
      tpu.vector_store_idx %arg6[%sub3A_2046, %add3A_2056], %broadcast_in_dim3A_5 masked %and3A_2053 : memref<256x128xf32, #tpu.memory_space<vmem>>[vector<16xi32>, vector<16xi32>], vector<16xf32>, vector<16xi1>
      %sub3A_2057 = arith.constant 256 : i32
      %sub3A_2058 = vector.broadcast %sub3A_2057 : i32 to vector<16xi32>
      %sub3A_2059 = arith.subi %gather3A_2010, %sub3A_2058 : vector<16xi32>
      %ge3A_2060 = arith.constant 256 : i32
      %ge3A_2061 = vector.broadcast %ge3A_2060 : i32 to vector<16xi32>
      %ge3A_2062 = arith.cmpi sge, %gather3A_2010, %ge3A_2061 : vector<16xi32>
      %lt3A_2063 = arith.constant 512 : i32
      %lt3A_2064 = vector.broadcast %lt3A_2063 : i32 to vector<16xi32>
      %lt3A_2065 = arith.cmpi slt, %gather3A_2010, %lt3A_2064 : vector<16xi32>
      %and3A_2066 = arith.andi %ge3A_2062, %lt3A_2065 : vector<16xi1>
      %add3A_2067 = arith.constant 32 : i32
      %add3A_2068 = vector.broadcast %add3A_2067 : i32 to vector<16xi32>
      %add3A_2069 = arith.addi %iota3A, %add3A_2068 : vector<16xi32>
      tpu.vector_store_idx %arg6[%sub3A_2059, %add3A_2069], %broadcast_in_dim3A_5 masked %and3A_2066 : memref<256x128xf32, #tpu.memory_space<vmem>>[vector<16xi32>, vector<16xi32>], vector<16xf32>, vector<16xi1>
      %sub3A_2070 = arith.constant 256 : i32
      %sub3A_2071 = vector.broadcast %sub3A_2070 : i32 to vector<16xi32>
      %sub3A_2072 = arith.subi %gather3A_2014, %sub3A_2071 : vector<16xi32>
      %ge3A_2073 = arith.constant 256 : i32
      %ge3A_2074 = vector.broadcast %ge3A_2073 : i32 to vector<16xi32>
      %ge3A_2075 = arith.cmpi sge, %gather3A_2014, %ge3A_2074 : vector<16xi32>
      %lt3A_2076 = arith.constant 512 : i32
      %lt3A_2077 = vector.broadcast %lt3A_2076 : i32 to vector<16xi32>
      %lt3A_2078 = arith.cmpi slt, %gather3A_2014, %lt3A_2077 : vector<16xi32>
      %and3A_2079 = arith.andi %ge3A_2075, %lt3A_2078 : vector<16xi1>
      %add3A_2080 = arith.constant 48 : i32
      %add3A_2081 = vector.broadcast %add3A_2080 : i32 to vector<16xi32>
      %add3A_2082 = arith.addi %iota3A, %add3A_2081 : vector<16xi32>
      tpu.vector_store_idx %arg6[%sub3A_2072, %add3A_2082], %broadcast_in_dim3A_5 masked %and3A_2079 : memref<256x128xf32, #tpu.memory_space<vmem>>[vector<16xi32>, vector<16xi32>], vector<16xf32>, vector<16xi1>
      %sub3A_2083 = arith.constant 256 : i32
      %sub3A_2084 = vector.broadcast %sub3A_2083 : i32 to vector<16xi32>
      %sub3A_2085 = arith.subi %gather3A_2018, %sub3A_2084 : vector<16xi32>
      %ge3A_2086 = arith.constant 256 : i32
      %ge3A_2087 = vector.broadcast %ge3A_2086 : i32 to vector<16xi32>
      %ge3A_2088 = arith.cmpi sge, %gather3A_2018, %ge3A_2087 : vector<16xi32>
      %lt3A_2089 = arith.constant 512 : i32
      %lt3A_2090 = vector.broadcast %lt3A_2089 : i32 to vector<16xi32>
      %lt3A_2091 = arith.cmpi slt, %gather3A_2018, %lt3A_2090 : vector<16xi32>
      %and3A_2092 = arith.andi %ge3A_2088, %lt3A_2091 : vector<16xi1>
      %add3A_2093 = arith.constant 64 : i32
      %add3A_2094 = vector.broadcast %add3A_2093 : i32 to vector<16xi32>
      %add3A_2095 = arith.addi %iota3A, %add3A_2094 : vector<16xi32>
      tpu.vector_store_idx %arg6[%sub3A_2085, %add3A_2095], %broadcast_in_dim3A_5 masked %and3A_2092 : memref<256x128xf32, #tpu.memory_space<vmem>>[vector<16xi32>, vector<16xi32>], vector<16xf32>, vector<16xi1>
      %sub3A_2096 = arith.constant 256 : i32
      %sub3A_2097 = vector.broadcast %sub3A_2096 : i32 to vector<16xi32>
      %sub3A_2098 = arith.subi %gather3A_2022, %sub3A_2097 : vector<16xi32>
      %ge3A_2099 = arith.constant 256 : i32
      %ge3A_2100 = vector.broadcast %ge3A_2099 : i32 to vector<16xi32>
      %ge3A_2101 = arith.cmpi sge, %gather3A_2022, %ge3A_2100 : vector<16xi32>
      %lt3A_2102 = arith.constant 512 : i32
      %lt3A_2103 = vector.broadcast %lt3A_2102 : i32 to vector<16xi32>
      %lt3A_2104 = arith.cmpi slt, %gather3A_2022, %lt3A_2103 : vector<16xi32>
      %and3A_2105 = arith.andi %ge3A_2101, %lt3A_2104 : vector<16xi1>
      %add3A_2106 = arith.constant 80 : i32
      %add3A_2107 = vector.broadcast %add3A_2106 : i32 to vector<16xi32>
      %add3A_2108 = arith.addi %iota3A, %add3A_2107 : vector<16xi32>
      tpu.vector_store_idx %arg6[%sub3A_2098, %add3A_2108], %broadcast_in_dim3A_5 masked %and3A_2105 : memref<256x128xf32, #tpu.memory_space<vmem>>[vector<16xi32>, vector<16xi32>], vector<16xf32>, vector<16xi1>
      %sub3A_2109 = arith.constant 256 : i32
      %sub3A_2110 = vector.broadcast %sub3A_2109 : i32 to vector<16xi32>
      %sub3A_2111 = arith.subi %gather3A_2026, %sub3A_2110 : vector<16xi32>
      %ge3A_2112 = arith.constant 256 : i32
      %ge3A_2113 = vector.broadcast %ge3A_2112 : i32 to vector<16xi32>
      %ge3A_2114 = arith.cmpi sge, %gather3A_2026, %ge3A_2113 : vector<16xi32>
      %lt3A_2115 = arith.constant 512 : i32
      %lt3A_2116 = vector.broadcast %lt3A_2115 : i32 to vector<16xi32>
      %lt3A_2117 = arith.cmpi slt, %gather3A_2026, %lt3A_2116 : vector<16xi32>
      %and3A_2118 = arith.andi %ge3A_2114, %lt3A_2117 : vector<16xi1>
      %add3A_2119 = arith.constant 96 : i32
      %add3A_2120 = vector.broadcast %add3A_2119 : i32 to vector<16xi32>
      %add3A_2121 = arith.addi %iota3A, %add3A_2120 : vector<16xi32>
      tpu.vector_store_idx %arg6[%sub3A_2111, %add3A_2121], %broadcast_in_dim3A_5 masked %and3A_2118 : memref<256x128xf32, #tpu.memory_space<vmem>>[vector<16xi32>, vector<16xi32>], vector<16xf32>, vector<16xi1>
      %sub3A_2122 = arith.constant 256 : i32
      %sub3A_2123 = vector.broadcast %sub3A_2122 : i32 to vector<16xi32>
      %sub3A_2124 = arith.subi %gather3A_2030, %sub3A_2123 : vector<16xi32>
      %ge3A_2125 = arith.constant 256 : i32
      %ge3A_2126 = vector.broadcast %ge3A_2125 : i32 to vector<16xi32>
      %ge3A_2127 = arith.cmpi sge, %gather3A_2030, %ge3A_2126 : vector<16xi32>
      %lt3A_2128 = arith.constant 512 : i32
      %lt3A_2129 = vector.broadcast %lt3A_2128 : i32 to vector<16xi32>
      %lt3A_2130 = arith.cmpi slt, %gather3A_2030, %lt3A_2129 : vector<16xi32>
      %and3A_2131 = arith.andi %ge3A_2127, %lt3A_2130 : vector<16xi1>
      %add3A_2132 = arith.constant 112 : i32
      %add3A_2133 = vector.broadcast %add3A_2132 : i32 to vector<16xi32>
      %add3A_2134 = arith.addi %iota3A, %add3A_2133 : vector<16xi32>
      tpu.vector_store_idx %arg6[%sub3A_2124, %add3A_2134], %broadcast_in_dim3A_5 masked %and3A_2131 : memref<256x128xf32, #tpu.memory_space<vmem>>[vector<16xi32>, vector<16xi32>], vector<16xf32>, vector<16xi1>
      %dma_start3A_2135 = arith.constant 0 : i32
      %dma_start3A_2136 = arith.constant 0 : i32
      %dma_start3A_2137 = tpu.memref_slice %arg6[%dma_start3A_2135, %dma_start3A_2136] : memref<256x128xf32, #tpu.memory_space<vmem>> -> memref<256x128xf32, #tpu.memory_space<vmem>>
      %dma_start3A_2138 = arith.constant 256 : i32
      %dma_start3A_2139 = tpu.memref_slice %arg3[%add3A_1846, %dma_start3A_2138, %mul3A_2] : memref<50x1000x4096xf32, #tpu.memory_space<hbm>> -> memref<1x256x128xf32, #tpu.memory_space<hbm>>
      %dma_start3A_2140 = tpu.memref_squeeze %dma_start3A_2139 : memref<1x256x128xf32, #tpu.memory_space<hbm>> -> memref<256x128xf32, #tpu.memory_space<hbm>>
      %dma_start3A_2141 = arith.constant 256 : i32
      %dma_start3A_2142 = tpu.memref_slice %arg3[%add3A_1846, %dma_start3A_2141, %mul3A_2] : memref<50x1000x4096xf32, #tpu.memory_space<hbm>> -> memref<1x256x128xf32, #tpu.memory_space<hbm>>
      %dma_start3A_2143 = tpu.memref_squeeze %dma_start3A_2142 : memref<1x256x128xf32, #tpu.memory_space<hbm>> -> memref<256x128xf32, #tpu.memory_space<hbm>>
      %dma_start3A_2144 = arith.constant 0 : i32
      %dma_start3A_2145 = arith.constant 0 : i32
      %dma_start3A_2146 = tpu.memref_slice %arg6[%dma_start3A_2144, %dma_start3A_2145] : memref<256x128xf32, #tpu.memory_space<vmem>> -> memref<256x128xf32, #tpu.memory_space<vmem>>
      tpu.enqueue_dma source(%dma_start3A_2146 : memref<256x128xf32, #tpu.memory_space<vmem>>) target(%dma_start3A_2143 : memref<256x128xf32, #tpu.memory_space<hbm>>) target_semaphore(%arg8 : memref<!tpu.dma_semaphore, #tpu.memory_space<semaphore_mem>>)
    }
    %scan3A_312 = arith.constant 49 : i32
    %dma_wait3A = arith.constant 49 : i32
    %dma_wait3A_313 = arith.constant 0 : i32
    %dma_wait3A_314 = arith.constant 0 : i32
    %dma_wait3A_315 = tpu.memref_slice %arg5[%dma_wait3A_313, %dma_wait3A_314] : memref<256x128xf32, #tpu.memory_space<vmem>> -> memref<256x128xf32, #tpu.memory_space<vmem>>
    %dma_wait3A_316 = arith.constant 0 : i32
    %dma_wait3A_317 = tpu.memref_slice %arg3[%dma_wait3A, %dma_wait3A_316, %mul3A_2] : memref<50x1000x4096xf32, #tpu.memory_space<hbm>> -> memref<1x256x128xf32, #tpu.memory_space<hbm>>
    %dma_wait3A_318 = tpu.memref_squeeze %dma_wait3A_317 : memref<1x256x128xf32, #tpu.memory_space<hbm>> -> memref<256x128xf32, #tpu.memory_space<hbm>>
    %dma_wait3A_319 = arith.constant 0 : i32
    %dma_wait3A_320 = tpu.memref_slice %arg3[%dma_wait3A, %dma_wait3A_319, %mul3A_2] : memref<50x1000x4096xf32, #tpu.memory_space<hbm>> -> memref<1x256x128xf32, #tpu.memory_space<hbm>>
    %dma_wait3A_321 = tpu.memref_squeeze %dma_wait3A_320 : memref<1x256x128xf32, #tpu.memory_space<hbm>> -> memref<256x128xf32, #tpu.memory_space<hbm>>
    %dma_wait3A_322 = arith.constant 0 : i32
    %dma_wait3A_323 = arith.constant 0 : i32
    %dma_wait3A_324 = tpu.memref_slice %arg5[%dma_wait3A_322, %dma_wait3A_323] : memref<256x128xf32, #tpu.memory_space<vmem>> -> memref<256x128xf32, #tpu.memory_space<vmem>>
    tpu.wait_dma2 semaphore(%arg7 : memref<!tpu.dma_semaphore, #tpu.memory_space<semaphore_mem>>) src(%dma_wait3A_324 : memref<256x128xf32, #tpu.memory_space<vmem>>) dst(%dma_wait3A_321 : memref<256x128xf32, #tpu.memory_space<hbm>>)
    %broadcast_in_dim3A_325 = arith.constant 49 : i32
    %broadcast_in_dim3A_326 = vector.broadcast %broadcast_in_dim3A_325 : i32 to vector<16xi32>
    %add3A_327 = arith.constant 0 : i32
    %add3A_328 = vector.broadcast %add3A_327 : i32 to vector<16xi32>
    %add3A_329 = arith.addi %iota3A, %add3A_328 : vector<16xi32>
    %gather3A_330 = tpu.vector_load_idx %arg4[%broadcast_in_dim3A_326, %add3A_329] : memref<50x128xi32, #tpu.memory_space<vmem>>[vector<16xi32>, vector<16xi32>], vector<16xi32>,
    %add3A_331 = arith.constant 16 : i32
    %add3A_332 = vector.broadcast %add3A_331 : i32 to vector<16xi32>
    %add3A_333 = arith.addi %iota3A, %add3A_332 : vector<16xi32>
    %gather3A_334 = tpu.vector_load_idx %arg4[%broadcast_in_dim3A_326, %add3A_333] : memref<50x128xi32, #tpu.memory_space<vmem>>[vector<16xi32>, vector<16xi32>], vector<16xi32>,
    %add3A_335 = arith.constant 32 : i32
    %add3A_336 = vector.broadcast %add3A_335 : i32 to vector<16xi32>
    %add3A_337 = arith.addi %iota3A, %add3A_336 : vector<16xi32>
    %gather3A_338 = tpu.vector_load_idx %arg4[%broadcast_in_dim3A_326, %add3A_337] : memref<50x128xi32, #tpu.memory_space<vmem>>[vector<16xi32>, vector<16xi32>], vector<16xi32>,
    %add3A_339 = arith.constant 48 : i32
    %add3A_340 = vector.broadcast %add3A_339 : i32 to vector<16xi32>
    %add3A_341 = arith.addi %iota3A, %add3A_340 : vector<16xi32>
    %gather3A_342 = tpu.vector_load_idx %arg4[%broadcast_in_dim3A_326, %add3A_341] : memref<50x128xi32, #tpu.memory_space<vmem>>[vector<16xi32>, vector<16xi32>], vector<16xi32>,
    %add3A_343 = arith.constant 64 : i32
    %add3A_344 = vector.broadcast %add3A_343 : i32 to vector<16xi32>
    %add3A_345 = arith.addi %iota3A, %add3A_344 : vector<16xi32>
    %gather3A_346 = tpu.vector_load_idx %arg4[%broadcast_in_dim3A_326, %add3A_345] : memref<50x128xi32, #tpu.memory_space<vmem>>[vector<16xi32>, vector<16xi32>], vector<16xi32>,
    %add3A_347 = arith.constant 80 : i32
    %add3A_348 = vector.broadcast %add3A_347 : i32 to vector<16xi32>
    %add3A_349 = arith.addi %iota3A, %add3A_348 : vector<16xi32>
    %gather3A_350 = tpu.vector_load_idx %arg4[%broadcast_in_dim3A_326, %add3A_349] : memref<50x128xi32, #tpu.memory_space<vmem>>[vector<16xi32>, vector<16xi32>], vector<16xi32>,
    %add3A_351 = arith.constant 96 : i32
    %add3A_352 = vector.broadcast %add3A_351 : i32 to vector<16xi32>
    %add3A_353 = arith.addi %iota3A, %add3A_352 : vector<16xi32>
    %gather3A_354 = tpu.vector_load_idx %arg4[%broadcast_in_dim3A_326, %add3A_353] : memref<50x128xi32, #tpu.memory_space<vmem>>[vector<16xi32>, vector<16xi32>], vector<16xi32>,
    %add3A_355 = arith.constant 112 : i32
    %add3A_356 = vector.broadcast %add3A_355 : i32 to vector<16xi32>
    %add3A_357 = arith.addi %iota3A, %add3A_356 : vector<16xi32>
    %gather3A_358 = tpu.vector_load_idx %arg4[%broadcast_in_dim3A_326, %add3A_357] : memref<50x128xi32, #tpu.memory_space<vmem>>[vector<16xi32>, vector<16xi32>], vector<16xi32>,
    %sub3A_359 = arith.constant 0 : i32
    %sub3A_360 = vector.broadcast %sub3A_359 : i32 to vector<16xi32>
    %sub3A_361 = arith.subi %gather3A_330, %sub3A_360 : vector<16xi32>
    %ge3A_362 = arith.constant 0 : i32
    %ge3A_363 = vector.broadcast %ge3A_362 : i32 to vector<16xi32>
    %ge3A_364 = arith.cmpi sge, %gather3A_330, %ge3A_363 : vector<16xi32>
    %lt3A_365 = arith.constant 256 : i32
    %lt3A_366 = vector.broadcast %lt3A_365 : i32 to vector<16xi32>
    %lt3A_367 = arith.cmpi slt, %gather3A_330, %lt3A_366 : vector<16xi32>
    %and3A_368 = arith.andi %ge3A_364, %lt3A_367 : vector<16xi1>
    %add3A_369 = arith.constant 0 : i32
    %add3A_370 = vector.broadcast %add3A_369 : i32 to vector<16xi32>
    %add3A_371 = arith.addi %iota3A, %add3A_370 : vector<16xi32>
    tpu.vector_store_idx %arg5[%sub3A_361, %add3A_371], %broadcast_in_dim3A_3 masked %and3A_368 : memref<256x128xf32, #tpu.memory_space<vmem>>[vector<16xi32>, vector<16xi32>], vector<16xf32>, vector<16xi1>
    %sub3A_372 = arith.constant 0 : i32
    %sub3A_373 = vector.broadcast %sub3A_372 : i32 to vector<16xi32>
    %sub3A_374 = arith.subi %gather3A_334, %sub3A_373 : vector<16xi32>
    %ge3A_375 = arith.constant 0 : i32
    %ge3A_376 = vector.broadcast %ge3A_375 : i32 to vector<16xi32>
    %ge3A_377 = arith.cmpi sge, %gather3A_334, %ge3A_376 : vector<16xi32>
    %lt3A_378 = arith.constant 256 : i32
    %lt3A_379 = vector.broadcast %lt3A_378 : i32 to vector<16xi32>
    %lt3A_380 = arith.cmpi slt, %gather3A_334, %lt3A_379 : vector<16xi32>
    %and3A_381 = arith.andi %ge3A_377, %lt3A_380 : vector<16xi1>
    %add3A_382 = arith.constant 16 : i32
    %add3A_383 = vector.broadcast %add3A_382 : i32 to vector<16xi32>
    %add3A_384 = arith.addi %iota3A, %add3A_383 : vector<16xi32>
    tpu.vector_store_idx %arg5[%sub3A_374, %add3A_384], %broadcast_in_dim3A_3 masked %and3A_381 : memref<256x128xf32, #tpu.memory_space<vmem>>[vector<16xi32>, vector<16xi32>], vector<16xf32>, vector<16xi1>
    %sub3A_385 = arith.constant 0 : i32
    %sub3A_386 = vector.broadcast %sub3A_385 : i32 to vector<16xi32>
    %sub3A_387 = arith.subi %gather3A_338, %sub3A_386 : vector<16xi32>
    %ge3A_388 = arith.constant 0 : i32
    %ge3A_389 = vector.broadcast %ge3A_388 : i32 to vector<16xi32>
    %ge3A_390 = arith.cmpi sge, %gather3A_338, %ge3A_389 : vector<16xi32>
    %lt3A_391 = arith.constant 256 : i32
    %lt3A_392 = vector.broadcast %lt3A_391 : i32 to vector<16xi32>
    %lt3A_393 = arith.cmpi slt, %gather3A_338, %lt3A_392 : vector<16xi32>
    %and3A_394 = arith.andi %ge3A_390, %lt3A_393 : vector<16xi1>
    %add3A_395 = arith.constant 32 : i32
    %add3A_396 = vector.broadcast %add3A_395 : i32 to vector<16xi32>
    %add3A_397 = arith.addi %iota3A, %add3A_396 : vector<16xi32>
    tpu.vector_store_idx %arg5[%sub3A_387, %add3A_397], %broadcast_in_dim3A_3 masked %and3A_394 : memref<256x128xf32, #tpu.memory_space<vmem>>[vector<16xi32>, vector<16xi32>], vector<16xf32>, vector<16xi1>
    %sub3A_398 = arith.constant 0 : i32
    %sub3A_399 = vector.broadcast %sub3A_398 : i32 to vector<16xi32>
    %sub3A_400 = arith.subi %gather3A_342, %sub3A_399 : vector<16xi32>
    %ge3A_401 = arith.constant 0 : i32
    %ge3A_402 = vector.broadcast %ge3A_401 : i32 to vector<16xi32>
    %ge3A_403 = arith.cmpi sge, %gather3A_342, %ge3A_402 : vector<16xi32>
    %lt3A_404 = arith.constant 256 : i32
    %lt3A_405 = vector.broadcast %lt3A_404 : i32 to vector<16xi32>
    %lt3A_406 = arith.cmpi slt, %gather3A_342, %lt3A_405 : vector<16xi32>
    %and3A_407 = arith.andi %ge3A_403, %lt3A_406 : vector<16xi1>
    %add3A_408 = arith.constant 48 : i32
    %add3A_409 = vector.broadcast %add3A_408 : i32 to vector<16xi32>
    %add3A_410 = arith.addi %iota3A, %add3A_409 : vector<16xi32>
    tpu.vector_store_idx %arg5[%sub3A_400, %add3A_410], %broadcast_in_dim3A_3 masked %and3A_407 : memref<256x128xf32, #tpu.memory_space<vmem>>[vector<16xi32>, vector<16xi32>], vector<16xf32>, vector<16xi1>
    %sub3A_411 = arith.constant 0 : i32
    %sub3A_412 = vector.broadcast %sub3A_411 : i32 to vector<16xi32>
    %sub3A_413 = arith.subi %gather3A_346, %sub3A_412 : vector<16xi32>
    %ge3A_414 = arith.constant 0 : i32
    %ge3A_415 = vector.broadcast %ge3A_414 : i32 to vector<16xi32>
    %ge3A_416 = arith.cmpi sge, %gather3A_346, %ge3A_415 : vector<16xi32>
    %lt3A_417 = arith.constant 256 : i32
    %lt3A_418 = vector.broadcast %lt3A_417 : i32 to vector<16xi32>
    %lt3A_419 = arith.cmpi slt, %gather3A_346, %lt3A_418 : vector<16xi32>
    %and3A_420 = arith.andi %ge3A_416, %lt3A_419 : vector<16xi1>
    %add3A_421 = arith.constant 64 : i32
    %add3A_422 = vector.broadcast %add3A_421 : i32 to vector<16xi32>
    %add3A_423 = arith.addi %iota3A, %add3A_422 : vector<16xi32>
    tpu.vector_store_idx %arg5[%sub3A_413, %add3A_423], %broadcast_in_dim3A_3 masked %and3A_420 : memref<256x128xf32, #tpu.memory_space<vmem>>[vector<16xi32>, vector<16xi32>], vector<16xf32>, vector<16xi1>
    %sub3A_424 = arith.constant 0 : i32
    %sub3A_425 = vector.broadcast %sub3A_424 : i32 to vector<16xi32>
    %sub3A_426 = arith.subi %gather3A_350, %sub3A_425 : vector<16xi32>
    %ge3A_427 = arith.constant 0 : i32
    %ge3A_428 = vector.broadcast %ge3A_427 : i32 to vector<16xi32>
    %ge3A_429 = arith.cmpi sge, %gather3A_350, %ge3A_428 : vector<16xi32>
    %lt3A_430 = arith.constant 256 : i32
    %lt3A_431 = vector.broadcast %lt3A_430 : i32 to vector<16xi32>
    %lt3A_432 = arith.cmpi slt, %gather3A_350, %lt3A_431 : vector<16xi32>
    %and3A_433 = arith.andi %ge3A_429, %lt3A_432 : vector<16xi1>
    %add3A_434 = arith.constant 80 : i32
    %add3A_435 = vector.broadcast %add3A_434 : i32 to vector<16xi32>
    %add3A_436 = arith.addi %iota3A, %add3A_435 : vector<16xi32>
    tpu.vector_store_idx %arg5[%sub3A_426, %add3A_436], %broadcast_in_dim3A_3 masked %and3A_433 : memref<256x128xf32, #tpu.memory_space<vmem>>[vector<16xi32>, vector<16xi32>], vector<16xf32>, vector<16xi1>
    %sub3A_437 = arith.constant 0 : i32
    %sub3A_438 = vector.broadcast %sub3A_437 : i32 to vector<16xi32>
    %sub3A_439 = arith.subi %gather3A_354, %sub3A_438 : vector<16xi32>
    %ge3A_440 = arith.constant 0 : i32
    %ge3A_441 = vector.broadcast %ge3A_440 : i32 to vector<16xi32>
    %ge3A_442 = arith.cmpi sge, %gather3A_354, %ge3A_441 : vector<16xi32>
    %lt3A_443 = arith.constant 256 : i32
    %lt3A_444 = vector.broadcast %lt3A_443 : i32 to vector<16xi32>
    %lt3A_445 = arith.cmpi slt, %gather3A_354, %lt3A_444 : vector<16xi32>
    %and3A_446 = arith.andi %ge3A_442, %lt3A_445 : vector<16xi1>
    %add3A_447 = arith.constant 96 : i32
    %add3A_448 = vector.broadcast %add3A_447 : i32 to vector<16xi32>
    %add3A_449 = arith.addi %iota3A, %add3A_448 : vector<16xi32>
    tpu.vector_store_idx %arg5[%sub3A_439, %add3A_449], %broadcast_in_dim3A_3 masked %and3A_446 : memref<256x128xf32, #tpu.memory_space<vmem>>[vector<16xi32>, vector<16xi32>], vector<16xf32>, vector<16xi1>
    %sub3A_450 = arith.constant 0 : i32
    %sub3A_451 = vector.broadcast %sub3A_450 : i32 to vector<16xi32>
    %sub3A_452 = arith.subi %gather3A_358, %sub3A_451 : vector<16xi32>
    %ge3A_453 = arith.constant 0 : i32
    %ge3A_454 = vector.broadcast %ge3A_453 : i32 to vector<16xi32>
    %ge3A_455 = arith.cmpi sge, %gather3A_358, %ge3A_454 : vector<16xi32>
    %lt3A_456 = arith.constant 256 : i32
    %lt3A_457 = vector.broadcast %lt3A_456 : i32 to vector<16xi32>
    %lt3A_458 = arith.cmpi slt, %gather3A_358, %lt3A_457 : vector<16xi32>
    %and3A_459 = arith.andi %ge3A_455, %lt3A_458 : vector<16xi1>
    %add3A_460 = arith.constant 112 : i32
    %add3A_461 = vector.broadcast %add3A_460 : i32 to vector<16xi32>
    %add3A_462 = arith.addi %iota3A, %add3A_461 : vector<16xi32>
    tpu.vector_store_idx %arg5[%sub3A_452, %add3A_462], %broadcast_in_dim3A_3 masked %and3A_459 : memref<256x128xf32, #tpu.memory_space<vmem>>[vector<16xi32>, vector<16xi32>], vector<16xf32>, vector<16xi1>
    %broadcast_in_dim3A_463 = arith.constant 49 : i32
    %broadcast_in_dim3A_464 = vector.broadcast %broadcast_in_dim3A_463 : i32 to vector<16xi32>
    %add3A_465 = arith.constant 0 : i32
    %add3A_466 = vector.broadcast %add3A_465 : i32 to vector<16xi32>
    %add3A_467 = arith.addi %iota3A, %add3A_466 : vector<16xi32>
    %gather3A_468 = tpu.vector_load_idx %arg4[%broadcast_in_dim3A_464, %add3A_467] : memref<50x128xi32, #tpu.memory_space<vmem>>[vector<16xi32>, vector<16xi32>], vector<16xi32>,
    %add3A_469 = arith.constant 16 : i32
    %add3A_470 = vector.broadcast %add3A_469 : i32 to vector<16xi32>
    %add3A_471 = arith.addi %iota3A, %add3A_470 : vector<16xi32>
    %gather3A_472 = tpu.vector_load_idx %arg4[%broadcast_in_dim3A_464, %add3A_471] : memref<50x128xi32, #tpu.memory_space<vmem>>[vector<16xi32>, vector<16xi32>], vector<16xi32>,
    %add3A_473 = arith.constant 32 : i32
    %add3A_474 = vector.broadcast %add3A_473 : i32 to vector<16xi32>
    %add3A_475 = arith.addi %iota3A, %add3A_474 : vector<16xi32>
    %gather3A_476 = tpu.vector_load_idx %arg4[%broadcast_in_dim3A_464, %add3A_475] : memref<50x128xi32, #tpu.memory_space<vmem>>[vector<16xi32>, vector<16xi32>], vector<16xi32>,
    %add3A_477 = arith.constant 48 : i32
    %add3A_478 = vector.broadcast %add3A_477 : i32 to vector<16xi32>
    %add3A_479 = arith.addi %iota3A, %add3A_478 : vector<16xi32>
    %gather3A_480 = tpu.vector_load_idx %arg4[%broadcast_in_dim3A_464, %add3A_479] : memref<50x128xi32, #tpu.memory_space<vmem>>[vector<16xi32>, vector<16xi32>], vector<16xi32>,
    %add3A_481 = arith.constant 64 : i32
    %add3A_482 = vector.broadcast %add3A_481 : i32 to vector<16xi32>
    %add3A_483 = arith.addi %iota3A, %add3A_482 : vector<16xi32>
    %gather3A_484 = tpu.vector_load_idx %arg4[%broadcast_in_dim3A_464, %add3A_483] : memref<50x128xi32, #tpu.memory_space<vmem>>[vector<16xi32>, vector<16xi32>], vector<16xi32>,
    %add3A_485 = arith.constant 80 : i32
    %add3A_486 = vector.broadcast %add3A_485 : i32 to vector<16xi32>
    %add3A_487 = arith.addi %iota3A, %add3A_486 : vector<16xi32>
    %gather3A_488 = tpu.vector_load_idx %arg4[%broadcast_in_dim3A_464, %add3A_487] : memref<50x128xi32, #tpu.memory_space<vmem>>[vector<16xi32>, vector<16xi32>], vector<16xi32>,
    %add3A_489 = arith.constant 96 : i32
    %add3A_490 = vector.broadcast %add3A_489 : i32 to vector<16xi32>
    %add3A_491 = arith.addi %iota3A, %add3A_490 : vector<16xi32>
    %gather3A_492 = tpu.vector_load_idx %arg4[%broadcast_in_dim3A_464, %add3A_491] : memref<50x128xi32, #tpu.memory_space<vmem>>[vector<16xi32>, vector<16xi32>], vector<16xi32>,
    %add3A_493 = arith.constant 112 : i32
    %add3A_494 = vector.broadcast %add3A_493 : i32 to vector<16xi32>
    %add3A_495 = arith.addi %iota3A, %add3A_494 : vector<16xi32>
    %gather3A_496 = tpu.vector_load_idx %arg4[%broadcast_in_dim3A_464, %add3A_495] : memref<50x128xi32, #tpu.memory_space<vmem>>[vector<16xi32>, vector<16xi32>], vector<16xi32>,
    %sub3A_497 = arith.constant 512 : i32
    %sub3A_498 = vector.broadcast %sub3A_497 : i32 to vector<16xi32>
    %sub3A_499 = arith.subi %gather3A_468, %sub3A_498 : vector<16xi32>
    %ge3A_500 = arith.constant 512 : i32
    %ge3A_501 = vector.broadcast %ge3A_500 : i32 to vector<16xi32>
    %ge3A_502 = arith.cmpi sge, %gather3A_468, %ge3A_501 : vector<16xi32>
    %lt3A_503 = arith.constant 768 : i32
    %lt3A_504 = vector.broadcast %lt3A_503 : i32 to vector<16xi32>
    %lt3A_505 = arith.cmpi slt, %gather3A_468, %lt3A_504 : vector<16xi32>
    %and3A_506 = arith.andi %ge3A_502, %lt3A_505 : vector<16xi1>
    %add3A_507 = arith.constant 0 : i32
    %add3A_508 = vector.broadcast %add3A_507 : i32 to vector<16xi32>
    %add3A_509 = arith.addi %iota3A, %add3A_508 : vector<16xi32>
    tpu.vector_store_idx %arg5[%sub3A_499, %add3A_509], %broadcast_in_dim3A_5 masked %and3A_506 : memref<256x128xf32, #tpu.memory_space<vmem>>[vector<16xi32>, vector<16xi32>], vector<16xf32>, vector<16xi1>
    %sub3A_510 = arith.constant 512 : i32
    %sub3A_511 = vector.broadcast %sub3A_510 : i32 to vector<16xi32>
    %sub3A_512 = arith.subi %gather3A_472, %sub3A_511 : vector<16xi32>
    %ge3A_513 = arith.constant 512 : i32
    %ge3A_514 = vector.broadcast %ge3A_513 : i32 to vector<16xi32>
    %ge3A_515 = arith.cmpi sge, %gather3A_472, %ge3A_514 : vector<16xi32>
    %lt3A_516 = arith.constant 768 : i32
    %lt3A_517 = vector.broadcast %lt3A_516 : i32 to vector<16xi32>
    %lt3A_518 = arith.cmpi slt, %gather3A_472, %lt3A_517 : vector<16xi32>
    %and3A_519 = arith.andi %ge3A_515, %lt3A_518 : vector<16xi1>
    %add3A_520 = arith.constant 16 : i32
    %add3A_521 = vector.broadcast %add3A_520 : i32 to vector<16xi32>
    %add3A_522 = arith.addi %iota3A, %add3A_521 : vector<16xi32>
    tpu.vector_store_idx %arg5[%sub3A_512, %add3A_522], %broadcast_in_dim3A_5 masked %and3A_519 : memref<256x128xf32, #tpu.memory_space<vmem>>[vector<16xi32>, vector<16xi32>], vector<16xf32>, vector<16xi1>
    %sub3A_523 = arith.constant 512 : i32
    %sub3A_524 = vector.broadcast %sub3A_523 : i32 to vector<16xi32>
    %sub3A_525 = arith.subi %gather3A_476, %sub3A_524 : vector<16xi32>
    %ge3A_526 = arith.constant 512 : i32
    %ge3A_527 = vector.broadcast %ge3A_526 : i32 to vector<16xi32>
    %ge3A_528 = arith.cmpi sge, %gather3A_476, %ge3A_527 : vector<16xi32>
    %lt3A_529 = arith.constant 768 : i32
    %lt3A_530 = vector.broadcast %lt3A_529 : i32 to vector<16xi32>
    %lt3A_531 = arith.cmpi slt, %gather3A_476, %lt3A_530 : vector<16xi32>
    %and3A_532 = arith.andi %ge3A_528, %lt3A_531 : vector<16xi1>
    %add3A_533 = arith.constant 32 : i32
    %add3A_534 = vector.broadcast %add3A_533 : i32 to vector<16xi32>
    %add3A_535 = arith.addi %iota3A, %add3A_534 : vector<16xi32>
    tpu.vector_store_idx %arg5[%sub3A_525, %add3A_535], %broadcast_in_dim3A_5 masked %and3A_532 : memref<256x128xf32, #tpu.memory_space<vmem>>[vector<16xi32>, vector<16xi32>], vector<16xf32>, vector<16xi1>
    %sub3A_536 = arith.constant 512 : i32
    %sub3A_537 = vector.broadcast %sub3A_536 : i32 to vector<16xi32>
    %sub3A_538 = arith.subi %gather3A_480, %sub3A_537 : vector<16xi32>
    %ge3A_539 = arith.constant 512 : i32
    %ge3A_540 = vector.broadcast %ge3A_539 : i32 to vector<16xi32>
    %ge3A_541 = arith.cmpi sge, %gather3A_480, %ge3A_540 : vector<16xi32>
    %lt3A_542 = arith.constant 768 : i32
    %lt3A_543 = vector.broadcast %lt3A_542 : i32 to vector<16xi32>
    %lt3A_544 = arith.cmpi slt, %gather3A_480, %lt3A_543 : vector<16xi32>
    %and3A_545 = arith.andi %ge3A_541, %lt3A_544 : vector<16xi1>
    %add3A_546 = arith.constant 48 : i32
    %add3A_547 = vector.broadcast %add3A_546 : i32 to vector<16xi32>
    %add3A_548 = arith.addi %iota3A, %add3A_547 : vector<16xi32>
    tpu.vector_store_idx %arg5[%sub3A_538, %add3A_548], %broadcast_in_dim3A_5 masked %and3A_545 : memref<256x128xf32, #tpu.memory_space<vmem>>[vector<16xi32>, vector<16xi32>], vector<16xf32>, vector<16xi1>
    %sub3A_549 = arith.constant 512 : i32
    %sub3A_550 = vector.broadcast %sub3A_549 : i32 to vector<16xi32>
    %sub3A_551 = arith.subi %gather3A_484, %sub3A_550 : vector<16xi32>
    %ge3A_552 = arith.constant 512 : i32
    %ge3A_553 = vector.broadcast %ge3A_552 : i32 to vector<16xi32>
    %ge3A_554 = arith.cmpi sge, %gather3A_484, %ge3A_553 : vector<16xi32>
    %lt3A_555 = arith.constant 768 : i32
    %lt3A_556 = vector.broadcast %lt3A_555 : i32 to vector<16xi32>
    %lt3A_557 = arith.cmpi slt, %gather3A_484, %lt3A_556 : vector<16xi32>
    %and3A_558 = arith.andi %ge3A_554, %lt3A_557 : vector<16xi1>
    %add3A_559 = arith.constant 64 : i32
    %add3A_560 = vector.broadcast %add3A_559 : i32 to vector<16xi32>
    %add3A_561 = arith.addi %iota3A, %add3A_560 : vector<16xi32>
    tpu.vector_store_idx %arg5[%sub3A_551, %add3A_561], %broadcast_in_dim3A_5 masked %and3A_558 : memref<256x128xf32, #tpu.memory_space<vmem>>[vector<16xi32>, vector<16xi32>], vector<16xf32>, vector<16xi1>
    %sub3A_562 = arith.constant 512 : i32
    %sub3A_563 = vector.broadcast %sub3A_562 : i32 to vector<16xi32>
    %sub3A_564 = arith.subi %gather3A_488, %sub3A_563 : vector<16xi32>
    %ge3A_565 = arith.constant 512 : i32
    %ge3A_566 = vector.broadcast %ge3A_565 : i32 to vector<16xi32>
    %ge3A_567 = arith.cmpi sge, %gather3A_488, %ge3A_566 : vector<16xi32>
    %lt3A_568 = arith.constant 768 : i32
    %lt3A_569 = vector.broadcast %lt3A_568 : i32 to vector<16xi32>
    %lt3A_570 = arith.cmpi slt, %gather3A_488, %lt3A_569 : vector<16xi32>
    %and3A_571 = arith.andi %ge3A_567, %lt3A_570 : vector<16xi1>
    %add3A_572 = arith.constant 80 : i32
    %add3A_573 = vector.broadcast %add3A_572 : i32 to vector<16xi32>
    %add3A_574 = arith.addi %iota3A, %add3A_573 : vector<16xi32>
    tpu.vector_store_idx %arg5[%sub3A_564, %add3A_574], %broadcast_in_dim3A_5 masked %and3A_571 : memref<256x128xf32, #tpu.memory_space<vmem>>[vector<16xi32>, vector<16xi32>], vector<16xf32>, vector<16xi1>
    %sub3A_575 = arith.constant 512 : i32
    %sub3A_576 = vector.broadcast %sub3A_575 : i32 to vector<16xi32>
    %sub3A_577 = arith.subi %gather3A_492, %sub3A_576 : vector<16xi32>
    %ge3A_578 = arith.constant 512 : i32
    %ge3A_579 = vector.broadcast %ge3A_578 : i32 to vector<16xi32>
    %ge3A_580 = arith.cmpi sge, %gather3A_492, %ge3A_579 : vector<16xi32>
    %lt3A_581 = arith.constant 768 : i32
    %lt3A_582 = vector.broadcast %lt3A_581 : i32 to vector<16xi32>
    %lt3A_583 = arith.cmpi slt, %gather3A_492, %lt3A_582 : vector<16xi32>
    %and3A_584 = arith.andi %ge3A_580, %lt3A_583 : vector<16xi1>
    %add3A_585 = arith.constant 96 : i32
    %add3A_586 = vector.broadcast %add3A_585 : i32 to vector<16xi32>
    %add3A_587 = arith.addi %iota3A, %add3A_586 : vector<16xi32>
    tpu.vector_store_idx %arg5[%sub3A_577, %add3A_587], %broadcast_in_dim3A_5 masked %and3A_584 : memref<256x128xf32, #tpu.memory_space<vmem>>[vector<16xi32>, vector<16xi32>], vector<16xf32>, vector<16xi1>
    %sub3A_588 = arith.constant 512 : i32
    %sub3A_589 = vector.broadcast %sub3A_588 : i32 to vector<16xi32>
    %sub3A_590 = arith.subi %gather3A_496, %sub3A_589 : vector<16xi32>
    %ge3A_591 = arith.constant 512 : i32
    %ge3A_592 = vector.broadcast %ge3A_591 : i32 to vector<16xi32>
    %ge3A_593 = arith.cmpi sge, %gather3A_496, %ge3A_592 : vector<16xi32>
    %lt3A_594 = arith.constant 768 : i32
    %lt3A_595 = vector.broadcast %lt3A_594 : i32 to vector<16xi32>
    %lt3A_596 = arith.cmpi slt, %gather3A_496, %lt3A_595 : vector<16xi32>
    %and3A_597 = arith.andi %ge3A_593, %lt3A_596 : vector<16xi1>
    %add3A_598 = arith.constant 112 : i32
    %add3A_599 = vector.broadcast %add3A_598 : i32 to vector<16xi32>
    %add3A_600 = arith.addi %iota3A, %add3A_599 : vector<16xi32>
    tpu.vector_store_idx %arg5[%sub3A_590, %add3A_600], %broadcast_in_dim3A_5 masked %and3A_597 : memref<256x128xf32, #tpu.memory_space<vmem>>[vector<16xi32>, vector<16xi32>], vector<16xf32>, vector<16xi1>
    %dma_start3A_601 = arith.constant 49 : i32
    %dma_start3A_602 = arith.constant 0 : i32
    %dma_start3A_603 = arith.constant 0 : i32
    %dma_start3A_604 = tpu.memref_slice %arg5[%dma_start3A_602, %dma_start3A_603] : memref<256x128xf32, #tpu.memory_space<vmem>> -> memref<256x128xf32, #tpu.memory_space<vmem>>
    %dma_start3A_605 = arith.constant 512 : i32
    %dma_start3A_606 = tpu.memref_slice %arg3[%dma_start3A_601, %dma_start3A_605, %mul3A_2] : memref<50x1000x4096xf32, #tpu.memory_space<hbm>> -> memref<1x256x128xf32, #tpu.memory_space<hbm>>
    %dma_start3A_607 = tpu.memref_squeeze %dma_start3A_606 : memref<1x256x128xf32, #tpu.memory_space<hbm>> -> memref<256x128xf32, #tpu.memory_space<hbm>>
    %dma_start3A_608 = arith.constant 512 : i32
    %dma_start3A_609 = tpu.memref_slice %arg3[%dma_start3A_601, %dma_start3A_608, %mul3A_2] : memref<50x1000x4096xf32, #tpu.memory_space<hbm>> -> memref<1x256x128xf32, #tpu.memory_space<hbm>>
    %dma_start3A_610 = tpu.memref_squeeze %dma_start3A_609 : memref<1x256x128xf32, #tpu.memory_space<hbm>> -> memref<256x128xf32, #tpu.memory_space<hbm>>
    %dma_start3A_611 = arith.constant 0 : i32
    %dma_start3A_612 = arith.constant 0 : i32
    %dma_start3A_613 = tpu.memref_slice %arg5[%dma_start3A_611, %dma_start3A_612] : memref<256x128xf32, #tpu.memory_space<vmem>> -> memref<256x128xf32, #tpu.memory_space<vmem>>
    tpu.enqueue_dma source(%dma_start3A_613 : memref<256x128xf32, #tpu.memory_space<vmem>>) target(%dma_start3A_610 : memref<256x128xf32, #tpu.memory_space<hbm>>) target_semaphore(%arg7 : memref<!tpu.dma_semaphore, #tpu.memory_space<semaphore_mem>>)
    %dma_wait3A_614 = arith.constant 49 : i32
    %dma_wait3A_615 = arith.constant 0 : i32
    %dma_wait3A_616 = arith.constant 0 : i32
    %dma_wait3A_617 = tpu.memref_slice %arg6[%dma_wait3A_615, %dma_wait3A_616] : memref<256x128xf32, #tpu.memory_space<vmem>> -> memref<256x128xf32, #tpu.memory_space<vmem>>
    %dma_wait3A_618 = arith.constant 256 : i32
    %dma_wait3A_619 = tpu.memref_slice %arg3[%dma_wait3A_614, %dma_wait3A_618, %mul3A_2] : memref<50x1000x4096xf32, #tpu.memory_space<hbm>> -> memref<1x256x128xf32, #tpu.memory_space<hbm>>
    %dma_wait3A_620 = tpu.memref_squeeze %dma_wait3A_619 : memref<1x256x128xf32, #tpu.memory_space<hbm>> -> memref<256x128xf32, #tpu.memory_space<hbm>>
    %dma_wait3A_621 = arith.constant 256 : i32
    %dma_wait3A_622 = tpu.memref_slice %arg3[%dma_wait3A_614, %dma_wait3A_621, %mul3A_2] : memref<50x1000x4096xf32, #tpu.memory_space<hbm>> -> memref<1x256x128xf32, #tpu.memory_space<hbm>>
    %dma_wait3A_623 = tpu.memref_squeeze %dma_wait3A_622 : memref<1x256x128xf32, #tpu.memory_space<hbm>> -> memref<256x128xf32, #tpu.memory_space<hbm>>
    %dma_wait3A_624 = arith.constant 0 : i32
    %dma_wait3A_625 = arith.constant 0 : i32
    %dma_wait3A_626 = tpu.memref_slice %arg6[%dma_wait3A_624, %dma_wait3A_625] : memref<256x128xf32, #tpu.memory_space<vmem>> -> memref<256x128xf32, #tpu.memory_space<vmem>>
    tpu.wait_dma2 semaphore(%arg8 : memref<!tpu.dma_semaphore, #tpu.memory_space<semaphore_mem>>) src(%dma_wait3A_626 : memref<256x128xf32, #tpu.memory_space<vmem>>) dst(%dma_wait3A_623 : memref<256x128xf32, #tpu.memory_space<hbm>>)
    %broadcast_in_dim3A_627 = arith.constant 49 : i32
    %broadcast_in_dim3A_628 = vector.broadcast %broadcast_in_dim3A_627 : i32 to vector<16xi32>
    %add3A_629 = arith.constant 0 : i32
    %add3A_630 = vector.broadcast %add3A_629 : i32 to vector<16xi32>
    %add3A_631 = arith.addi %iota3A, %add3A_630 : vector<16xi32>
    %gather3A_632 = tpu.vector_load_idx %arg4[%broadcast_in_dim3A_628, %add3A_631] : memref<50x128xi32, #tpu.memory_space<vmem>>[vector<16xi32>, vector<16xi32>], vector<16xi32>,
    %add3A_633 = arith.constant 16 : i32
    %add3A_634 = vector.broadcast %add3A_633 : i32 to vector<16xi32>
    %add3A_635 = arith.addi %iota3A, %add3A_634 : vector<16xi32>
    %gather3A_636 = tpu.vector_load_idx %arg4[%broadcast_in_dim3A_628, %add3A_635] : memref<50x128xi32, #tpu.memory_space<vmem>>[vector<16xi32>, vector<16xi32>], vector<16xi32>,
    %add3A_637 = arith.constant 32 : i32
    %add3A_638 = vector.broadcast %add3A_637 : i32 to vector<16xi32>
    %add3A_639 = arith.addi %iota3A, %add3A_638 : vector<16xi32>
    %gather3A_640 = tpu.vector_load_idx %arg4[%broadcast_in_dim3A_628, %add3A_639] : memref<50x128xi32, #tpu.memory_space<vmem>>[vector<16xi32>, vector<16xi32>], vector<16xi32>,
    %add3A_641 = arith.constant 48 : i32
    %add3A_642 = vector.broadcast %add3A_641 : i32 to vector<16xi32>
    %add3A_643 = arith.addi %iota3A, %add3A_642 : vector<16xi32>
    %gather3A_644 = tpu.vector_load_idx %arg4[%broadcast_in_dim3A_628, %add3A_643] : memref<50x128xi32, #tpu.memory_space<vmem>>[vector<16xi32>, vector<16xi32>], vector<16xi32>,
    %add3A_645 = arith.constant 64 : i32
    %add3A_646 = vector.broadcast %add3A_645 : i32 to vector<16xi32>
    %add3A_647 = arith.addi %iota3A, %add3A_646 : vector<16xi32>
    %gather3A_648 = tpu.vector_load_idx %arg4[%broadcast_in_dim3A_628, %add3A_647] : memref<50x128xi32, #tpu.memory_space<vmem>>[vector<16xi32>, vector<16xi32>], vector<16xi32>,
    %add3A_649 = arith.constant 80 : i32
    %add3A_650 = vector.broadcast %add3A_649 : i32 to vector<16xi32>
    %add3A_651 = arith.addi %iota3A, %add3A_650 : vector<16xi32>
    %gather3A_652 = tpu.vector_load_idx %arg4[%broadcast_in_dim3A_628, %add3A_651] : memref<50x128xi32, #tpu.memory_space<vmem>>[vector<16xi32>, vector<16xi32>], vector<16xi32>,
    %add3A_653 = arith.constant 96 : i32
    %add3A_654 = vector.broadcast %add3A_653 : i32 to vector<16xi32>
    %add3A_655 = arith.addi %iota3A, %add3A_654 : vector<16xi32>
    %gather3A_656 = tpu.vector_load_idx %arg4[%broadcast_in_dim3A_628, %add3A_655] : memref<50x128xi32, #tpu.memory_space<vmem>>[vector<16xi32>, vector<16xi32>], vector<16xi32>,
    %add3A_657 = arith.constant 112 : i32
    %add3A_658 = vector.broadcast %add3A_657 : i32 to vector<16xi32>
    %add3A_659 = arith.addi %iota3A, %add3A_658 : vector<16xi32>
    %gather3A_660 = tpu.vector_load_idx %arg4[%broadcast_in_dim3A_628, %add3A_659] : memref<50x128xi32, #tpu.memory_space<vmem>>[vector<16xi32>, vector<16xi32>], vector<16xi32>,
    %sub3A_661 = arith.constant 256 : i32
    %sub3A_662 = vector.broadcast %sub3A_661 : i32 to vector<16xi32>
    %sub3A_663 = arith.subi %gather3A_632, %sub3A_662 : vector<16xi32>
    %ge3A_664 = arith.constant 256 : i32
    %ge3A_665 = vector.broadcast %ge3A_664 : i32 to vector<16xi32>
    %ge3A_666 = arith.cmpi sge, %gather3A_632, %ge3A_665 : vector<16xi32>
    %lt3A_667 = arith.constant 512 : i32
    %lt3A_668 = vector.broadcast %lt3A_667 : i32 to vector<16xi32>
    %lt3A_669 = arith.cmpi slt, %gather3A_632, %lt3A_668 : vector<16xi32>
    %and3A_670 = arith.andi %ge3A_666, %lt3A_669 : vector<16xi1>
    %add3A_671 = arith.constant 0 : i32
    %add3A_672 = vector.broadcast %add3A_671 : i32 to vector<16xi32>
    %add3A_673 = arith.addi %iota3A, %add3A_672 : vector<16xi32>
    tpu.vector_store_idx %arg6[%sub3A_663, %add3A_673], %broadcast_in_dim3A_3 masked %and3A_670 : memref<256x128xf32, #tpu.memory_space<vmem>>[vector<16xi32>, vector<16xi32>], vector<16xf32>, vector<16xi1>
    %sub3A_674 = arith.constant 256 : i32
    %sub3A_675 = vector.broadcast %sub3A_674 : i32 to vector<16xi32>
    %sub3A_676 = arith.subi %gather3A_636, %sub3A_675 : vector<16xi32>
    %ge3A_677 = arith.constant 256 : i32
    %ge3A_678 = vector.broadcast %ge3A_677 : i32 to vector<16xi32>
    %ge3A_679 = arith.cmpi sge, %gather3A_636, %ge3A_678 : vector<16xi32>
    %lt3A_680 = arith.constant 512 : i32
    %lt3A_681 = vector.broadcast %lt3A_680 : i32 to vector<16xi32>
    %lt3A_682 = arith.cmpi slt, %gather3A_636, %lt3A_681 : vector<16xi32>
    %and3A_683 = arith.andi %ge3A_679, %lt3A_682 : vector<16xi1>
    %add3A_684 = arith.constant 16 : i32
    %add3A_685 = vector.broadcast %add3A_684 : i32 to vector<16xi32>
    %add3A_686 = arith.addi %iota3A, %add3A_685 : vector<16xi32>
    tpu.vector_store_idx %arg6[%sub3A_676, %add3A_686], %broadcast_in_dim3A_3 masked %and3A_683 : memref<256x128xf32, #tpu.memory_space<vmem>>[vector<16xi32>, vector<16xi32>], vector<16xf32>, vector<16xi1>
    %sub3A_687 = arith.constant 256 : i32
    %sub3A_688 = vector.broadcast %sub3A_687 : i32 to vector<16xi32>
    %sub3A_689 = arith.subi %gather3A_640, %sub3A_688 : vector<16xi32>
    %ge3A_690 = arith.constant 256 : i32
    %ge3A_691 = vector.broadcast %ge3A_690 : i32 to vector<16xi32>
    %ge3A_692 = arith.cmpi sge, %gather3A_640, %ge3A_691 : vector<16xi32>
    %lt3A_693 = arith.constant 512 : i32
    %lt3A_694 = vector.broadcast %lt3A_693 : i32 to vector<16xi32>
    %lt3A_695 = arith.cmpi slt, %gather3A_640, %lt3A_694 : vector<16xi32>
    %and3A_696 = arith.andi %ge3A_692, %lt3A_695 : vector<16xi1>
    %add3A_697 = arith.constant 32 : i32
    %add3A_698 = vector.broadcast %add3A_697 : i32 to vector<16xi32>
    %add3A_699 = arith.addi %iota3A, %add3A_698 : vector<16xi32>
    tpu.vector_store_idx %arg6[%sub3A_689, %add3A_699], %broadcast_in_dim3A_3 masked %and3A_696 : memref<256x128xf32, #tpu.memory_space<vmem>>[vector<16xi32>, vector<16xi32>], vector<16xf32>, vector<16xi1>
    %sub3A_700 = arith.constant 256 : i32
    %sub3A_701 = vector.broadcast %sub3A_700 : i32 to vector<16xi32>
    %sub3A_702 = arith.subi %gather3A_644, %sub3A_701 : vector<16xi32>
    %ge3A_703 = arith.constant 256 : i32
    %ge3A_704 = vector.broadcast %ge3A_703 : i32 to vector<16xi32>
    %ge3A_705 = arith.cmpi sge, %gather3A_644, %ge3A_704 : vector<16xi32>
    %lt3A_706 = arith.constant 512 : i32
    %lt3A_707 = vector.broadcast %lt3A_706 : i32 to vector<16xi32>
    %lt3A_708 = arith.cmpi slt, %gather3A_644, %lt3A_707 : vector<16xi32>
    %and3A_709 = arith.andi %ge3A_705, %lt3A_708 : vector<16xi1>
    %add3A_710 = arith.constant 48 : i32
    %add3A_711 = vector.broadcast %add3A_710 : i32 to vector<16xi32>
    %add3A_712 = arith.addi %iota3A, %add3A_711 : vector<16xi32>
    tpu.vector_store_idx %arg6[%sub3A_702, %add3A_712], %broadcast_in_dim3A_3 masked %and3A_709 : memref<256x128xf32, #tpu.memory_space<vmem>>[vector<16xi32>, vector<16xi32>], vector<16xf32>, vector<16xi1>
    %sub3A_713 = arith.constant 256 : i32
    %sub3A_714 = vector.broadcast %sub3A_713 : i32 to vector<16xi32>
    %sub3A_715 = arith.subi %gather3A_648, %sub3A_714 : vector<16xi32>
    %ge3A_716 = arith.constant 256 : i32
    %ge3A_717 = vector.broadcast %ge3A_716 : i32 to vector<16xi32>
    %ge3A_718 = arith.cmpi sge, %gather3A_648, %ge3A_717 : vector<16xi32>
    %lt3A_719 = arith.constant 512 : i32
    %lt3A_720 = vector.broadcast %lt3A_719 : i32 to vector<16xi32>
    %lt3A_721 = arith.cmpi slt, %gather3A_648, %lt3A_720 : vector<16xi32>
    %and3A_722 = arith.andi %ge3A_718, %lt3A_721 : vector<16xi1>
    %add3A_723 = arith.constant 64 : i32
    %add3A_724 = vector.broadcast %add3A_723 : i32 to vector<16xi32>
    %add3A_725 = arith.addi %iota3A, %add3A_724 : vector<16xi32>
    tpu.vector_store_idx %arg6[%sub3A_715, %add3A_725], %broadcast_in_dim3A_3 masked %and3A_722 : memref<256x128xf32, #tpu.memory_space<vmem>>[vector<16xi32>, vector<16xi32>], vector<16xf32>, vector<16xi1>
    %sub3A_726 = arith.constant 256 : i32
    %sub3A_727 = vector.broadcast %sub3A_726 : i32 to vector<16xi32>
    %sub3A_728 = arith.subi %gather3A_652, %sub3A_727 : vector<16xi32>
    %ge3A_729 = arith.constant 256 : i32
    %ge3A_730 = vector.broadcast %ge3A_729 : i32 to vector<16xi32>
    %ge3A_731 = arith.cmpi sge, %gather3A_652, %ge3A_730 : vector<16xi32>
    %lt3A_732 = arith.constant 512 : i32
    %lt3A_733 = vector.broadcast %lt3A_732 : i32 to vector<16xi32>
    %lt3A_734 = arith.cmpi slt, %gather3A_652, %lt3A_733 : vector<16xi32>
    %and3A_735 = arith.andi %ge3A_731, %lt3A_734 : vector<16xi1>
    %add3A_736 = arith.constant 80 : i32
    %add3A_737 = vector.broadcast %add3A_736 : i32 to vector<16xi32>
    %add3A_738 = arith.addi %iota3A, %add3A_737 : vector<16xi32>
    tpu.vector_store_idx %arg6[%sub3A_728, %add3A_738], %broadcast_in_dim3A_3 masked %and3A_735 : memref<256x128xf32, #tpu.memory_space<vmem>>[vector<16xi32>, vector<16xi32>], vector<16xf32>, vector<16xi1>
    %sub3A_739 = arith.constant 256 : i32
    %sub3A_740 = vector.broadcast %sub3A_739 : i32 to vector<16xi32>
    %sub3A_741 = arith.subi %gather3A_656, %sub3A_740 : vector<16xi32>
    %ge3A_742 = arith.constant 256 : i32
    %ge3A_743 = vector.broadcast %ge3A_742 : i32 to vector<16xi32>
    %ge3A_744 = arith.cmpi sge, %gather3A_656, %ge3A_743 : vector<16xi32>
    %lt3A_745 = arith.constant 512 : i32
    %lt3A_746 = vector.broadcast %lt3A_745 : i32 to vector<16xi32>
    %lt3A_747 = arith.cmpi slt, %gather3A_656, %lt3A_746 : vector<16xi32>
    %and3A_748 = arith.andi %ge3A_744, %lt3A_747 : vector<16xi1>
    %add3A_749 = arith.constant 96 : i32
    %add3A_750 = vector.broadcast %add3A_749 : i32 to vector<16xi32>
    %add3A_751 = arith.addi %iota3A, %add3A_750 : vector<16xi32>
    tpu.vector_store_idx %arg6[%sub3A_741, %add3A_751], %broadcast_in_dim3A_3 masked %and3A_748 : memref<256x128xf32, #tpu.memory_space<vmem>>[vector<16xi32>, vector<16xi32>], vector<16xf32>, vector<16xi1>
    %sub3A_752 = arith.constant 256 : i32
    %sub3A_753 = vector.broadcast %sub3A_752 : i32 to vector<16xi32>
    %sub3A_754 = arith.subi %gather3A_660, %sub3A_753 : vector<16xi32>
    %ge3A_755 = arith.constant 256 : i32
    %ge3A_756 = vector.broadcast %ge3A_755 : i32 to vector<16xi32>
    %ge3A_757 = arith.cmpi sge, %gather3A_660, %ge3A_756 : vector<16xi32>
    %lt3A_758 = arith.constant 512 : i32
    %lt3A_759 = vector.broadcast %lt3A_758 : i32 to vector<16xi32>
    %lt3A_760 = arith.cmpi slt, %gather3A_660, %lt3A_759 : vector<16xi32>
    %and3A_761 = arith.andi %ge3A_757, %lt3A_760 : vector<16xi1>
    %add3A_762 = arith.constant 112 : i32
    %add3A_763 = vector.broadcast %add3A_762 : i32 to vector<16xi32>
    %add3A_764 = arith.addi %iota3A, %add3A_763 : vector<16xi32>
    tpu.vector_store_idx %arg6[%sub3A_754, %add3A_764], %broadcast_in_dim3A_3 masked %and3A_761 : memref<256x128xf32, #tpu.memory_space<vmem>>[vector<16xi32>, vector<16xi32>], vector<16xf32>, vector<16xi1>
    %broadcast_in_dim3A_765 = arith.constant 49 : i32
    %broadcast_in_dim3A_766 = vector.broadcast %broadcast_in_dim3A_765 : i32 to vector<16xi32>
    %add3A_767 = arith.constant 0 : i32
    %add3A_768 = vector.broadcast %add3A_767 : i32 to vector<16xi32>
    %add3A_769 = arith.addi %iota3A, %add3A_768 : vector<16xi32>
    %gather3A_770 = tpu.vector_load_idx %arg4[%broadcast_in_dim3A_766, %add3A_769] : memref<50x128xi32, #tpu.memory_space<vmem>>[vector<16xi32>, vector<16xi32>], vector<16xi32>,
    %add3A_771 = arith.constant 16 : i32
    %add3A_772 = vector.broadcast %add3A_771 : i32 to vector<16xi32>
    %add3A_773 = arith.addi %iota3A, %add3A_772 : vector<16xi32>
    %gather3A_774 = tpu.vector_load_idx %arg4[%broadcast_in_dim3A_766, %add3A_773] : memref<50x128xi32, #tpu.memory_space<vmem>>[vector<16xi32>, vector<16xi32>], vector<16xi32>,
    %add3A_775 = arith.constant 32 : i32
    %add3A_776 = vector.broadcast %add3A_775 : i32 to vector<16xi32>
    %add3A_777 = arith.addi %iota3A, %add3A_776 : vector<16xi32>
    %gather3A_778 = tpu.vector_load_idx %arg4[%broadcast_in_dim3A_766, %add3A_777] : memref<50x128xi32, #tpu.memory_space<vmem>>[vector<16xi32>, vector<16xi32>], vector<16xi32>,
    %add3A_779 = arith.constant 48 : i32
    %add3A_780 = vector.broadcast %add3A_779 : i32 to vector<16xi32>
    %add3A_781 = arith.addi %iota3A, %add3A_780 : vector<16xi32>
    %gather3A_782 = tpu.vector_load_idx %arg4[%broadcast_in_dim3A_766, %add3A_781] : memref<50x128xi32, #tpu.memory_space<vmem>>[vector<16xi32>, vector<16xi32>], vector<16xi32>,
    %add3A_783 = arith.constant 64 : i32
    %add3A_784 = vector.broadcast %add3A_783 : i32 to vector<16xi32>
    %add3A_785 = arith.addi %iota3A, %add3A_784 : vector<16xi32>
    %gather3A_786 = tpu.vector_load_idx %arg4[%broadcast_in_dim3A_766, %add3A_785] : memref<50x128xi32, #tpu.memory_space<vmem>>[vector<16xi32>, vector<16xi32>], vector<16xi32>,
    %add3A_787 = arith.constant 80 : i32
    %add3A_788 = vector.broadcast %add3A_787 : i32 to vector<16xi32>
    %add3A_789 = arith.addi %iota3A, %add3A_788 : vector<16xi32>
    %gather3A_790 = tpu.vector_load_idx %arg4[%broadcast_in_dim3A_766, %add3A_789] : memref<50x128xi32, #tpu.memory_space<vmem>>[vector<16xi32>, vector<16xi32>], vector<16xi32>,
    %add3A_791 = arith.constant 96 : i32
    %add3A_792 = vector.broadcast %add3A_791 : i32 to vector<16xi32>
    %add3A_793 = arith.addi %iota3A, %add3A_792 : vector<16xi32>
    %gather3A_794 = tpu.vector_load_idx %arg4[%broadcast_in_dim3A_766, %add3A_793] : memref<50x128xi32, #tpu.memory_space<vmem>>[vector<16xi32>, vector<16xi32>], vector<16xi32>,
    %add3A_795 = arith.constant 112 : i32
    %add3A_796 = vector.broadcast %add3A_795 : i32 to vector<16xi32>
    %add3A_797 = arith.addi %iota3A, %add3A_796 : vector<16xi32>
    %gather3A_798 = tpu.vector_load_idx %arg4[%broadcast_in_dim3A_766, %add3A_797] : memref<50x128xi32, #tpu.memory_space<vmem>>[vector<16xi32>, vector<16xi32>], vector<16xi32>,
    %sub3A_799 = arith.constant 768 : i32
    %sub3A_800 = vector.broadcast %sub3A_799 : i32 to vector<16xi32>
    %sub3A_801 = arith.subi %gather3A_770, %sub3A_800 : vector<16xi32>
    %ge3A_802 = arith.constant 768 : i32
    %ge3A_803 = vector.broadcast %ge3A_802 : i32 to vector<16xi32>
    %ge3A_804 = arith.cmpi sge, %gather3A_770, %ge3A_803 : vector<16xi32>
    %lt3A_805 = arith.constant 1000 : i32
    %lt3A_806 = vector.broadcast %lt3A_805 : i32 to vector<16xi32>
    %lt3A_807 = arith.cmpi slt, %gather3A_770, %lt3A_806 : vector<16xi32>
    %and3A_808 = arith.andi %ge3A_804, %lt3A_807 : vector<16xi1>
    %add3A_809 = arith.constant 0 : i32
    %add3A_810 = vector.broadcast %add3A_809 : i32 to vector<16xi32>
    %add3A_811 = arith.addi %iota3A, %add3A_810 : vector<16xi32>
    tpu.vector_store_idx %arg6[%sub3A_801, %add3A_811], %broadcast_in_dim3A_5 masked %and3A_808 : memref<256x128xf32, #tpu.memory_space<vmem>>[vector<16xi32>, vector<16xi32>], vector<16xf32>, vector<16xi1>
    %sub3A_812 = arith.constant 768 : i32
    %sub3A_813 = vector.broadcast %sub3A_812 : i32 to vector<16xi32>
    %sub3A_814 = arith.subi %gather3A_774, %sub3A_813 : vector<16xi32>
    %ge3A_815 = arith.constant 768 : i32
    %ge3A_816 = vector.broadcast %ge3A_815 : i32 to vector<16xi32>
    %ge3A_817 = arith.cmpi sge, %gather3A_774, %ge3A_816 : vector<16xi32>
    %lt3A_818 = arith.constant 1000 : i32
    %lt3A_819 = vector.broadcast %lt3A_818 : i32 to vector<16xi32>
    %lt3A_820 = arith.cmpi slt, %gather3A_774, %lt3A_819 : vector<16xi32>
    %and3A_821 = arith.andi %ge3A_817, %lt3A_820 : vector<16xi1>
    %add3A_822 = arith.constant 16 : i32
    %add3A_823 = vector.broadcast %add3A_822 : i32 to vector<16xi32>
    %add3A_824 = arith.addi %iota3A, %add3A_823 : vector<16xi32>
    tpu.vector_store_idx %arg6[%sub3A_814, %add3A_824], %broadcast_in_dim3A_5 masked %and3A_821 : memref<256x128xf32, #tpu.memory_space<vmem>>[vector<16xi32>, vector<16xi32>], vector<16xf32>, vector<16xi1>
    %sub3A_825 = arith.constant 768 : i32
    %sub3A_826 = vector.broadcast %sub3A_825 : i32 to vector<16xi32>
    %sub3A_827 = arith.subi %gather3A_778, %sub3A_826 : vector<16xi32>
    %ge3A_828 = arith.constant 768 : i32
    %ge3A_829 = vector.broadcast %ge3A_828 : i32 to vector<16xi32>
    %ge3A_830 = arith.cmpi sge, %gather3A_778, %ge3A_829 : vector<16xi32>
    %lt3A_831 = arith.constant 1000 : i32
    %lt3A_832 = vector.broadcast %lt3A_831 : i32 to vector<16xi32>
    %lt3A_833 = arith.cmpi slt, %gather3A_778, %lt3A_832 : vector<16xi32>
    %and3A_834 = arith.andi %ge3A_830, %lt3A_833 : vector<16xi1>
    %add3A_835 = arith.constant 32 : i32
    %add3A_836 = vector.broadcast %add3A_835 : i32 to vector<16xi32>
    %add3A_837 = arith.addi %iota3A, %add3A_836 : vector<16xi32>
    tpu.vector_store_idx %arg6[%sub3A_827, %add3A_837], %broadcast_in_dim3A_5 masked %and3A_834 : memref<256x128xf32, #tpu.memory_space<vmem>>[vector<16xi32>, vector<16xi32>], vector<16xf32>, vector<16xi1>
    %sub3A_838 = arith.constant 768 : i32
    %sub3A_839 = vector.broadcast %sub3A_838 : i32 to vector<16xi32>
    %sub3A_840 = arith.subi %gather3A_782, %sub3A_839 : vector<16xi32>
    %ge3A_841 = arith.constant 768 : i32
    %ge3A_842 = vector.broadcast %ge3A_841 : i32 to vector<16xi32>
    %ge3A_843 = arith.cmpi sge, %gather3A_782, %ge3A_842 : vector<16xi32>
    %lt3A_844 = arith.constant 1000 : i32
    %lt3A_845 = vector.broadcast %lt3A_844 : i32 to vector<16xi32>
    %lt3A_846 = arith.cmpi slt, %gather3A_782, %lt3A_845 : vector<16xi32>
    %and3A_847 = arith.andi %ge3A_843, %lt3A_846 : vector<16xi1>
    %add3A_848 = arith.constant 48 : i32
    %add3A_849 = vector.broadcast %add3A_848 : i32 to vector<16xi32>
    %add3A_850 = arith.addi %iota3A, %add3A_849 : vector<16xi32>
    tpu.vector_store_idx %arg6[%sub3A_840, %add3A_850], %broadcast_in_dim3A_5 masked %and3A_847 : memref<256x128xf32, #tpu.memory_space<vmem>>[vector<16xi32>, vector<16xi32>], vector<16xf32>, vector<16xi1>
    %sub3A_851 = arith.constant 768 : i32
    %sub3A_852 = vector.broadcast %sub3A_851 : i32 to vector<16xi32>
    %sub3A_853 = arith.subi %gather3A_786, %sub3A_852 : vector<16xi32>
    %ge3A_854 = arith.constant 768 : i32
    %ge3A_855 = vector.broadcast %ge3A_854 : i32 to vector<16xi32>
    %ge3A_856 = arith.cmpi sge, %gather3A_786, %ge3A_855 : vector<16xi32>
    %lt3A_857 = arith.constant 1000 : i32
    %lt3A_858 = vector.broadcast %lt3A_857 : i32 to vector<16xi32>
    %lt3A_859 = arith.cmpi slt, %gather3A_786, %lt3A_858 : vector<16xi32>
    %and3A_860 = arith.andi %ge3A_856, %lt3A_859 : vector<16xi1>
    %add3A_861 = arith.constant 64 : i32
    %add3A_862 = vector.broadcast %add3A_861 : i32 to vector<16xi32>
    %add3A_863 = arith.addi %iota3A, %add3A_862 : vector<16xi32>
    tpu.vector_store_idx %arg6[%sub3A_853, %add3A_863], %broadcast_in_dim3A_5 masked %and3A_860 : memref<256x128xf32, #tpu.memory_space<vmem>>[vector<16xi32>, vector<16xi32>], vector<16xf32>, vector<16xi1>
    %sub3A_864 = arith.constant 768 : i32
    %sub3A_865 = vector.broadcast %sub3A_864 : i32 to vector<16xi32>
    %sub3A_866 = arith.subi %gather3A_790, %sub3A_865 : vector<16xi32>
    %ge3A_867 = arith.constant 768 : i32
    %ge3A_868 = vector.broadcast %ge3A_867 : i32 to vector<16xi32>
    %ge3A_869 = arith.cmpi sge, %gather3A_790, %ge3A_868 : vector<16xi32>
    %lt3A_870 = arith.constant 1000 : i32
    %lt3A_871 = vector.broadcast %lt3A_870 : i32 to vector<16xi32>
    %lt3A_872 = arith.cmpi slt, %gather3A_790, %lt3A_871 : vector<16xi32>
    %and3A_873 = arith.andi %ge3A_869, %lt3A_872 : vector<16xi1>
    %add3A_874 = arith.constant 80 : i32
    %add3A_875 = vector.broadcast %add3A_874 : i32 to vector<16xi32>
    %add3A_876 = arith.addi %iota3A, %add3A_875 : vector<16xi32>
    tpu.vector_store_idx %arg6[%sub3A_866, %add3A_876], %broadcast_in_dim3A_5 masked %and3A_873 : memref<256x128xf32, #tpu.memory_space<vmem>>[vector<16xi32>, vector<16xi32>], vector<16xf32>, vector<16xi1>
    %sub3A_877 = arith.constant 768 : i32
    %sub3A_878 = vector.broadcast %sub3A_877 : i32 to vector<16xi32>
    %sub3A_879 = arith.subi %gather3A_794, %sub3A_878 : vector<16xi32>
    %ge3A_880 = arith.constant 768 : i32
    %ge3A_881 = vector.broadcast %ge3A_880 : i32 to vector<16xi32>
    %ge3A_882 = arith.cmpi sge, %gather3A_794, %ge3A_881 : vector<16xi32>
    %lt3A_883 = arith.constant 1000 : i32
    %lt3A_884 = vector.broadcast %lt3A_883 : i32 to vector<16xi32>
    %lt3A_885 = arith.cmpi slt, %gather3A_794, %lt3A_884 : vector<16xi32>
    %and3A_886 = arith.andi %ge3A_882, %lt3A_885 : vector<16xi1>
    %add3A_887 = arith.constant 96 : i32
    %add3A_888 = vector.broadcast %add3A_887 : i32 to vector<16xi32>
    %add3A_889 = arith.addi %iota3A, %add3A_888 : vector<16xi32>
    tpu.vector_store_idx %arg6[%sub3A_879, %add3A_889], %broadcast_in_dim3A_5 masked %and3A_886 : memref<256x128xf32, #tpu.memory_space<vmem>>[vector<16xi32>, vector<16xi32>], vector<16xf32>, vector<16xi1>
    %sub3A_890 = arith.constant 768 : i32
    %sub3A_891 = vector.broadcast %sub3A_890 : i32 to vector<16xi32>
    %sub3A_892 = arith.subi %gather3A_798, %sub3A_891 : vector<16xi32>
    %ge3A_893 = arith.constant 768 : i32
    %ge3A_894 = vector.broadcast %ge3A_893 : i32 to vector<16xi32>
    %ge3A_895 = arith.cmpi sge, %gather3A_798, %ge3A_894 : vector<16xi32>
    %lt3A_896 = arith.constant 1000 : i32
    %lt3A_897 = vector.broadcast %lt3A_896 : i32 to vector<16xi32>
    %lt3A_898 = arith.cmpi slt, %gather3A_798, %lt3A_897 : vector<16xi32>
    %and3A_899 = arith.andi %ge3A_895, %lt3A_898 : vector<16xi1>
    %add3A_900 = arith.constant 112 : i32
    %add3A_901 = vector.broadcast %add3A_900 : i32 to vector<16xi32>
    %add3A_902 = arith.addi %iota3A, %add3A_901 : vector<16xi32>
    tpu.vector_store_idx %arg6[%sub3A_892, %add3A_902], %broadcast_in_dim3A_5 masked %and3A_899 : memref<256x128xf32, #tpu.memory_space<vmem>>[vector<16xi32>, vector<16xi32>], vector<16xf32>, vector<16xi1>
    %dma_start3A_903 = arith.constant 49 : i32
    %dma_start3A_904 = arith.constant 0 : i32
    %dma_start3A_905 = arith.constant 0 : i32
    %dma_start3A_906 = tpu.memref_slice %arg6[%dma_start3A_904, %dma_start3A_905] : memref<256x128xf32, #tpu.memory_space<vmem>> -> memref<232x128xf32, #tpu.memory_space<vmem>>
    %dma_start3A_907 = arith.constant 768 : i32
    %dma_start3A_908 = tpu.memref_slice %arg3[%dma_start3A_903, %dma_start3A_907, %mul3A_2] : memref<50x1000x4096xf32, #tpu.memory_space<hbm>> -> memref<1x232x128xf32, #tpu.memory_space<hbm>>
    %dma_start3A_909 = tpu.memref_squeeze %dma_start3A_908 : memref<1x232x128xf32, #tpu.memory_space<hbm>> -> memref<232x128xf32, #tpu.memory_space<hbm>>
    %dma_start3A_910 = arith.constant 768 : i32
    %dma_start3A_911 = tpu.memref_slice %arg3[%dma_start3A_903, %dma_start3A_910, %mul3A_2] : memref<50x1000x4096xf32, #tpu.memory_space<hbm>> -> memref<1x232x128xf32, #tpu.memory_space<hbm>>
    %dma_start3A_912 = tpu.memref_squeeze %dma_start3A_911 : memref<1x232x128xf32, #tpu.memory_space<hbm>> -> memref<232x128xf32, #tpu.memory_space<hbm>>
    %dma_start3A_913 = arith.constant 0 : i32
    %dma_start3A_914 = arith.constant 0 : i32
    %dma_start3A_915 = tpu.memref_slice %arg6[%dma_start3A_913, %dma_start3A_914] : memref<256x128xf32, #tpu.memory_space<vmem>> -> memref<232x128xf32, #tpu.memory_space<vmem>>
    tpu.enqueue_dma source(%dma_start3A_915 : memref<232x128xf32, #tpu.memory_space<vmem>>) target(%dma_start3A_912 : memref<232x128xf32, #tpu.memory_space<hbm>>) target_semaphore(%arg8 : memref<!tpu.dma_semaphore, #tpu.memory_space<semaphore_mem>>)
    %dma_wait3A_916 = arith.constant 49 : i32
    %dma_wait3A_917 = arith.constant 0 : i32
    %dma_wait3A_918 = arith.constant 0 : i32
    %dma_wait3A_919 = tpu.memref_slice %arg5[%dma_wait3A_917, %dma_wait3A_918] : memref<256x128xf32, #tpu.memory_space<vmem>> -> memref<256x128xf32, #tpu.memory_space<vmem>>
    %dma_wait3A_920 = arith.constant 512 : i32
    %dma_wait3A_921 = tpu.memref_slice %arg3[%dma_wait3A_916, %dma_wait3A_920, %mul3A_2] : memref<50x1000x4096xf32, #tpu.memory_space<hbm>> -> memref<1x256x128xf32, #tpu.memory_space<hbm>>
    %dma_wait3A_922 = tpu.memref_squeeze %dma_wait3A_921 : memref<1x256x128xf32, #tpu.memory_space<hbm>> -> memref<256x128xf32, #tpu.memory_space<hbm>>
    %dma_wait3A_923 = arith.constant 512 : i32
    %dma_wait3A_924 = tpu.memref_slice %arg3[%dma_wait3A_916, %dma_wait3A_923, %mul3A_2] : memref<50x1000x4096xf32, #tpu.memory_space<hbm>> -> memref<1x256x128xf32, #tpu.memory_space<hbm>>
    %dma_wait3A_925 = tpu.memref_squeeze %dma_wait3A_924 : memref<1x256x128xf32, #tpu.memory_space<hbm>> -> memref<256x128xf32, #tpu.memory_space<hbm>>
    %dma_wait3A_926 = arith.constant 0 : i32
    %dma_wait3A_927 = arith.constant 0 : i32
    %dma_wait3A_928 = tpu.memref_slice %arg5[%dma_wait3A_926, %dma_wait3A_927] : memref<256x128xf32, #tpu.memory_space<vmem>> -> memref<256x128xf32, #tpu.memory_space<vmem>>
    tpu.wait_dma2 semaphore(%arg7 : memref<!tpu.dma_semaphore, #tpu.memory_space<semaphore_mem>>) src(%dma_wait3A_928 : memref<256x128xf32, #tpu.memory_space<vmem>>) dst(%dma_wait3A_925 : memref<256x128xf32, #tpu.memory_space<hbm>>)
    %dma_wait3A_929 = arith.constant 49 : i32
    %dma_wait3A_930 = arith.constant 0 : i32
    %dma_wait3A_931 = arith.constant 0 : i32
    %dma_wait3A_932 = tpu.memref_slice %arg6[%dma_wait3A_930, %dma_wait3A_931] : memref<256x128xf32, #tpu.memory_space<vmem>> -> memref<232x128xf32, #tpu.memory_space<vmem>>
    %dma_wait3A_933 = arith.constant 768 : i32
    %dma_wait3A_934 = tpu.memref_slice %arg3[%dma_wait3A_929, %dma_wait3A_933, %mul3A_2] : memref<50x1000x4096xf32, #tpu.memory_space<hbm>> -> memref<1x232x128xf32, #tpu.memory_space<hbm>>
    %dma_wait3A_935 = tpu.memref_squeeze %dma_wait3A_934 : memref<1x232x128xf32, #tpu.memory_space<hbm>> -> memref<232x128xf32, #tpu.memory_space<hbm>>
    %dma_wait3A_936 = arith.constant 768 : i32
    %dma_wait3A_937 = tpu.memref_slice %arg3[%dma_wait3A_929, %dma_wait3A_936, %mul3A_2] : memref<50x1000x4096xf32, #tpu.memory_space<hbm>> -> memref<1x232x128xf32, #tpu.memory_space<hbm>>
    %dma_wait3A_938 = tpu.memref_squeeze %dma_wait3A_937 : memref<1x232x128xf32, #tpu.memory_space<hbm>> -> memref<232x128xf32, #tpu.memory_space<hbm>>
    %dma_wait3A_939 = arith.constant 0 : i32
    %dma_wait3A_940 = arith.constant 0 : i32
    %dma_wait3A_941 = tpu.memref_slice %arg6[%dma_wait3A_939, %dma_wait3A_940] : memref<256x128xf32, #tpu.memory_space<vmem>> -> memref<232x128xf32, #tpu.memory_space<vmem>>
    tpu.wait_dma2 semaphore(%arg8 : memref<!tpu.dma_semaphore, #tpu.memory_space<semaphore_mem>>) src(%dma_wait3A_941 : memref<232x128xf32, #tpu.memory_space<vmem>>) dst(%dma_wait3A_938 : memref<232x128xf32, #tpu.memory_space<hbm>>)
    return
  }
}

</mosaic_0001>

<sc_bundles>
// kernel: _one_hot_sc.3.cloned.1.call-start
scs
__scs_entry_jumppad:
0x0: {  	(pc) =	sbr.rel $0x88, $3  }
0x1: {  	(tag) =	ssettag $0x0;
	lr =	simm.s32 $0x1  }
0x2: {  	[smem:$0x3FA0] =	sst lr;
	_ =	strace $0xD0000000  }
0x3: {  	_ = 	snop  }
0x4: {  	_ = 	snop  }
0x5: {  	_ = 	snop  }
0x6: {  	_ = 	snop  }
0x7: {  	_ = 	snop  }
__scs_overlays_trampoline_lowered:
0x8: {  	[smem:$0x3FAF] =	sst s0  }
0x9: {  	[smem:$0x3FB0] =	sst s1  }
0xa: {  	[smem:$0x3FB1] =	sst s2  }
0xb: {  	[smem:$0x3FB2] =	sst s3  }
0xc: {  	[smem:$0x3FB3] =	sst s4  }
0xd: {  	[smem:$0x3FB4] =	sst s5  }
0xe: {  	[smem:$0x3FB5] =	sst s6  }
0xf: {  	[smem:$0x3FB6] =	sst s7  }
0x10: {  	[smem:$0x3FB7] =	sst s8  }
0x11: {  	[smem:$0x3FB8] =	sst s9;
	s0 =	simm.s32 @!p0 $0x0  }
0x12: {  	s1 =	sld [smem:$0x3F9E];
	s0 =	simm.s32 @p0 $0x1  }
0x13: {  	[smem:$0x3FB9] =	sst s0;
	s0 =	simm.s32 @!p1 $0x0  }
0x14: {  	s2 =	sld [smem:$0x3F9D];
	s0 =	simm.s32 @p1 $0x1  }
0x15: {  	[smem:$0x3FBA] =	sst s0;
	s0 =	simm.s32 @!p2 $0x0  }
0x16: {  	s3 =	sld [smem:$0x3FDB];
	s0 =	simm.s32 @p2 $0x1  }
0x17: {  	s4 =	simm.s32 $0x1BF5;
	[smem:$0x3FBC] =	sst s0  }
0x18: {  	s0 =	sld [smem:$0x3F9F];
	_ =	swait.ge [sflag:s4], $0x0  }
0x19: {  	s7 =	sld [smem:$0x3FA0]  }
0x1a: {  	s8 =	sadd.s32 $0xFFFFE003, lr  }
0x1b: {  	s9 =	sadd.s32 $0xFFFFFEF7, lr;
	s5 =	simm.s32 $0xFFFFFFFF;
	p2 =	slt.u32 s8, $0xFFFFF086  }
0x1c: {  	p1 =	slt.u32 s9, $0xF7A;
	s5 =	simm.s32 @!p2 $0x0  }
0x1d: {  	s5 =	simm.s32 @p1 $0x1;
	p0 =	seq.s32 s7, s2  }
0x1e: {  	s7 =	smul.u32 @!p0 $0xF7A, s2;
	p2 =	seq.s32 @!p0 s5, $0x0  }
0x1f: {  	s9 =	smul.u32 $0xF7A, s1;
	s8 =	simm.s32 @!p0 $0x1BF5;
	p2 =	por !p2, p0  }
0x20: {  	[sflag:s8] =	ssyncset.s32 @!p0 $0xFFFFF086;
	s6 =	sadd.s32 @!p0 s3, s7;
	s7 =	simm.s32 @!p0 $0x108  }
0x21: {  	s3 =	sadd.s32 s3, s9;
	s6 =	sadd.s32 @!p0 $0x88, s6;
	s7 =	simm.s32 @p2 $0x1082  }
0x22: {  	[simem:s7], [sflag:s8] =	dma.local @!p0 [hbm:s6], $0xF7A  }
0x23: {  	s9 =	sor.u32 $0xD0000000, s2;
	s6 =	simm.s32 $0x108;
	_ =	swait.ge @!p0 [sflag:s8], $0x0  }
0x24: {  	s3 =	sadd.s32 $0x88, s3;
	s6 =	simm.s32 @!p1 $0x1082;
	[sflag:s4] =	ssyncset.s32 $0xFFFFF086  }
0x25: {  	[simem:s6], [sflag:s4] =	dma.local [hbm:s3], $0xF7A  }
0x26: {  	[smem:$0x3FA0] =	sst s1;
	(tag) =	ssettag s2;
	_ =	strace s9  }
0x27: {  	s1 =	sld [smem:$0x3FB0]  }
0x28: {  	s2 =	sld [smem:$0x3FB1]  }
0x29: {  	s4 =	sld [smem:$0x3FB3]  }
0x2a: {  	p0 =	seq.s32 s5, $0x0;
	s5 =	sld [smem:$0x3FB4]  }
0x2b: {  	s6 =	sld [smem:$0x3FB5]  }
0x2c: {  	s7 =	sld [smem:$0x3FB6]  }
0x2d: {  	s3 =	simm.s32 $0x108;
	s8 =	sld [smem:$0x3FB7]  }
0x2e: {  	s3 =	simm.s32 @!p0 $0x1082;
	s9 =	sld [smem:$0x3FB8]  }
0x2f: {  	lr =	sadd.s32 s0, s3;
	s0 =	sld [smem:$0x3FAF]  }
0x30: {  	s3 =	sld [smem:$0x3FB2]  }
0x31: {  	[smem:$0x3FBB] =	sst s10  }
0x32: {  	s10 =	sld [smem:$0x3FB9];
	_ =	sdelay $0x3  }
0x33: {  	p0 =	seq.s32 s10, $0x1;
	s10 =	sld [smem:$0x3FBB];
	_ =	sdelay $0x3  }
0x34: {  	[smem:$0x3FBB] =	sst s10  }
0x35: {  	s10 =	sld [smem:$0x3FBA];
	_ =	sdelay $0x3  }
0x36: {  	p1 =	seq.s32 s10, $0x1;
	s10 =	sld [smem:$0x3FBB];
	_ =	sdelay $0x3  }
0x37: {  	[smem:$0x3FBB] =	sst s10  }
0x38: {  	s10 =	sld [smem:$0x3FBC]  }
0x39: {  	_ = 	snop;
	(pc) =	sbr.ind lr, $3  }
0x3a: {  	_ = 	snop  }
0x3b: {  	_ = 	snop  }
0x3c: {  	p2 =	seq.s32 s10, $0x1;
	s10 =	sld [smem:$0x3FBB]  }
0x3d: {  	_ =	shalt  }
0x3e: {  	_ =	shalt  }
0x3f: {  	_ =	shalt  }
0x40: {  	_ =	shalt  }
0x41: {  	_ =	shalt  }
0x42: {  	_ =	shalt  }
0x43: {  	_ =	shalt  }
0x44: {  	_ =	shalt  }
0x45: {  	_ =	shalt  }
0x46: {  	_ =	shalt  }
0x47: {  	_ =	shalt  }
0x48: {  	_ =	shalt  }
0x49: {  	_ =	shalt  }
0x4a: {  	_ =	shalt  }
0x4b: {  	_ =	shalt  }
0x4c: {  	_ =	shalt  }
0x4d: {  	_ =	shalt  }
0x4e: {  	_ =	shalt  }
0x4f: {  	_ =	shalt  }
0x50: {  	_ =	shalt  }
0x51: {  	_ =	shalt  }
0x52: {  	_ =	shalt  }
0x53: {  	_ =	shalt  }
0x54: {  	_ =	shalt  }
0x55: {  	_ =	shalt  }
0x56: {  	_ =	shalt  }
0x57: {  	_ =	shalt  }
0x58: {  	_ =	shalt  }
0x59: {  	_ =	shalt  }
0x5a: {  	_ =	shalt  }
0x5b: {  	_ =	shalt  }
0x5c: {  	_ =	shalt  }
0x5d: {  	_ =	shalt  }
0x5e: {  	_ =	shalt  }
0x5f: {  	_ =	shalt  }
0x60: {  	_ =	shalt  }
0x61: {  	_ =	shalt  }
0x62: {  	_ =	shalt  }
0x63: {  	_ =	shalt  }
0x64: {  	_ =	shalt  }
0x65: {  	_ =	shalt  }
0x66: {  	_ =	shalt  }
0x67: {  	_ =	shalt  }
0x68: {  	_ =	shalt  }
0x69: {  	_ =	shalt  }
0x6a: {  	_ =	shalt  }
0x6b: {  	_ =	shalt  }
0x6c: {  	_ =	shalt  }
0x6d: {  	_ =	shalt  }
0x6e: {  	_ =	shalt  }
0x6f: {  	_ =	shalt  }
0x70: {  	_ =	shalt  }
0x71: {  	_ =	shalt  }
0x72: {  	_ =	shalt  }
0x73: {  	_ =	shalt  }
0x74: {  	_ =	shalt  }
0x75: {  	_ =	shalt  }
0x76: {  	_ =	shalt  }
0x77: {  	_ =	shalt  }
0x78: {  	_ =	shalt  }
0x79: {  	_ =	shalt  }
0x7a: {  	_ =	shalt  }
0x7b: {  	_ =	shalt  }
0x7c: {  	_ =	shalt  }
0x7d: {  	_ =	shalt  }
0x7e: {  	_ =	shalt  }
0x7f: {  	_ =	shalt  }
0x80: {  	_ =	shalt  }
0x81: {  	_ =	shalt  }
0x82: {  	_ =	shalt  }
0x83: {  	_ =	shalt  }
0x84: {  	_ =	shalt  }
0x85: {  	_ =	shalt  }
0x86: {  	_ =	shalt  }
0x87: {  	_ =	shalt  }
.Lfunc_end0:
.L_simem_size_0:
called_computation_lowered:
.L_overlay_start_0:
0x88: {  	s2 =	sld [smem:$0x3FD9]  }
0x89: {  	s3 =	sld [smem:$0x3FFE];
	_ =	sdelay $0x1  }
0x8a: {  	s1 =	srdreg.scid  }
0x8b: {  	s0 =	sand.u32 $0x1, s1  }
0x8c: {  	s18 =	sshll.u32 s0, $0xA;
	s2 =	sadd.s32 s3, s2  }
0x8d: {  	s2 =	sadd.s32 s2, s18  }
0x8e: {  	[smem:$0x3FC7] =	sst s2  }
0x8f: {  	_ = 	snop  }
0x90: {  	s2 =	sld [smem:$0x3FC9]  }
0x91: {  	s19 =	sld [smem:$0x3FD0];
	(tm) =	ssettm $0x1  }
0x92: {  	s4 =	sld [smem:$0x3FFB];
	_ =	sdelay $0x3  }
0x93: {  	_ =	strace s4  }
0x94: {  	s4 =	sld [smem:$0x3FFC];
	_ =	sdelay $0x3  }
0x95: {  	_ =	strace s4  }
0x96: {  	s4 =	sld [smem:$0x3FFD];
	_ =	sdelay $0x3  }
0x97: {  	_ =	strace s4  }
0x98: {  	_ =	strace $0x8FFFFFFF  }
0x99: {  	s20 =	sld [smem:$0x3FDB];
	_ =	sdelay $0x1  }
0x9a: {  	s5 =	simm.s32 $_scs_section_size  }
0x9b: {  	s6 =	simm.s32 $_size__tile_overlayer_lowered;
	s7 =	simm.s32 $_tile_overlayer_lowered  }
0x9c: {  	s23 =	simm.s32 $0x1BFF;
	s22 =	sshll.u32 s7, $0x1;
	s4 =	sadd.s32 s5, s20  }
0x9d: {  	s8 =	simm.s32 $0x0;
	s21 =	sshll.u32 s6, $0x1;
	s6 =	sadd.s32 s22, s4  }
0x9e: {  	[timem:s8], [sflag:s23] =	dma.local [hbm:s6], s21  }
0x9f: {  	_ =	swait.ge [sflag:s23], s21  }
0xa0: {  	s5 =	ssub.s32 $0x0, s21;
	[sflag:s23] =	ssyncset.done $0x0  }
0xa1: {  	[sflag:s23] =	ssyncadd.s32 s5;
	_ =	sdelay $0x1  }
0xa2: {  	s24 =	simm.s32 $0x1B8B  }
0xa3: {  	_ =	swait.ge [sflag:s24], $0x1  }
0xa4: {  	[sflag:s24] =	ssyncset.done $0x0  }
0xa5: {  	s25 =	simm.s32 $0x1B8E;
	[sflag:s24] =	ssyncadd.s32 $0xFFFFFFFF  }
0xa6: {  	s26 =	simm.s32 $execute0_lowered;
	[smem:$0x3FD2] =	sst s25  }
0xa7: {  	s5 =	sshll.u32 s26, $0x1;
	_ =	strace $0x80000046;
	[dreg:$0x1] =	wrdreg $0xFFFFFFFF  }
0xa8: {  	s28 =	simm.s32 $_size_execute0_lowered;
	s4 =	sadd.s32 s4, s5;
	[dreg:$0x0] =	wrdreg $0x0  }
0xa9: {  	s5 =	sshll.u32 s28, $0x1;
	[dreg:$0x2] =	wrdreg s4  }
0xaa: {  	[dreg:$0x3] =	wrdreg s5  }
0xab: {  	[dreg:$0x4] =	wrdreg $0xC0  }
0xac: {  	_ =	task [dreg:s8], $0x5FFFF  }
0xad: {  	[dreg:$0x1] =	wrdreg $0xFFFFFFFF  }
0xae: {  	[dreg:$0x0] =	wrdreg $0x60  }
0xaf: {  	[dreg:$0x2] =	wrdreg s2  }
0xb0: {  	[dreg:$0x3] =	wrdreg s19  }
0xb1: {  	[dreg:$0x4] =	wrdreg $0x9  }
0xb2: {  	_ =	task.clear_ibuf [dreg:s8], $0x5FFFF;
	_ =	strace $0x90000046  }
0xb3: {  	s29 =	simm.s32 $0x9;
	_ =	strace $0x80000048  }
0xb4: {  	_ =	swait.ge [sflag:s29], $0x1  }
0xb5: {  	[sflag:s29] =	ssyncadd.s32 $0xFFFFFFFF  }
0xb6: {  	_ =	strace $0x90000048  }
0xb7: {  	_ =	sfence  }
0xb8: {  	s30 =	sld [smem:$0x0];
	_ =	sdelay $0x2  }
0xb9: {  	s31 =	sshll.u32 s1, $0xD;
	s1 =	sshrl.u32 s1, $0x2  }
0xba: {  	s3 =	sand.u32 $0x4000, s31;
	s1 =	sadd.s32 s1, s30  }
0xbb: {  	s0 =	sor.u32 s3, s0;
	s1 =	sshll.u32 s1, $0x11  }
0xbc: {  	s0 =	sor.u32 s1, s0  }
0xbd: {  	s0 =	sadd.s32 $0x8F2B, s0  }
0xbe: {  	[sflag:s0] =	ssyncadd.remote.s32 $0x1  }
0xbf: {  	_ =	sfence.sel $0xFFFF  }
0xc0: {  	[dreg:$0x0] =	wrdreg $0xFFFFFFFF;
	(pc) =	sbr.abs _section_cstart, $3  }
0xc1: {  	[dreg:$0x1] =	wrdreg $0xFFFFFFFF  }
0xc2: {  	_ =	task.clear_ibuf [dreg:s8], $0x2FFFF;
	_ =	strace $0x9FFFFFFF  }
0xc3: {  	(tm) =	ssettm $0x7FFFFFFF  }
tec
execute0_lowered:
.L_overlay_start_1:
0x0: {  	(tag) =	ssettag $0x1  }
0x1: {  	s4 =	rddreg [dreg:$0x0]  }
0x2: {  	s2 =	rddreg [dreg:$0x1];
	s3 =	srdreg.scid  }
0x3: {  	s0 =	rddreg [dreg:$0x2];
	s1 =	stileid.u32;
	s15 =	simm.s32 $0x400  }
0x4: {  	v0 =	vlaneseq.u32;
	s16 =	simm.s32 $0x8000;
	s17 =	simm.s32 $0x1800;
	s18 =	simm.s32 $0x3  }
0x5: {  	v1 =	vimm.f32 $0.0e+00;
	v9 =	vimm.f32 $1.000000000e+00;
	s19 =	simm.s32 $0x1C00;
	s20 =	simm.s32 $0x9C00;
	s21 =	simm.s32 $0x1;
	v2 =	vor.u32 $0x10, v0  }
0x6: {  	s22 =	simm.s32 $0x2;
	s23 =	simm.s32 $0x0;
	s5 =	sand.u32 $0x1, s3;
	v3 =	vor.u32 $0x20, v0;
	v4 =	vor.u32 $0x30, v0;
	v5 =	vor.u32 $0x40, v0  }
0x7: {  	s3 =	simm.s32 $0x0;
	s6 =	sshll.u32 s1, $0xB;
	v6 =	vor.u32 $0x50, v0;
	v7 =	vor.u32 $0x60, v0;
	v8 =	vor.u32 $0x70, v0;
	s7 =	sshll.u32 s5, $0xA  }
0x8: {  	v10 =	vor.u32 $0xFFFF8000, v0;
	v11 =	vor.u32 $0xFFFF8010, v0;
	v12 =	vor.u32 $0xFFFF8020, v0;
	[smem:$0x7FF] =	sst s3;
	s5 =	ssub.s32 $0x2, s5;
	s12 =	sor.u32 s7, s6  }
0x9: {  	v13 =	vor.u32 $0xFFFF8030, v0;
	v14 =	vor.u32 $0xFFFF8040, v0;
	v15 =	vor.u32 $0xFFFF8050, v0;
	_ =	strace $0x80000047;
	s31 =	sshrl.u32 s5, $0x1;
	s7 =	sshrl.u32 s12, $0x3  }
0xa: {  	v16 =	vor.u32 $0xFFFF8060, v0;
	v17 =	vor.u32 $0xFFFF8070, v0;
	v18 =	vor.u32 $0xFFFF0000, v0;
	s10 =	ssub.s32 s5, s31;
	s11 =	sor.u32 $0x4E8000, s12;
	s13 =	sor.u32 $0x300000, s12  }
0xb: {  	v19 =	vor.u32 $0xFFFF0010, v0;
	v20 =	vor.u32 $0xFFFF0020, v0;
	v21 =	vor.u32 $0xFFFF0030, v0;
	s14 =	sor.u32 $0x200000, s12;
	s12 =	sor.u32 $0x3E8000, s12;
	s4 =	sadd.s32 s4, s7  }
0xc: {  	v22 =	vor.u32 $0xFFFF0040, v0;
	v23 =	vor.u32 $0xFFFF0050, v0;
	v24 =	vor.u32 $0xFFFF0060, v0;
	s5 =	sadd.s32 s2, s7;
	s10 =	smax.u32 s10, $0x1;
	s11 =	sshrl.u32 s11, $0x3  }
0xd: {  	v25 =	vor.u32 $0xFFFF0070, v0;
	v26 =	vor.u32 $0xFFFE8000, v0;
	v27 =	vor.u32 $0xFFFE8010, v0;
	s13 =	sshrl.u32 s13, $0x3;
	s14 =	sshrl.u32 s14, $0x3;
	s6 =	sadd.s32 $0x6000, s4  }
0xe: {  	v28 =	vor.u32 $0xFFFE8020, v0;
	v29 =	vor.u32 $0xFFFE8030, v0;
	v30 =	vor.u32 $0xFFFE8040, v0;
	s7 =	sadd.s32 $0x20000, s5;
	s8 =	sadd.s32 $0x182D000, s5;
	s9 =	sadd.s32 $0x184D000, s5  }
0xf: {  	v31 =	vor.u32 $0xFFFE8050, v0;
	v32 =	vor.u32 $0xFFFE8060, v0;
	v33 =	vor.u32 $0xFFFE8070, v0;
	s11 =	sadd.s32 s11, s2;
	s13 =	sadd.s32 s13, s2;
	s14 =	sadd.s32 s14, s2  }
.LBB2_1:
0x10: {  	[tilespmem:s3], [sflag:$0x3] =	stream.strided.gather [hbm4b:s4+s15], $0x1800, s16, s15, $0x38;
	[tilespmem:$0x11C00] =	vst v63  }
0x11: {  	_ = 	snop  }
0x12: {  	[tilespmem:s17], [sflag:$0x3] =	stream.linear.gather [hbm4b:s6+s3], $0x100, $0x38;
	[tilespmem:$0x11C00] =	vst v63  }
0x13: {  	_ =	swait.ge [sflag:s18], $0x1900  }
0x14: {  	[sflag:s18] =	ssyncset.done $0x0  }
0x15: {  	s24 =	simm.s32 $0x40;
	s25 =	simm.s32 $0x0;
	[sflag:s18] =	ssyncadd.s32 $0xFFFFE700  }
.LBB2_2:
0x16: {  	p0 =	sne.s32 s24, $0x1FFC0;
	[tilespmem:s25+$0x1C00] =	vst v1;
	s26 =	smov.u32 s24;
	s24 =	sadd.s32 $0x40, s24  }
.Ltmp0:
0x17: {  	[tilespmem:s25+$0x9C00] =	vst v1;
	(pc) =	sbr.rel @p0 .LBB2_2-.Ltmp0, $2  }
0x18: {  	_ =	sdelay $0x2  }
0x19: {  	s25 =	sshra.s32 s26, $0x2  }
0x1a: {  	_ =	sdelay $0x1  }
0x1b: {  	[tilespmem:s25+$0x1C00] =	vst v1  }
0x1c: {  	[tilespmem:s25+$0x9C00] =	vst v1  }
0x1d: {  	v34 =	vld.idx.msk [tilespmem:v0+s3+$0x0], $0xffff  }
0x1e: {  	v35 =	vld.idx.msk [tilespmem:v2+s3+$0x0], $0xffff  }
0x1f: {  	v36 =	vld.idx.msk [tilespmem:v3+s3+$0x0], $0xffff  }
0x20: {  	v37 =	vld.idx.msk [tilespmem:v4+s3+$0x0], $0xffff  }
0x21: {  	v38 =	vld.idx.msk [tilespmem:v5+s3+$0x0], $0xffff  }
0x22: {  	v39 =	vld.idx.msk [tilespmem:v6+s3+$0x0], $0xffff;
	vm0 =	vlt.u32 v34, $0x100;
	v34 =	vshll.u32 v34, $0x7  }
0x23: {  	v40 =	vld.idx.msk [tilespmem:v7+s3+$0x0], $0xffff;
	vm1 =	vlt.u32 v35, $0x100;
	v35 =	vshll.u32 v35, $0x7;
	v34 =	vor.u32 v0, v34  }
0x24: {  	v41 =	vld.idx.msk [tilespmem:v8+s3+$0x0], $0xffff;
	vm2 =	vlt.u32 v36, $0x100;
	v36 =	vshll.u32 v36, $0x7;
	v35 =	vor.u32 v2, v35  }
0x25: {  	vm3 =	vlt.u32 v37, $0x100;
	v37 =	vshll.u32 v37, $0x7;
	v36 =	vor.u32 v3, v36  }
0x26: {  	vm4 =	vlt.u32 v38, $0x100;
	v38 =	vshll.u32 v38, $0x7;
	v37 =	vor.u32 v4, v37  }
0x27: {  	vm5 =	vlt.u32 v39, $0x100;
	v39 =	vshll.u32 v39, $0x7;
	v38 =	vor.u32 v5, v38  }
0x28: {  	vm6 =	vlt.u32 v40, $0x100;
	v48 =	vshll.u32 v40, $0x7;
	v47 =	vor.u32 v6, v39;
	[tilespmem:v34+s19+$0x0] =	vst.idx.msk vm0, v9  }
0x29: {  	vm7 =	vlt.u32 v41, $0x100;
	v50 =	vshll.u32 v41, $0x7;
	v49 =	vor.u32 v7, v48;
	[tilespmem:v35+s19+$0x0] =	vst.idx.msk vm1, v9  }
0x2a: {  	v51 =	vor.u32 v8, v50;
	[tilespmem:v36+s19+$0x0] =	vst.idx.msk vm2, v9  }
0x2b: {  	[tilespmem:v37+s19+$0x0] =	vst.idx.msk vm3, v9  }
0x2c: {  	[tilespmem:v38+s19+$0x0] =	vst.idx.msk vm4, v9  }
0x2d: {  	[tilespmem:v47+s19+$0x0] =	vst.idx.msk vm5, v9  }
0x2e: {  	[tilespmem:v49+s19+$0x0] =	vst.idx.msk vm6, v9  }
0x2f: {  	[tilespmem:v51+s19+$0x0] =	vst.idx.msk vm7, v9  }
0x30: {  	[hbm4b:s5+s15] =	stream.strided.scatter [tilespmem:s19], [sflag:$0x1], $0x8000, s16, s15, $0x38;
	[tilespmem:$0x11C00] =	vst v63  }
0x31: {  	v34 =	vld.idx.msk [tilespmem:v0+s3+$0x0], $0xffff  }
0x32: {  	v35 =	vld.idx.msk [tilespmem:v2+s3+$0x0], $0xffff  }
0x33: {  	v36 =	vld.idx.msk [tilespmem:v3+s3+$0x0], $0xffff  }
0x34: {  	v37 =	vld.idx.msk [tilespmem:v4+s3+$0x0], $0xffff  }
0x35: {  	v38 =	vld.idx.msk [tilespmem:v5+s3+$0x0], $0xffff;
	_ =	sdelay $0x1  }
0x36: {  	v54 =	vld.idx.msk [tilespmem:v6+s3+$0x0], $0xffff;
	v52 =	vand.u32 $0xFFFFFF00, v34  }
0x37: {  	v34 =	vshll.u32 v34, $0x7;
	v53 =	vand.u32 $0xFFFFFF00, v35;
	v35 =	vshll.u32 v35, $0x7  }
0x38: {  	v55 =	vld.idx.msk [tilespmem:v7+s3+$0x0], $0xffff;
	v56 =	vand.u32 $0xFFFFFF00, v36;
	v36 =	vshll.u32 v36, $0x7;
	v57 =	vand.u32 $0xFFFFFF00, v37  }
0x39: {  	v37 =	vshll.u32 v37, $0x7;
	v58 =	vand.u32 $0xFFFFFF00, v38;
	vm8 =	veq.s32 v52, $0x100  }
0x3a: {  	v42 =	vld.idx.msk [tilespmem:v8+s3+$0x0], $0xffff;
	v38 =	vshll.u32 v38, $0x7;
	v34 =	vadd.s32 v10, v34;
	vm9 =	veq.s32 v53, $0x100  }
0x3b: {  	v59 =	vand.u32 $0xFFFFFF00, v54;
	v35 =	vadd.s32 v11, v35;
	vm10 =	veq.s32 v56, $0x100  }
0x3c: {  	v40 =	vshll.u32 v54, $0x7;
	v36 =	vadd.s32 v12, v36;
	vm11 =	veq.s32 v57, $0x100  }
0x3d: {  	v60 =	vand.u32 $0xFFFFFF00, v55;
	v37 =	vadd.s32 v13, v37;
	vm12 =	veq.s32 v58, $0x100  }
0x3e: {  	v61 =	vshll.u32 v55, $0x7;
	v38 =	vadd.s32 v14, v38;
	vm13 =	veq.s32 v59, $0x100  }
0x3f: {  	v62 =	vand.u32 $0xFFFFFF00, v42;
	v40 =	vadd.s32 v15, v40;
	vm14 =	veq.s32 v60, $0x100;
	[tilespmem:v34+s20+$0x0] =	vst.idx.msk vm8, v9  }
0x40: {  	v63 =	vshll.u32 v42, $0x7;
	vm15 =	veq.s32 v62, $0x100;
	v34 =	vadd.s32 v16, v61;
	[tilespmem:v35+s20+$0x0] =	vst.idx.msk vm9, v9  }
0x41: {  	v35 =	vadd.s32 v17, v63;
	[tilespmem:v36+s20+$0x0] =	vst.idx.msk vm10, v9  }
0x42: {  	[tilespmem:v37+s20+$0x0] =	vst.idx.msk vm11, v9  }
0x43: {  	[tilespmem:v38+s20+$0x0] =	vst.idx.msk vm12, v9  }
0x44: {  	[tilespmem:v40+s20+$0x0] =	vst.idx.msk vm13, v9  }
0x45: {  	s24 =	simm.s32 $0x1;
	s25 =	smov.u32 s14;
	[tilespmem:v34+s20+$0x0] =	vst.idx.msk vm14, v9  }
0x46: {  	s26 =	smov.u32 s13;
	s28 =	smov.u32 s12;
	s29 =	smov.u32 s11;
	[tilespmem:v35+s20+$0x0] =	vst.idx.msk vm15, v9  }
0x47: {  	[hbm4b:s7+s15] =	stream.strided.scatter [tilespmem:s20], [sflag:$0x2], $0x8000, s16, s15, $0x38;
	[tilespmem:$0x11C00] =	vst v63  }
.LBB2_4:
0x48: {  	s30 =	sshll.u32 s24, $0x7  }
0x49: {  	s31 =	sadd.s32 $0xFFFFFF80, s30  }
0x4a: {  	v36 =	vor.u32 s31, v0  }
0x4b: {  	v37 =	vor.u32 s31, v2  }
0x4c: {  	_ =	swait.ge [sflag:s21], $0x8000;
	v39 =	vor.u32 s31, v3  }
0x4d: {  	[sflag:s21] =	ssyncset.done $0x0;
	v40 =	vor.u32 s31, v4  }
0x4e: {  	[sflag:s21] =	ssyncadd.s32 $0xFFFF8000;
	v41 =	vor.u32 s31, v5  }
0x4f: {  	v38 =	vor.u32 s31, v6;
	v42 =	vld.idx.msk [tilespmem:v36+s3+$0x0], $0xffff  }
0x50: {  	v35 =	vor.u32 s31, v7;
	v43 =	vld.idx.msk [tilespmem:v37+s3+$0x0], $0xffff  }
0x51: {  	v34 =	vor.u32 s31, v8;
	v44 =	vld.idx.msk [tilespmem:v39+s3+$0x0], $0xffff  }
0x52: {  	v45 =	vld.idx.msk [tilespmem:v40+s3+$0x0], $0xffff  }
0x53: {  	v46 =	vld.idx.msk [tilespmem:v41+s3+$0x0], $0xffff  }
0x54: {  	v47 =	vld.idx.msk [tilespmem:v38+s3+$0x0], $0xffff;
	vm0 =	vlt.u32 v42, $0x100;
	v42 =	vshll.u32 v42, $0x7  }
0x55: {  	v48 =	vld.idx.msk [tilespmem:v35+s3+$0x0], $0xffff;
	vm1 =	vlt.u32 v43, $0x100;
	v43 =	vshll.u32 v43, $0x7;
	v42 =	vor.u32 v0, v42  }
0x56: {  	v49 =	vld.idx.msk [tilespmem:v34+s3+$0x0], $0xffff;
	vm2 =	vlt.u32 v44, $0x100;
	v44 =	vshll.u32 v44, $0x7;
	v43 =	vor.u32 v2, v43  }
0x57: {  	vm3 =	vlt.u32 v45, $0x100;
	v45 =	vshll.u32 v45, $0x7;
	v44 =	vor.u32 v3, v44  }
0x58: {  	vm4 =	vlt.u32 v46, $0x100;
	v46 =	vshll.u32 v46, $0x7;
	v45 =	vor.u32 v4, v45  }
0x59: {  	vm5 =	vlt.u32 v47, $0x100;
	v47 =	vshll.u32 v47, $0x7;
	v46 =	vor.u32 v5, v46  }
0x5a: {  	vm8 =	vlt.u32 v48, $0x100;
	v58 =	vshll.u32 v48, $0x7;
	v57 =	vor.u32 v6, v47;
	[tilespmem:v42+s19+$0x0] =	vst.idx.msk vm0, v1  }
0x5b: {  	vm9 =	vlt.u32 v49, $0x100;
	v60 =	vshll.u32 v49, $0x7;
	v59 =	vor.u32 v7, v58;
	[tilespmem:v43+s19+$0x0] =	vst.idx.msk vm1, v1  }
0x5c: {  	v61 =	vor.u32 v8, v60;
	[tilespmem:v44+s19+$0x0] =	vst.idx.msk vm2, v1  }
0x5d: {  	[tilespmem:v45+s19+$0x0] =	vst.idx.msk vm3, v1  }
0x5e: {  	[tilespmem:v46+s19+$0x0] =	vst.idx.msk vm4, v1  }
0x5f: {  	[tilespmem:v57+s19+$0x0] =	vst.idx.msk vm5, v1  }
0x60: {  	[tilespmem:v59+s19+$0x0] =	vst.idx.msk vm8, v1  }
0x61: {  	[tilespmem:v61+s19+$0x0] =	vst.idx.msk vm9, v1  }
0x62: {  	v42 =	vld.idx.msk [tilespmem:v36+s3+$0x0], $0xffff  }
0x63: {  	v43 =	vld.idx.msk [tilespmem:v37+s3+$0x0], $0xffff  }
0x64: {  	v44 =	vld.idx.msk [tilespmem:v39+s3+$0x0], $0xffff  }
0x65: {  	v45 =	vld.idx.msk [tilespmem:v40+s3+$0x0], $0xffff  }
0x66: {  	v46 =	vld.idx.msk [tilespmem:v41+s3+$0x0], $0xffff;
	_ =	sdelay $0x1  }
0x67: {  	v52 =	vld.idx.msk [tilespmem:v38+s3+$0x0], $0xffff;
	v62 =	vand.u32 $0xFFFFFF00, v42  }
0x68: {  	v42 =	vshll.u32 v42, $0x7;
	v63 =	vand.u32 $0xFFFFFF00, v43;
	v43 =	vshll.u32 v43, $0x7  }
0x69: {  	v53 =	vld.idx.msk [tilespmem:v35+s3+$0x0], $0xffff;
	v54 =	vand.u32 $0xFFFFFF00, v44;
	v44 =	vshll.u32 v44, $0x7;
	v55 =	vand.u32 $0xFFFFFF00, v45  }
0x6a: {  	v45 =	vshll.u32 v45, $0x7;
	v56 =	vand.u32 $0xFFFFFF00, v46;
	vm10 =	veq.s32 v62, $0x200  }
0x6b: {  	v50 =	vld.idx.msk [tilespmem:v34+s3+$0x0], $0xffff;
	v46 =	vshll.u32 v46, $0x7;
	v42 =	vadd.s32 v18, v42;
	vm11 =	veq.s32 v63, $0x200  }
0x6c: {  	v57 =	vand.u32 $0xFFFFFF00, v52;
	v43 =	vadd.s32 v19, v43;
	vm12 =	veq.s32 v54, $0x200  }
0x6d: {  	v48 =	vshll.u32 v52, $0x7;
	v44 =	vadd.s32 v20, v44;
	vm13 =	veq.s32 v55, $0x200  }
0x6e: {  	v58 =	vand.u32 $0xFFFFFF00, v53;
	v45 =	vadd.s32 v21, v45;
	vm14 =	veq.s32 v56, $0x200  }
0x6f: {  	v59 =	vshll.u32 v53, $0x7;
	v46 =	vadd.s32 v22, v46;
	vm15 =	veq.s32 v57, $0x200  }
0x70: {  	v60 =	vand.u32 $0xFFFFFF00, v50;
	v48 =	vadd.s32 v23, v48;
	vm8 =	veq.s32 v58, $0x200;
	[tilespmem:v42+s19+$0x0] =	vst.idx.msk vm10, v9  }
0x71: {  	v61 =	vshll.u32 v50, $0x7;
	vm9 =	veq.s32 v60, $0x200;
	v42 =	vadd.s32 v24, v59;
	[tilespmem:v43+s19+$0x0] =	vst.idx.msk vm11, v9  }
0x72: {  	v43 =	vadd.s32 v25, v61;
	[tilespmem:v44+s19+$0x0] =	vst.idx.msk vm12, v9  }
0x73: {  	[tilespmem:v45+s19+$0x0] =	vst.idx.msk vm13, v9  }
0x74: {  	[tilespmem:v46+s19+$0x0] =	vst.idx.msk vm14, v9  }
0x75: {  	[tilespmem:v48+s19+$0x0] =	vst.idx.msk vm15, v9  }
0x76: {  	[tilespmem:v42+s19+$0x0] =	vst.idx.msk vm8, v9  }
0x77: {  	[tilespmem:v43+s19+$0x0] =	vst.idx.msk vm9, v9  }
0x78: {  	[hbm4b:s25+s15] =	stream.strided.scatter [tilespmem:s19], [sflag:$0x1], $0x8000, s16, s15, $0x38;
	[tilespmem:$0x11C00] =	vst v63  }
0x79: {  	_ =	swait.ge [sflag:s22], $0x8000  }
0x7a: {  	[sflag:s22] =	ssyncset.done $0x0  }
0x7b: {  	[sflag:s22] =	ssyncadd.s32 $0xFFFF8000  }
0x7c: {  	v62 =	vld.idx.msk [tilespmem:v36+s3+$0x0], $0xffff  }
0x7d: {  	v63 =	vld.idx.msk [tilespmem:v37+s3+$0x0], $0xffff  }
0x7e: {  	v52 =	vld.idx.msk [tilespmem:v39+s3+$0x0], $0xffff  }
0x7f: {  	v53 =	vld.idx.msk [tilespmem:v40+s3+$0x0], $0xffff  }
0x80: {  	v54 =	vld.idx.msk [tilespmem:v41+s3+$0x0], $0xffff;
	_ =	sdelay $0x1  }
0x81: {  	v57 =	vld.idx.msk [tilespmem:v38+s3+$0x0], $0xffff;
	v55 =	vand.u32 $0xFFFFFF00, v62  }
0x82: {  	v42 =	vshll.u32 v62, $0x7;
	v56 =	vand.u32 $0xFFFFFF00, v63;
	v43 =	vshll.u32 v63, $0x7  }
0x83: {  	v58 =	vld.idx.msk [tilespmem:v35+s3+$0x0], $0xffff;
	v59 =	vand.u32 $0xFFFFFF00, v52;
	v44 =	vshll.u32 v52, $0x7;
	v61 =	vand.u32 $0xFFFFFF00, v53  }
0x84: {  	v45 =	vshll.u32 v53, $0x7;
	v62 =	vand.u32 $0xFFFFFF00, v54;
	vm10 =	veq.s32 v55, $0x100  }
0x85: {  	v60 =	vld.idx.msk [tilespmem:v34+s3+$0x0], $0xffff;
	v46 =	vshll.u32 v54, $0x7;
	v42 =	vadd.s32 v10, v42;
	vm11 =	veq.s32 v56, $0x100  }
0x86: {  	v63 =	vand.u32 $0xFFFFFF00, v57;
	v43 =	vadd.s32 v11, v43;
	vm12 =	veq.s32 v59, $0x100  }
0x87: {  	v48 =	vshll.u32 v57, $0x7;
	v44 =	vadd.s32 v12, v44;
	vm13 =	veq.s32 v61, $0x100  }
0x88: {  	v52 =	vand.u32 $0xFFFFFF00, v58;
	v45 =	vadd.s32 v13, v45;
	vm14 =	veq.s32 v62, $0x100  }
0x89: {  	v53 =	vshll.u32 v58, $0x7;
	v46 =	vadd.s32 v14, v46;
	vm15 =	veq.s32 v63, $0x100  }
0x8a: {  	v54 =	vand.u32 $0xFFFFFF00, v60;
	v48 =	vadd.s32 v15, v48;
	vm8 =	veq.s32 v52, $0x100;
	[tilespmem:v42+s20+$0x0] =	vst.idx.msk vm10, v1  }
0x8b: {  	vm9 =	veq.s32 v54, $0x100;
	v55 =	vshll.u32 v60, $0x7;
	v42 =	vadd.s32 v16, v53;
	[tilespmem:v43+s20+$0x0] =	vst.idx.msk vm11, v1  }
0x8c: {  	v43 =	vadd.s32 v17, v55;
	[tilespmem:v44+s20+$0x0] =	vst.idx.msk vm12, v1  }
0x8d: {  	[tilespmem:v45+s20+$0x0] =	vst.idx.msk vm13, v1  }
0x8e: {  	[tilespmem:v46+s20+$0x0] =	vst.idx.msk vm14, v1  }
0x8f: {  	[tilespmem:v48+s20+$0x0] =	vst.idx.msk vm15, v1  }
0x90: {  	[tilespmem:v42+s20+$0x0] =	vst.idx.msk vm8, v1  }
0x91: {  	[tilespmem:v43+s20+$0x0] =	vst.idx.msk vm9, v1  }
0x92: {  	v42 =	vld.idx.msk [tilespmem:v36+s3+$0x0], $0xffff  }
0x93: {  	v43 =	vld.idx.msk [tilespmem:v37+s3+$0x0], $0xffff  }
0x94: {  	v44 =	vld.idx.msk [tilespmem:v39+s3+$0x0], $0xffff  }
0x95: {  	v45 =	vld.idx.msk [tilespmem:v40+s3+$0x0], $0xffff  }
0x96: {  	v46 =	vld.idx.msk [tilespmem:v41+s3+$0x0], $0xffff;
	_ =	sdelay $0x1  }
0x97: {  	v48 =	vld.idx.msk [tilespmem:v38+s3+$0x0], $0xffff;
	v56 =	vadd.s32 $0xFFFFFD00, v42  }
0x98: {  	v42 =	vshll.u32 v42, $0x7;
	v57 =	vadd.s32 $0xFFFFFD00, v43;
	v43 =	vshll.u32 v43, $0x7  }
0x99: {  	v58 =	vld.idx.msk [tilespmem:v35+s3+$0x0], $0xffff;
	v59 =	vadd.s32 $0xFFFFFD00, v44;
	v44 =	vshll.u32 v44, $0x7;
	v61 =	vadd.s32 $0xFFFFFD00, v45  }
0x9a: {  	v45 =	vshll.u32 v45, $0x7;
	v62 =	vadd.s32 $0xFFFFFD00, v46;
	vm10 =	vlt.u32 v56, $0xE8  }
0x9b: {  	v60 =	vld.idx.msk [tilespmem:v34+s3+$0x0], $0xffff;
	v46 =	vshll.u32 v46, $0x7;
	v42 =	vadd.s32 v26, v42;
	vm11 =	vlt.u32 v57, $0xE8  }
0x9c: {  	v63 =	vadd.s32 $0xFFFFFD00, v48;
	v43 =	vadd.s32 v27, v43;
	vm12 =	vlt.u32 v59, $0xE8  }
0x9d: {  	v48 =	vshll.u32 v48, $0x7;
	v44 =	vadd.s32 v28, v44;
	vm13 =	vlt.u32 v61, $0xE8  }
0x9e: {  	v52 =	vadd.s32 $0xFFFFFD00, v58;
	v45 =	vadd.s32 v29, v45;
	vm14 =	vlt.u32 v62, $0xE8  }
0x9f: {  	v53 =	vshll.u32 v58, $0x7;
	v46 =	vadd.s32 v30, v46;
	vm15 =	vlt.u32 v63, $0xE8  }
0xa0: {  	v54 =	vadd.s32 $0xFFFFFD00, v60;
	v48 =	vadd.s32 v31, v48;
	vm8 =	vlt.u32 v52, $0xE8;
	[tilespmem:v42+s20+$0x0] =	vst.idx.msk vm10, v9  }
0xa1: {  	v55 =	vshll.u32 v60, $0x7;
	vm9 =	vlt.u32 v54, $0xE8;
	v42 =	vadd.s32 v32, v53;
	[tilespmem:v43+s20+$0x0] =	vst.idx.msk vm11, v9  }
0xa2: {  	v43 =	vadd.s32 v33, v55;
	[tilespmem:v44+s20+$0x0] =	vst.idx.msk vm12, v9  }
0xa3: {  	[tilespmem:v45+s20+$0x0] =	vst.idx.msk vm13, v9  }
0xa4: {  	[tilespmem:v46+s20+$0x0] =	vst.idx.msk vm14, v9  }
0xa5: {  	[tilespmem:v48+s20+$0x0] =	vst.idx.msk vm15, v9  }
0xa6: {  	[tilespmem:v42+s20+$0x0] =	vst.idx.msk vm8, v9  }
0xa7: {  	[tilespmem:v43+s20+$0x0] =	vst.idx.msk vm9, v9  }
0xa8: {  	[hbm4b:s26+s15] =	stream.strided.scatter [tilespmem:s20], [sflag:$0x2], $0x7400, s16, s15, $0x38;
	[tilespmem:$0x11C00] =	vst v63  }
0xa9: {  	_ =	swait.ge [sflag:s21], $0x8000  }
0xaa: {  	[sflag:s21] =	ssyncset.done $0x0  }
0xab: {  	[sflag:s21] =	ssyncadd.s32 $0xFFFF8000  }
0xac: {  	v56 =	vld.idx.msk [tilespmem:v36+s3+$0x0], $0xffff  }
0xad: {  	v57 =	vld.idx.msk [tilespmem:v37+s3+$0x0], $0xffff  }
0xae: {  	v58 =	vld.idx.msk [tilespmem:v39+s3+$0x0], $0xffff  }
0xaf: {  	v59 =	vld.idx.msk [tilespmem:v40+s3+$0x0], $0xffff  }
0xb0: {  	v60 =	vld.idx.msk [tilespmem:v41+s3+$0x0], $0xffff;
	_ =	sdelay $0x1  }
0xb1: {  	v63 =	vld.idx.msk [tilespmem:v38+s3+$0x0], $0xffff;
	v61 =	vand.u32 $0xFFFFFF00, v56  }
0xb2: {  	v42 =	vshll.u32 v56, $0x7;
	v62 =	vand.u32 $0xFFFFFF00, v57;
	v43 =	vshll.u32 v57, $0x7  }
0xb3: {  	v52 =	vld.idx.msk [tilespmem:v35+s3+$0x0], $0xffff;
	v53 =	vand.u32 $0xFFFFFF00, v58;
	v44 =	vshll.u32 v58, $0x7;
	v55 =	vand.u32 $0xFFFFFF00, v59  }
0xb4: {  	v45 =	vshll.u32 v59, $0x7;
	v56 =	vand.u32 $0xFFFFFF00, v60;
	vm10 =	veq.s32 v61, $0x200  }
0xb5: {  	v54 =	vld.idx.msk [tilespmem:v34+s3+$0x0], $0xffff;
	v46 =	vshll.u32 v60, $0x7;
	v42 =	vadd.s32 v18, v42;
	vm11 =	veq.s32 v62, $0x200  }
0xb6: {  	v57 =	vand.u32 $0xFFFFFF00, v63;
	v43 =	vadd.s32 v19, v43;
	vm12 =	veq.s32 v53, $0x200  }
0xb7: {  	v48 =	vshll.u32 v63, $0x7;
	v44 =	vadd.s32 v20, v44;
	vm13 =	veq.s32 v55, $0x200  }
0xb8: {  	v58 =	vand.u32 $0xFFFFFF00, v52;
	v45 =	vadd.s32 v21, v45;
	vm14 =	veq.s32 v56, $0x200  }
0xb9: {  	v59 =	vshll.u32 v52, $0x7;
	v46 =	vadd.s32 v22, v46;
	vm15 =	veq.s32 v57, $0x200  }
0xba: {  	v60 =	vand.u32 $0xFFFFFF00, v54;
	v48 =	vadd.s32 v23, v48;
	vm8 =	veq.s32 v58, $0x200;
	[tilespmem:v42+s19+$0x0] =	vst.idx.msk vm10, v1  }
0xbb: {  	vm9 =	veq.s32 v60, $0x200;
	v61 =	vshll.u32 v54, $0x7;
	v42 =	vadd.s32 v24, v59;
	[tilespmem:v43+s19+$0x0] =	vst.idx.msk vm11, v1  }
0xbc: {  	v43 =	vadd.s32 v25, v61;
	[tilespmem:v44+s19+$0x0] =	vst.idx.msk vm12, v1  }
0xbd: {  	v44 =	vor.u32 s30, v0;
	[tilespmem:v45+s19+$0x0] =	vst.idx.msk vm13, v1  }
0xbe: {  	v45 =	vor.u32 s30, v2;
	[tilespmem:v46+s19+$0x0] =	vst.idx.msk vm14, v1  }
0xbf: {  	v46 =	vor.u32 s30, v3;
	[tilespmem:v48+s19+$0x0] =	vst.idx.msk vm15, v1  }
0xc0: {  	[tilespmem:v42+s19+$0x0] =	vst.idx.msk vm8, v1;
	v42 =	vor.u32 s30, v4  }
0xc1: {  	[tilespmem:v43+s19+$0x0] =	vst.idx.msk vm9, v1;
	v43 =	vor.u32 s30, v5  }
0xc2: {  	v48 =	vor.u32 s30, v6;
	v62 =	vld.idx.msk [tilespmem:v44+s3+$0x0], $0xffff  }
0xc3: {  	v50 =	vor.u32 s30, v7;
	v63 =	vld.idx.msk [tilespmem:v45+s3+$0x0], $0xffff  }
0xc4: {  	v52 =	vor.u32 s30, v8;
	v51 =	vld.idx.msk [tilespmem:v46+s3+$0x0], $0xffff  }
0xc5: {  	v53 =	vld.idx.msk [tilespmem:v42+s3+$0x0], $0xffff  }
0xc6: {  	v54 =	vld.idx.msk [tilespmem:v43+s3+$0x0], $0xffff  }
0xc7: {  	v55 =	vld.idx.msk [tilespmem:v48+s3+$0x0], $0xffff;
	vm10 =	vlt.u32 v62, $0x100;
	v47 =	vshll.u32 v62, $0x7  }
0xc8: {  	v56 =	vld.idx.msk [tilespmem:v50+s3+$0x0], $0xffff;
	vm11 =	vlt.u32 v63, $0x100;
	v49 =	vshll.u32 v63, $0x7;
	v47 =	vor.u32 v0, v47  }
0xc9: {  	v57 =	vld.idx.msk [tilespmem:v52+s3+$0x0], $0xffff;
	v49 =	vor.u32 v2, v49;
	vm12 =	vlt.u32 v51, $0x100;
	v51 =	vshll.u32 v51, $0x7  }
0xca: {  	v51 =	vor.u32 v3, v51;
	vm13 =	vlt.u32 v53, $0x100;
	v53 =	vshll.u32 v53, $0x7  }
0xcb: {  	v53 =	vor.u32 v4, v53;
	vm14 =	vlt.u32 v54, $0x100;
	v54 =	vshll.u32 v54, $0x7  }
0xcc: {  	vm15 =	vlt.u32 v55, $0x100;
	v55 =	vshll.u32 v55, $0x7;
	v54 =	vor.u32 v5, v54  }
0xcd: {  	vm8 =	vlt.u32 v56, $0x100;
	v61 =	vshll.u32 v56, $0x7;
	v60 =	vor.u32 v6, v55;
	[tilespmem:v47+s19+$0x0] =	vst.idx.msk vm10, v9  }
0xce: {  	vm9 =	vlt.u32 v57, $0x100;
	v63 =	vshll.u32 v57, $0x7;
	v62 =	vor.u32 v7, v61;
	[tilespmem:v49+s19+$0x0] =	vst.idx.msk vm11, v9  }
0xcf: {  	v56 =	vor.u32 v8, v63;
	[tilespmem:v51+s19+$0x0] =	vst.idx.msk vm12, v9  }
0xd0: {  	[tilespmem:v53+s19+$0x0] =	vst.idx.msk vm13, v9  }
0xd1: {  	[tilespmem:v54+s19+$0x0] =	vst.idx.msk vm14, v9  }
0xd2: {  	[tilespmem:v60+s19+$0x0] =	vst.idx.msk vm15, v9  }
0xd3: {  	s31 =	sshrl.u32 s28, $0x3;
	[tilespmem:v62+s19+$0x0] =	vst.idx.msk vm8, v9  }
0xd4: {  	s30 =	sadd.s32 s2, s31;
	[tilespmem:v56+s19+$0x0] =	vst.idx.msk vm9, v9  }
0xd5: {  	[hbm4b:s30+s15] =	stream.strided.scatter [tilespmem:s19], [sflag:$0x1], $0x8000, s16, s15, $0x38;
	[tilespmem:$0x11C00] =	vst v63  }
0xd6: {  	_ =	swait.ge [sflag:s22], $0x7400  }
0xd7: {  	[sflag:s22] =	ssyncset.done $0x0  }
0xd8: {  	[sflag:s22] =	ssyncadd.s32 $0xFFFF8C00  }
0xd9: {  	v36 =	vld.idx.msk [tilespmem:v36+s3+$0x0], $0xffff  }
0xda: {  	v37 =	vld.idx.msk [tilespmem:v37+s3+$0x0], $0xffff  }
0xdb: {  	v39 =	vld.idx.msk [tilespmem:v39+s3+$0x0], $0xffff  }
0xdc: {  	v40 =	vld.idx.msk [tilespmem:v40+s3+$0x0], $0xffff  }
0xdd: {  	v41 =	vld.idx.msk [tilespmem:v41+s3+$0x0], $0xffff;
	_ =	sdelay $0x1  }
0xde: {  	v38 =	vld.idx.msk [tilespmem:v38+s3+$0x0], $0xffff;
	v57 =	vadd.s32 $0xFFFFFD00, v36  }
0xdf: {  	v36 =	vshll.u32 v36, $0x7;
	v58 =	vadd.s32 $0xFFFFFD00, v37;
	v37 =	vshll.u32 v37, $0x7  }
0xe0: {  	v35 =	vld.idx.msk [tilespmem:v35+s3+$0x0], $0xffff;
	v59 =	vadd.s32 $0xFFFFFD00, v39;
	v39 =	vshll.u32 v39, $0x7;
	v60 =	vadd.s32 $0xFFFFFD00, v40  }
0xe1: {  	v40 =	vshll.u32 v40, $0x7;
	v61 =	vadd.s32 $0xFFFFFD00, v41;
	vm10 =	vlt.u32 v57, $0xE8  }
0xe2: {  	v34 =	vld.idx.msk [tilespmem:v34+s3+$0x0], $0xffff;
	v41 =	vshll.u32 v41, $0x7;
	v36 =	vadd.s32 v26, v36;
	vm11 =	vlt.u32 v58, $0xE8  }
0xe3: {  	v62 =	vadd.s32 $0xFFFFFD00, v38;
	v37 =	vadd.s32 v27, v37;
	vm12 =	vlt.u32 v59, $0xE8  }
0xe4: {  	v38 =	vshll.u32 v38, $0x7;
	v39 =	vadd.s32 v28, v39;
	vm13 =	vlt.u32 v60, $0xE8  }
0xe5: {  	v63 =	vadd.s32 $0xFFFFFD00, v35;
	v40 =	vadd.s32 v29, v40;
	vm14 =	vlt.u32 v61, $0xE8  }
0xe6: {  	v35 =	vshll.u32 v35, $0x7;
	v41 =	vadd.s32 v30, v41;
	vm15 =	vlt.u32 v62, $0xE8  }
0xe7: {  	v47 =	vadd.s32 $0xFFFFFD00, v34;
	v38 =	vadd.s32 v31, v38;
	vm6 =	vlt.u32 v63, $0xE8;
	[tilespmem:v36+s20+$0x0] =	vst.idx.msk vm10, v1  }
0xe8: {  	v34 =	vshll.u32 v34, $0x7;
	v35 =	vadd.s32 v32, v35;
	vm7 =	vlt.u32 v47, $0xE8;
	[tilespmem:v37+s20+$0x0] =	vst.idx.msk vm11, v1  }
0xe9: {  	v34 =	vadd.s32 v33, v34;
	[tilespmem:v39+s20+$0x0] =	vst.idx.msk vm12, v1  }
0xea: {  	[tilespmem:v40+s20+$0x0] =	vst.idx.msk vm13, v1  }
0xeb: {  	[tilespmem:v41+s20+$0x0] =	vst.idx.msk vm14, v1  }
0xec: {  	[tilespmem:v38+s20+$0x0] =	vst.idx.msk vm15, v1  }
0xed: {  	[tilespmem:v35+s20+$0x0] =	vst.idx.msk vm6, v1  }
0xee: {  	[tilespmem:v34+s20+$0x0] =	vst.idx.msk vm7, v1  }
0xef: {  	v34 =	vld.idx.msk [tilespmem:v44+s3+$0x0], $0xffff  }
0xf0: {  	v35 =	vld.idx.msk [tilespmem:v45+s3+$0x0], $0xffff  }
0xf1: {  	v49 =	vld.idx.msk [tilespmem:v46+s3+$0x0], $0xffff  }
0xf2: {  	v37 =	vld.idx.msk [tilespmem:v42+s3+$0x0], $0xffff  }
0xf3: {  	v38 =	vld.idx.msk [tilespmem:v43+s3+$0x0], $0xffff;
	_ =	sdelay $0x1  }
0xf4: {  	v40 =	vld.idx.msk [tilespmem:v48+s3+$0x0], $0xffff;
	v51 =	vand.u32 $0xFFFFFF00, v34  }
0xf5: {  	v34 =	vshll.u32 v34, $0x7;
	v53 =	vand.u32 $0xFFFFFF00, v35;
	v35 =	vshll.u32 v35, $0x7  }
0xf6: {  	v54 =	vld.idx.msk [tilespmem:v50+s3+$0x0], $0xffff;
	v55 =	vand.u32 $0xFFFFFF00, v49;
	v36 =	vshll.u32 v49, $0x7;
	v57 =	vand.u32 $0xFFFFFF00, v37  }
0xf7: {  	v37 =	vshll.u32 v37, $0x7;
	v58 =	vand.u32 $0xFFFFFF00, v38;
	vm8 =	veq.s32 v51, $0x100  }
0xf8: {  	v56 =	vld.idx.msk [tilespmem:v52+s3+$0x0], $0xffff;
	v38 =	vshll.u32 v38, $0x7;
	v34 =	vadd.s32 v10, v34;
	vm9 =	veq.s32 v53, $0x100  }
0xf9: {  	v59 =	vand.u32 $0xFFFFFF00, v40;
	v35 =	vadd.s32 v11, v35;
	vm10 =	veq.s32 v55, $0x100  }
0xfa: {  	v40 =	vshll.u32 v40, $0x7;
	v36 =	vadd.s32 v12, v36;
	vm11 =	veq.s32 v57, $0x100  }
0xfb: {  	v60 =	vand.u32 $0xFFFFFF00, v54;
	v37 =	vadd.s32 v13, v37;
	vm12 =	veq.s32 v58, $0x100  }
0xfc: {  	v61 =	vshll.u32 v54, $0x7;
	v38 =	vadd.s32 v14, v38;
	vm13 =	veq.s32 v59, $0x100  }
0xfd: {  	v62 =	vand.u32 $0xFFFFFF00, v56;
	v40 =	vadd.s32 v15, v40;
	vm14 =	veq.s32 v60, $0x100;
	[tilespmem:v34+s20+$0x0] =	vst.idx.msk vm8, v9  }
0xfe: {  	v63 =	vshll.u32 v56, $0x7;
	vm15 =	veq.s32 v62, $0x100;
	v34 =	vadd.s32 v16, v61;
	[tilespmem:v35+s20+$0x0] =	vst.idx.msk vm9, v9  }
0xff: {  	v35 =	vadd.s32 v17, v63;
	[tilespmem:v36+s20+$0x0] =	vst.idx.msk vm10, v9  }
0x100: {  	[tilespmem:v37+s20+$0x0] =	vst.idx.msk vm11, v9  }
0x101: {  	p0 =	sne.s32 s24, $0x31;
	[tilespmem:v38+s20+$0x0] =	vst.idx.msk vm12, v9  }
.Ltmp1:
0x102: {  	[tilespmem:v40+s20+$0x0] =	vst.idx.msk vm13, v9;
	(pc) =	sbr.rel @p0 .LBB2_4-.Ltmp1, $4  }
0x103: {  	[tilespmem:v34+s20+$0x0] =	vst.idx.msk vm14, v9  }
0x104: {  	s24 =	sadd.s32 $0x1, s24;
	s28 =	sadd.s32 $0x3E8000, s28;
	[tilespmem:v35+s20+$0x0] =	vst.idx.msk vm15, v9  }
0x105: {  	[hbm4b:s29+s15] =	stream.strided.scatter [tilespmem:s20], [sflag:$0x2], $0x8000, s16, s15, $0x38;
	[tilespmem:$0x11C00] =	vst v63  }
0x106: {  	s25 =	sadd.s32 $0x7D000, s25;
	s26 =	sadd.s32 $0x7D000, s26;
	s29 =	sadd.s32 $0x7D000, s29  }
0x107: {  	v36 =	vor.u32 $0x1880, v0  }
0x108: {  	v37 =	vor.u32 $0x1890, v0  }
0x109: {  	_ =	swait.ge [sflag:s21], $0x8000;
	v39 =	vor.u32 $0x18A0, v0  }
0x10a: {  	v40 =	vor.u32 $0x18B0, v0;
	[sflag:s21] =	ssyncset.done $0x0  }
0x10b: {  	v41 =	vor.u32 $0x18C0, v0;
	[sflag:s21] =	ssyncadd.s32 $0xFFFF8000  }
0x10c: {  	v38 =	vor.u32 $0x18D0, v0;
	v42 =	vld.idx.msk [tilespmem:v36+s3+$0x0], $0xffff  }
0x10d: {  	v35 =	vor.u32 $0x18E0, v0;
	v43 =	vld.idx.msk [tilespmem:v37+s3+$0x0], $0xffff  }
0x10e: {  	v34 =	vor.u32 $0x18F0, v0;
	v44 =	vld.idx.msk [tilespmem:v39+s3+$0x0], $0xffff  }
0x10f: {  	v45 =	vld.idx.msk [tilespmem:v40+s3+$0x0], $0xffff  }
0x110: {  	v46 =	vld.idx.msk [tilespmem:v41+s3+$0x0], $0xffff  }
0x111: {  	v47 =	vld.idx.msk [tilespmem:v38+s3+$0x0], $0xffff;
	vm0 =	vlt.u32 v42, $0x100;
	v42 =	vshll.u32 v42, $0x7  }
0x112: {  	v48 =	vld.idx.msk [tilespmem:v35+s3+$0x0], $0xffff;
	vm1 =	vlt.u32 v43, $0x100;
	v43 =	vshll.u32 v43, $0x7;
	v42 =	vor.u32 v0, v42  }
0x113: {  	v49 =	vld.idx.msk [tilespmem:v34+s3+$0x0], $0xffff;
	vm2 =	vlt.u32 v44, $0x100;
	v44 =	vshll.u32 v44, $0x7;
	v43 =	vor.u32 v2, v43  }
0x114: {  	vm3 =	vlt.u32 v45, $0x100;
	v45 =	vshll.u32 v45, $0x7;
	v44 =	vor.u32 v3, v44  }
0x115: {  	vm4 =	vlt.u32 v46, $0x100;
	v46 =	vshll.u32 v46, $0x7;
	v45 =	vor.u32 v4, v45  }
0x116: {  	vm5 =	vlt.u32 v47, $0x100;
	v47 =	vshll.u32 v47, $0x7;
	v46 =	vor.u32 v5, v46  }
0x117: {  	vm8 =	vlt.u32 v48, $0x100;
	v58 =	vshll.u32 v48, $0x7;
	v57 =	vor.u32 v6, v47;
	[tilespmem:v42+s19+$0x0] =	vst.idx.msk vm0, v1  }
0x118: {  	vm9 =	vlt.u32 v49, $0x100;
	v60 =	vshll.u32 v49, $0x7;
	v59 =	vor.u32 v7, v58;
	[tilespmem:v43+s19+$0x0] =	vst.idx.msk vm1, v1  }
0x119: {  	v61 =	vor.u32 v8, v60;
	[tilespmem:v44+s19+$0x0] =	vst.idx.msk vm2, v1  }
0x11a: {  	[tilespmem:v45+s19+$0x0] =	vst.idx.msk vm3, v1  }
0x11b: {  	[tilespmem:v46+s19+$0x0] =	vst.idx.msk vm4, v1  }
0x11c: {  	[tilespmem:v57+s19+$0x0] =	vst.idx.msk vm5, v1  }
0x11d: {  	[tilespmem:v59+s19+$0x0] =	vst.idx.msk vm8, v1  }
0x11e: {  	[tilespmem:v61+s19+$0x0] =	vst.idx.msk vm9, v1  }
0x11f: {  	v42 =	vld.idx.msk [tilespmem:v36+s3+$0x0], $0xffff  }
0x120: {  	v43 =	vld.idx.msk [tilespmem:v37+s3+$0x0], $0xffff  }
0x121: {  	v44 =	vld.idx.msk [tilespmem:v39+s3+$0x0], $0xffff  }
0x122: {  	v45 =	vld.idx.msk [tilespmem:v40+s3+$0x0], $0xffff  }
0x123: {  	v46 =	vld.idx.msk [tilespmem:v41+s3+$0x0], $0xffff;
	_ =	sdelay $0x1  }
0x124: {  	v52 =	vld.idx.msk [tilespmem:v38+s3+$0x0], $0xffff;
	v62 =	vand.u32 $0xFFFFFF00, v42  }
0x125: {  	v42 =	vshll.u32 v42, $0x7;
	v63 =	vand.u32 $0xFFFFFF00, v43;
	v43 =	vshll.u32 v43, $0x7  }
0x126: {  	v53 =	vld.idx.msk [tilespmem:v35+s3+$0x0], $0xffff;
	v54 =	vand.u32 $0xFFFFFF00, v44;
	v44 =	vshll.u32 v44, $0x7;
	v55 =	vand.u32 $0xFFFFFF00, v45  }
0x127: {  	v45 =	vshll.u32 v45, $0x7;
	v56 =	vand.u32 $0xFFFFFF00, v46;
	vm10 =	veq.s32 v62, $0x200  }
0x128: {  	v50 =	vld.idx.msk [tilespmem:v34+s3+$0x0], $0xffff;
	v46 =	vshll.u32 v46, $0x7;
	v42 =	vadd.s32 v18, v42;
	vm11 =	veq.s32 v63, $0x200  }
0x129: {  	v57 =	vand.u32 $0xFFFFFF00, v52;
	v43 =	vadd.s32 v19, v43;
	vm12 =	veq.s32 v54, $0x200  }
0x12a: {  	v48 =	vshll.u32 v52, $0x7;
	v44 =	vadd.s32 v20, v44;
	vm13 =	veq.s32 v55, $0x200  }
0x12b: {  	v58 =	vand.u32 $0xFFFFFF00, v53;
	v45 =	vadd.s32 v21, v45;
	vm14 =	veq.s32 v56, $0x200  }
0x12c: {  	v59 =	vshll.u32 v53, $0x7;
	v46 =	vadd.s32 v22, v46;
	vm15 =	veq.s32 v57, $0x200  }
0x12d: {  	v60 =	vand.u32 $0xFFFFFF00, v50;
	v48 =	vadd.s32 v23, v48;
	vm8 =	veq.s32 v58, $0x200;
	[tilespmem:v42+s19+$0x0] =	vst.idx.msk vm10, v9  }
0x12e: {  	v61 =	vshll.u32 v50, $0x7;
	vm9 =	veq.s32 v60, $0x200;
	v42 =	vadd.s32 v24, v59;
	[tilespmem:v43+s19+$0x0] =	vst.idx.msk vm11, v9  }
0x12f: {  	v43 =	vadd.s32 v25, v61;
	[tilespmem:v44+s19+$0x0] =	vst.idx.msk vm12, v9  }
0x130: {  	[tilespmem:v45+s19+$0x0] =	vst.idx.msk vm13, v9  }
0x131: {  	[tilespmem:v46+s19+$0x0] =	vst.idx.msk vm14, v9  }
0x132: {  	[tilespmem:v48+s19+$0x0] =	vst.idx.msk vm15, v9  }
0x133: {  	[tilespmem:v42+s19+$0x0] =	vst.idx.msk vm8, v9  }
0x134: {  	[tilespmem:v43+s19+$0x0] =	vst.idx.msk vm9, v9  }
0x135: {  	[hbm4b:s8+s15] =	stream.strided.scatter [tilespmem:s19], [sflag:$0x1], $0x8000, s16, s15, $0x38;
	[tilespmem:$0x11C00] =	vst v63  }
0x136: {  	_ =	swait.ge [sflag:s22], $0x8000  }
0x137: {  	[sflag:s22] =	ssyncset.done $0x0  }
0x138: {  	[sflag:s22] =	ssyncadd.s32 $0xFFFF8000  }
0x139: {  	v62 =	vld.idx.msk [tilespmem:v36+s3+$0x0], $0xffff  }
0x13a: {  	v63 =	vld.idx.msk [tilespmem:v37+s3+$0x0], $0xffff  }
0x13b: {  	v52 =	vld.idx.msk [tilespmem:v39+s3+$0x0], $0xffff  }
0x13c: {  	v53 =	vld.idx.msk [tilespmem:v40+s3+$0x0], $0xffff  }
0x13d: {  	v54 =	vld.idx.msk [tilespmem:v41+s3+$0x0], $0xffff;
	_ =	sdelay $0x1  }
0x13e: {  	v57 =	vld.idx.msk [tilespmem:v38+s3+$0x0], $0xffff;
	v55 =	vand.u32 $0xFFFFFF00, v62  }
0x13f: {  	v42 =	vshll.u32 v62, $0x7;
	v56 =	vand.u32 $0xFFFFFF00, v63;
	v43 =	vshll.u32 v63, $0x7  }
0x140: {  	v58 =	vld.idx.msk [tilespmem:v35+s3+$0x0], $0xffff;
	v59 =	vand.u32 $0xFFFFFF00, v52;
	v44 =	vshll.u32 v52, $0x7;
	v61 =	vand.u32 $0xFFFFFF00, v53  }
0x141: {  	v45 =	vshll.u32 v53, $0x7;
	v62 =	vand.u32 $0xFFFFFF00, v54;
	vm10 =	veq.s32 v55, $0x100  }
0x142: {  	v60 =	vld.idx.msk [tilespmem:v34+s3+$0x0], $0xffff;
	v46 =	vshll.u32 v54, $0x7;
	v42 =	vadd.s32 v10, v42;
	vm11 =	veq.s32 v56, $0x100  }
0x143: {  	v63 =	vand.u32 $0xFFFFFF00, v57;
	v43 =	vadd.s32 v11, v43;
	vm12 =	veq.s32 v59, $0x100  }
0x144: {  	v48 =	vshll.u32 v57, $0x7;
	v44 =	vadd.s32 v12, v44;
	vm13 =	veq.s32 v61, $0x100  }
0x145: {  	v52 =	vand.u32 $0xFFFFFF00, v58;
	v45 =	vadd.s32 v13, v45;
	vm14 =	veq.s32 v62, $0x100  }
0x146: {  	v53 =	vshll.u32 v58, $0x7;
	v46 =	vadd.s32 v14, v46;
	vm15 =	veq.s32 v63, $0x100  }
0x147: {  	v54 =	vand.u32 $0xFFFFFF00, v60;
	v48 =	vadd.s32 v15, v48;
	vm6 =	veq.s32 v52, $0x100;
	[tilespmem:v42+s20+$0x0] =	vst.idx.msk vm10, v1  }
0x148: {  	vm7 =	veq.s32 v54, $0x100;
	v55 =	vshll.u32 v60, $0x7;
	v42 =	vadd.s32 v16, v53;
	[tilespmem:v43+s20+$0x0] =	vst.idx.msk vm11, v1  }
0x149: {  	v43 =	vadd.s32 v17, v55;
	[tilespmem:v44+s20+$0x0] =	vst.idx.msk vm12, v1  }
0x14a: {  	[tilespmem:v45+s20+$0x0] =	vst.idx.msk vm13, v1  }
0x14b: {  	[tilespmem:v46+s20+$0x0] =	vst.idx.msk vm14, v1  }
0x14c: {  	[tilespmem:v48+s20+$0x0] =	vst.idx.msk vm15, v1  }
0x14d: {  	[tilespmem:v42+s20+$0x0] =	vst.idx.msk vm6, v1  }
0x14e: {  	[tilespmem:v43+s20+$0x0] =	vst.idx.msk vm7, v1  }
0x14f: {  	v36 =	vld.idx.msk [tilespmem:v36+s3+$0x0], $0xffff  }
0x150: {  	v37 =	vld.idx.msk [tilespmem:v37+s3+$0x0], $0xffff  }
0x151: {  	v39 =	vld.idx.msk [tilespmem:v39+s3+$0x0], $0xffff  }
0x152: {  	v40 =	vld.idx.msk [tilespmem:v40+s3+$0x0], $0xffff  }
0x153: {  	v41 =	vld.idx.msk [tilespmem:v41+s3+$0x0], $0xffff;
	_ =	sdelay $0x1  }
0x154: {  	v38 =	vld.idx.msk [tilespmem:v38+s3+$0x0], $0xffff;
	v56 =	vadd.s32 $0xFFFFFD00, v36  }
0x155: {  	v36 =	vshll.u32 v36, $0x7;
	v57 =	vadd.s32 $0xFFFFFD00, v37;
	v37 =	vshll.u32 v37, $0x7  }
0x156: {  	v35 =	vld.idx.msk [tilespmem:v35+s3+$0x0], $0xffff;
	v58 =	vadd.s32 $0xFFFFFD00, v39;
	v39 =	vshll.u32 v39, $0x7;
	v59 =	vadd.s32 $0xFFFFFD00, v40  }
0x157: {  	v40 =	vshll.u32 v40, $0x7;
	v60 =	vadd.s32 $0xFFFFFD00, v41;
	vm8 =	vlt.u32 v56, $0xE8  }
0x158: {  	v34 =	vld.idx.msk [tilespmem:v34+s3+$0x0], $0xffff;
	v41 =	vshll.u32 v41, $0x7;
	v36 =	vadd.s32 v26, v36;
	vm9 =	vlt.u32 v57, $0xE8  }
0x159: {  	v61 =	vadd.s32 $0xFFFFFD00, v38;
	v37 =	vadd.s32 v27, v37;
	vm10 =	vlt.u32 v58, $0xE8  }
0x15a: {  	v38 =	vshll.u32 v38, $0x7;
	v39 =	vadd.s32 v28, v39;
	vm11 =	vlt.u32 v59, $0xE8  }
0x15b: {  	v62 =	vadd.s32 $0xFFFFFD00, v35;
	v40 =	vadd.s32 v29, v40;
	vm12 =	vlt.u32 v60, $0xE8  }
0x15c: {  	v35 =	vshll.u32 v35, $0x7;
	v41 =	vadd.s32 v30, v41;
	vm13 =	vlt.u32 v61, $0xE8  }
0x15d: {  	v63 =	vadd.s32 $0xFFFFFD00, v34;
	v38 =	vadd.s32 v31, v38;
	vm14 =	vlt.u32 v62, $0xE8;
	[tilespmem:v36+s20+$0x0] =	vst.idx.msk vm8, v9  }
0x15e: {  	v34 =	vshll.u32 v34, $0x7;
	v35 =	vadd.s32 v32, v35;
	vm15 =	vlt.u32 v63, $0xE8;
	[tilespmem:v37+s20+$0x0] =	vst.idx.msk vm9, v9  }
0x15f: {  	v34 =	vadd.s32 v33, v34;
	[tilespmem:v39+s20+$0x0] =	vst.idx.msk vm10, v9  }
0x160: {  	[tilespmem:v40+s20+$0x0] =	vst.idx.msk vm11, v9  }
0x161: {  	[tilespmem:v41+s20+$0x0] =	vst.idx.msk vm12, v9  }
0x162: {  	[tilespmem:v38+s20+$0x0] =	vst.idx.msk vm13, v9  }
0x163: {  	[tilespmem:v35+s20+$0x0] =	vst.idx.msk vm14, v9  }
0x164: {  	s23 =	sadd.s32 $0x1, s23;
	[tilespmem:v34+s20+$0x0] =	vst.idx.msk vm15, v9  }
0x165: {  	[hbm4b:s9+s15] =	stream.strided.scatter [tilespmem:s20], [sflag:$0x2], $0x7400, s16, s15, $0x38;
	[tilespmem:$0x11C00] =	vst v63  }
0x166: {  	p0 =	sne.s32 s23, s10;
	_ =	swait.ge [sflag:s21], $0x8000  }
.Ltmp2:
0x167: {  	[sflag:s21] =	ssyncset.done $0x0;
	(pc) =	sbr.rel @p0 .LBB2_1-.Ltmp2, $4  }
0x168: {  	[sflag:s21] =	ssyncadd.s32 $0xFFFF8000  }
0x169: {  	_ =	swait.ge [sflag:s22], $0x7400  }
0x16a: {  	[sflag:s22] =	ssyncset.done $0x0  }
0x16b: {  	[sflag:s22] =	ssyncadd.s32 $0xFFFF8C00  }
0x16c: {  	_ =	sfence.sel $0x180000  }
0x16d: {  	[bflag:$0x0] =	sbarrier.arrive $0xFFFF  }
0x16e: {  	p0 =	sne.s32 s1, $0x0;
	_ =	strace $0x90000047  }
0x16f: {  	s0 =	sadd.s32 @!p0 $0x100000, s0;
	[bflag:$0x2] =	sbarrier.arrive $0xFFFF  }
0x170: {  	[sflag:s0] =	ssyncadd.tile.s32 @!p0 $0x1;
	_ =	shalt  }
.Lfunc_end2:
_tile_overlayer_lowered:
.L_overlay_start_2:
0x171: {  	(tag) =	ssettag $0x2  }
0x172: {  	s0 =	rddreg [dreg:$0x0];
	s2 =	stileid.u32  }
0x173: {  	s1 =	rddreg [dreg:$0x1];
	p0 =	sne.s32 s2, $0x0  }
0x174: {  	s3 =	rddreg [dreg:$0x2];
	[bflag:$0x3] =	sbarrier.arrive $0xFFFF;
	s2 =	simm.s32 @!p0 $0x1C03  }
0x175: {  	[timem:s3], [sflag:s2] =	dma.local @!p0 [hbm:s0], s1  }
0x176: {  	s0 =	simm.s32 @!p0 $0x3  }
0x177: {  	_ =	swait.ge @!p0 [sflag:s0], s1  }
0x178: {  	s1 =	ssub.s32 @!p0 $0x0, s1;
	[sflag:s0] =	ssyncset.done @!p0 $0x0  }
0x179: {  	[sflag:s0] =	ssyncadd.s32 @!p0 s1  }
0x17a: {  	[bflag:$0x3] =	sbarrier.arrive $0xFFFF  }
0x17b: {  	_ =	shalt  }

</sc_bundles>
